<compile_context>
chip_gen: v7x
topology: tpu7x:2x2x1
jax: 0.10.2.dev20260603
libtpu: 0.0.44.dev20260713+nightly
codegen_flags: <defaults>
</compile_context>

<pallas_src>
import functools

import jax
import jax.numpy as jnp
from jax import lax
from jax.experimental import pallas as pl
from jax.experimental.pallas import tpu as pltpu
from jax.experimental.pallas import tpu_sc as plsc

N = 10000
NP = 10240
E = 320000
EPR = 2560
L = 100000
LPR = 832
LP = LPR * 128
NTILE = 16
RPT_OUT = NP // NTILE
NBUF = 4
GROWS = LPR // 16


def _make_agg(width, chunk):
    nrows_total = (EPR * 128) // chunk

    def body(table_hbm, srcm_hbm, dstm_hbm, zeros_hbm, out_hbm,
             s0, s1, s2, s3, d0, d1, d2, d3, b0, b1, b2, b3, acc_sh,
             g0, g1, g2, g3, i0, i1, i2, i3):
        c = lax.axis_index("c")
        s = lax.axis_index("s")
        sis = (s0, s1, s2, s3)
        dis = (d0, d1, d2, d3)
        bufs = (b0, b1, b2, b3)
        gsems = (g0, g1, g2, g3)
        isems = (i0, i1, i2, i3)
        pltpu.sync_copy(zeros_hbm, acc_sh.at[pl.ds(s * RPT_OUT, RPT_OUT)])
        base = s * (nrows_total // NTILE)

        def fire_idx(i, b):
            pltpu.async_copy(srcm_hbm.at[c].at[base + i], sis[b], isems[b])
            pltpu.async_copy(dstm_hbm.at[base + i], dis[b], isems[b])

        plsc.subcore_barrier()
        for b in range(NBUF):
            fire_idx(b, b)

        ngroups = (nrows_total // NTILE) // NBUF

        def loop(g, carry):
            base_i = g * NBUF
            for b in range(NBUF):
                pltpu.make_async_copy(srcm_hbm.at[c].at[base + base_i + b],
                                      sis[b], isems[b]).wait()
                pltpu.make_async_copy(dstm_hbm.at[base + base_i + b],
                                      dis[b], isems[b]).wait()
                pltpu.async_copy(table_hbm.at[sis[b]], bufs[b], gsems[b])
            for b in range(NBUF):
                pltpu.make_async_copy(table_hbm.at[sis[b]], bufs[b],
                                      gsems[b]).wait()
                pltpu.sync_copy(bufs[b], acc_sh.at[dis[b]], add=True)

                @pl.when(g + 1 < ngroups)
                def _():
                    fire_idx(base_i + NBUF + b, b)
            return carry

        lax.fori_loop(0, ngroups, loop, 0)
        plsc.subcore_barrier()
        pltpu.sync_copy(acc_sh.at[pl.ds(s * RPT_OUT, RPT_OUT)],
                        out_hbm.at[c].at[pl.ds(s * RPT_OUT, RPT_OUT)])

    mesh = plsc.VectorSubcoreMesh(core_axis_name="c", subcore_axis_name="s")
    return functools.partial(
        pl.kernel, mesh=mesh,
        out_type=jax.ShapeDtypeStruct((2, NP, width), jnp.float32),
        scratch_types=(
            [pltpu.VMEM((chunk,), jnp.int32)] * (2 * NBUF)
            + [pltpu.VMEM((chunk, width), jnp.float32)] * NBUF
            + [pltpu.VMEM_SHARED((NP, width), jnp.float32)]
            + [pltpu.SemaphoreType.DMA] * (2 * NBUF)
        ),
        compiler_params=pltpu.CompilerParams(use_tc_tiling_on_sc=False),
    )(body)


def _gather_labels(pcat_hbm, lidx_hbm, out_hbm,
                   idx_v, b0, b1, b2, b3, g0, g1, g2, g3, s0, s1, s2, s3):
    c = lax.axis_index("c")
    s = lax.axis_index("s")
    base = s * GROWS
    pltpu.sync_copy(lidx_hbm.at[c].at[pl.ds(base, GROWS)], idx_v)
    bufs = (b0, b1, b2, b3)
    gsems = (g0, g1, g2, g3)
    ssems = (s0, s1, s2, s3)

    def fire_gather(i, b):
        pltpu.async_copy(pcat_hbm.at[idx_v.at[i]], bufs[b], gsems[b])

    for b in range(NBUF):
        fire_gather(b, b)

    ngroups = GROWS // NBUF

    def body(g, carry):
        i0 = g * NBUF
        for b in range(NBUF):
            pltpu.make_async_copy(pcat_hbm.at[idx_v.at[i0 + b]],
                                  bufs[b], gsems[b]).wait()
            pltpu.async_copy(
                bufs[b], out_hbm.at[c].at[pl.ds((base + i0 + b) * 128, 128)],
                ssems[b])
        for b in range(NBUF):
            pltpu.make_async_copy(
                bufs[b], out_hbm.at[c].at[pl.ds((base + i0 + b) * 128, 128)],
                ssems[b]).wait()

            @pl.when(g + 1 < ngroups)
            def _():
                fire_gather(i0 + NBUF + b, b)
        return carry

    lax.fori_loop(0, ngroups, body, 0)


@functools.lru_cache(maxsize=None)
def _sc_calls():
    agg1_call = _make_agg(80, 128)
    agg2_call = _make_agg(128, 64)
    mesh = plsc.VectorSubcoreMesh(core_axis_name="c", subcore_axis_name="s")
    gather_call = functools.partial(
        pl.kernel, mesh=mesh,
        out_type=jax.ShapeDtypeStruct((2, LP, 32), jnp.float32),
        scratch_types=(
            [pltpu.VMEM((GROWS, 128), jnp.int32)]
            + [pltpu.VMEM((128, 32), jnp.float32)] * NBUF
            + [pltpu.SemaphoreType.DMA] * (2 * NBUF)
        ),
        compiler_params=pltpu.CompilerParams(use_tc_tiling_on_sc=False),
    )(_gather_labels)
    return agg1_call, agg2_call, gather_call



BN = 1024
NPB = NP // BN


def _mm1_body(agg_ref, x_ref, w1l_ref, w1r_ref, b1_ref, h1_ref, invc_ref):
    s_lo = agg_ref[0]
    s_hi = agg_ref[1][:, :48]
    cnt = agg_ref[1][:, 48:49]
    inv = 1.0 / jnp.maximum(cnt, 1.0)
    mean = jnp.concatenate([s_lo, s_hi], axis=1) * inv
    h = mean @ w1l_ref[...] + x_ref[...] @ w1r_ref[...] + b1_ref[0]
    h1_ref[...] = jnp.maximum(h, 0.0)
    invc_ref[...] = jnp.broadcast_to(inv, (BN, 128))


def _mm2_body(agg_ref, invc_ref, h1a_ref, h1b_ref, w2l_ref, w2r_ref, b2_ref,
              wm1_ref, pcat_ref):
    inv = invc_ref[:, :1]
    ma = agg_ref[0] * inv
    mb = agg_ref[1] * inv
    pre = (ma @ w2l_ref[:128] + mb @ w2l_ref[128:]
           + h1a_ref[...] @ w2r_ref[:128] + h1b_ref[...] @ w2r_ref[128:]
           + b2_ref[...])
    h2 = jnp.maximum(pre, 0.0)
    pcat_ref[...] = h2 @ wm1_ref[0]


BL = 4096
LPB = LP // BL


def _mm3_body(g_ref, attr_ref, wattr_ref, bm1_ref, wm2_ref, bm2_ref, out_ref):
    hidden = jnp.maximum(g_ref[0] + g_ref[1] + attr_ref[...] @ wattr_ref[...]
                         + bm1_ref[...], 0.0)
    out_ref[...] = hidden @ wm2_ref[...] + bm2_ref[...]



def kernel(x, edge_index, edge_attr, edge_label_index, edge_label_attr,
           W1l, b1, W1r, W2l, b2, W2r, Wm1, bm1, Wm2, bm2):
    f32 = jnp.float32
    src = edge_index[0]
    dst = edge_index[1]

    rowpad = jnp.zeros((NP - N, 80), f32)
    xa = jnp.concatenate([x[:, :80], rowpad], axis=0)
    xb = jnp.concatenate([
        jnp.concatenate([x[:, 80:], jnp.ones((N, 1), f32),
                         jnp.zeros((N, 31), f32)], axis=1),
        rowpad], axis=0)
    xcat = jnp.concatenate([xa, xb], axis=0)
    xp = jnp.concatenate([x, jnp.zeros((NP - N, 128), f32)], axis=0)

    EP = EPR * 128
    srcp = jnp.concatenate([src, jnp.zeros((EP - E,), jnp.int32)])
    dstp = jnp.concatenate([dst, jnp.full((EP - E,), N, jnp.int32)])
    srcm2 = jnp.stack([srcp, srcp + NP]).reshape(2, EPR, 128)
    dstm = dstp.reshape(EPR, 128)
    srcm2_64 = srcm2.reshape(2, EPR * 2, 64)
    dstm_64 = dstp.reshape(EPR * 2, 64)

    sl = edge_label_index[:, 0]
    dl = edge_label_index[:, 1]
    slp = jnp.concatenate([sl, jnp.zeros((LP - L,), jnp.int32)]).reshape(LPR, 128)
    dlp = jnp.concatenate([dl, jnp.zeros((LP - L,), jnp.int32)]).reshape(LPR, 128)
    lidx = jnp.stack([slp, dlp + NP])

    attrp = jnp.concatenate(
        [edge_label_attr, jnp.zeros((LP - L, 16), f32)], axis=0)

    z80 = jnp.zeros((RPT_OUT, 80), f32)
    z128 = jnp.zeros((RPT_OUT, 128), f32)

    b1m = b1.reshape(2, 1, 128)
    b2m = b2.reshape(1, 256)
    wm1sd = jnp.stack([Wm1[:256], Wm1[256:512]])
    wattr = Wm1[512:]
    bm1m = bm1.reshape(1, 32)
    bm2m = bm2.reshape(1, 2)

    agg1_call, agg2_call, gather_call = _sc_calls()

    agg1 = agg1_call(xcat, srcm2, dstm, z80)

    h1cat, invc = pl.pallas_call(
        _mm1_body,
        grid=(2, NPB),
        in_specs=[
            pl.BlockSpec((2, BN, 80), lambda j, i: (0, i, 0)),
            pl.BlockSpec((BN, 128), lambda j, i: (i, 0)),
            pl.BlockSpec((128, 128), lambda j, i: (0, j)),
            pl.BlockSpec((128, 128), lambda j, i: (0, j)),
            pl.BlockSpec((1, 1, 128), lambda j, i: (j, 0, 0)),
        ],
        out_specs=[
            pl.BlockSpec((BN, 128), lambda j, i: (j * NPB + i, 0)),
            pl.BlockSpec((BN, 128), lambda j, i: (i, 0)),
        ],
        out_shape=[
            jax.ShapeDtypeStruct((2 * NP, 128), f32),
            jax.ShapeDtypeStruct((NP, 128), f32),
        ],
    )(agg1, xp, W1l, W1r, b1m)

    agg2 = agg2_call(h1cat, srcm2_64, dstm_64, z128)

    pcat = pl.pallas_call(
        _mm2_body,
        grid=(2, NPB),
        in_specs=[
            pl.BlockSpec((2, BN, 128), lambda j, i: (0, i, 0)),
            pl.BlockSpec((BN, 128), lambda j, i: (i, 0)),
            pl.BlockSpec((BN, 128), lambda j, i: (i, 0)),
            pl.BlockSpec((BN, 128), lambda j, i: (NPB + i, 0)),
            pl.BlockSpec((256, 256), lambda j, i: (0, 0)),
            pl.BlockSpec((256, 256), lambda j, i: (0, 0)),
            pl.BlockSpec((1, 256), lambda j, i: (0, 0)),
            pl.BlockSpec((1, 256, 32), lambda j, i: (j, 0, 0)),
        ],
        out_specs=pl.BlockSpec((BN, 32), lambda j, i: (j * NPB + i, 0)),
        out_shape=jax.ShapeDtypeStruct((2 * NP, 32), f32),
    )(agg2, invc, h1cat, h1cat, W2l, W2r, b2m, wm1sd)

    g = gather_call(pcat, lidx)

    outp = pl.pallas_call(
        _mm3_body,
        grid=(LPB,),
        in_specs=[
            pl.BlockSpec((2, BL, 32), lambda i: (0, i, 0)),
            pl.BlockSpec((BL, 16), lambda i: (i, 0)),
            pl.BlockSpec((16, 32), lambda i: (0, 0)),
            pl.BlockSpec((1, 32), lambda i: (0, 0)),
            pl.BlockSpec((32, 2), lambda i: (0, 0)),
            pl.BlockSpec((1, 2), lambda i: (0, 0)),
        ],
        out_specs=pl.BlockSpec((BL, 2), lambda i: (i, 0)),
        out_shape=jax.ShapeDtypeStruct((LP, 2), f32),
    )(g, attrp, wattr, bm1m, Wm2, bm2m)

    return outp[:L]

# --- scband reference (transcript-rebuilt; emitter-appended) ---
"""Pipeline reference for scband-edge-predictor-31138512896411 (READ-ONLY COPY).

The authoritative reference and input builder live on the scoring server;
editing this copy changes nothing except your own understanding.
"""

import jax, jax.numpy as jnp
import numpy as np

N = 10000
E = 320000
L = 100000
DIN = 128
H = 256
DE = 16
C = 2


def setup_inputs(seed: int = 0) -> dict:
    key = jax.random.key(seed)
    ks = jax.random.split(key, 16)
    x = jax.random.normal(ks[0], (N, DIN), dtype=jnp.float32)
    edge_index = jax.random.randint(ks[1], (2, E), 0, N, dtype=jnp.int32)
    edge_attr = jax.random.normal(ks[2], (E, DE), dtype=jnp.float32)
    edge_label_index = jax.random.randint(ks[3], (L, 2), 0, N, dtype=jnp.int32)
    edge_label_attr = jax.random.normal(ks[4], (L, DE), dtype=jnp.float32)
    s = 0.05
    W1l = jax.random.normal(ks[5], (DIN, H), dtype=jnp.float32) * s
    b1 = jnp.zeros((H,), dtype=jnp.float32)
    W1r = jax.random.normal(ks[6], (DIN, H), dtype=jnp.float32) * s
    W2l = jax.random.normal(ks[7], (H, H), dtype=jnp.float32) * s
    b2 = jnp.zeros((H,), dtype=jnp.float32)
    W2r = jax.random.normal(ks[8], (H, H), dtype=jnp.float32) * s
    Wm1 = jax.random.normal(ks[9], (2 * H + DE, 32), dtype=jnp.float32) * s
    bm1 = jnp.zeros((32,), dtype=jnp.float32)
    Wm2 = jax.random.normal(ks[10], (32, C), dtype=jnp.float32) * s
    bm2 = jnp.zeros((C,), dtype=jnp.float32)
    return {
        "x": x, "edge_index": edge_index, "edge_attr": edge_attr,
        "edge_label_index": edge_label_index, "edge_label_attr": edge_label_attr,
        "W1l": W1l, "b1": b1, "W1r": W1r,
        "W2l": W2l, "b2": b2, "W2r": W2r,
        "Wm1": Wm1, "bm1": bm1, "Wm2": Wm2, "bm2": bm2,
    }


def _sage_conv(h, src, dst, Wl, b, Wr, num_nodes):
    # PyG SAGEConv (mean aggregation): out = lin_l(mean_{j->i} h_j) + lin_r(h_i)
    msgs = h[src]
    agg = jax.ops.segment_sum(msgs, dst, num_segments=num_nodes)
    cnt = jax.ops.segment_sum(jnp.ones((src.shape[0], 1), h.dtype), dst, num_segments=num_nodes)
    mean = agg / jnp.clip(cnt, 1.0)
    return mean @ Wl + b + h @ Wr


def reference(x, edge_index, edge_attr, edge_label_index, edge_label_attr,
              W1l, b1, W1r, W2l, b2, W2r, Wm1, bm1, Wm2, bm2):
    src = edge_index[0]
    dst = edge_index[1]
    n = x.shape[0]
    h = jax.nn.relu(_sage_conv(x, src, dst, W1l, b1, W1r, n))
    h = jax.nn.relu(_sage_conv(h, src, dst, W2l, b2, W2r, n))
    e_src = h[edge_label_index[:, 0]]
    e_dst = h[edge_label_index[:, 1]]
    edge_emb = jnp.concatenate([e_src, e_dst], axis=1)
    feats = jnp.concatenate([edge_emb, edge_label_attr], axis=1)
    hidden = jax.nn.relu(feats @ Wm1 + bm1)
    out = hidden @ Wm2 + bm2
    return out

if __name__ == "__main__":
    import jax
    _d = setup_inputs()
    print(jax.jit(kernel)(*tuple(_d.values())))

</pallas_src>

<mosaic_0001>
#map = affine_map<(d0, d1) -> (0, 0)>
#map1 = affine_map<(d0, d1) -> (0, 0, 0)>
module attributes {stable_mosaic.version = 14 : i64} {
  func.func @_gather_labels(%arg0: i32, %arg1: i32, %arg2: memref<20480x32xf32, #tpu.memory_space<hbm>>, %arg3: memref<2x832x128xi32, #tpu.memory_space<hbm>>, %arg4: memref<2x106496x32xf32, #tpu.memory_space<hbm>>, %arg5: memref<52x128xi32, #tpu.memory_space<vmem>>, %arg6: memref<128x32xf32, #tpu.memory_space<vmem>>, %arg7: memref<128x32xf32, #tpu.memory_space<vmem>>, %arg8: memref<128x32xf32, #tpu.memory_space<vmem>>, %arg9: memref<128x32xf32, #tpu.memory_space<vmem>>, %arg10: memref<!tpu.dma_semaphore, #tpu.memory_space<semaphore_mem>>, %arg11: memref<!tpu.dma_semaphore, #tpu.memory_space<semaphore_mem>>, %arg12: memref<!tpu.dma_semaphore, #tpu.memory_space<semaphore_mem>>, %arg13: memref<!tpu.dma_semaphore, #tpu.memory_space<semaphore_mem>>, %arg14: memref<!tpu.dma_semaphore, #tpu.memory_space<semaphore_mem>>, %arg15: memref<!tpu.dma_semaphore, #tpu.memory_space<semaphore_mem>>, %arg16: memref<!tpu.dma_semaphore, #tpu.memory_space<semaphore_mem>>, %arg17: memref<!tpu.dma_semaphore, #tpu.memory_space<semaphore_mem>>) attributes {dimension_semantics = [#tpu.dimension_semantics<core_parallel>, #tpu.dimension_semantics<subcore_parallel>], iteration_bounds = array<i64: 2, 16>, scalar_prefetch = 0 : i64, scratch_operands = 13 : i64, tpu.core_type = #tpu.core_type<sc_vector_subcore>, window_params = [{transform_indices = #map}, {transform_indices = #map1}, {transform_indices = #map1}]} {
    %mul3A = arith.constant 52 : i32
    %mul3A_0 = arith.muli %arg1, %mul3A : i32
    "tpu.region"() ({
      %run_scoped3A = tpu.sem_alloc : memref<!tpu.dma_semaphore, #tpu.memory_space<semaphore_mem>>
      %dma_start3A_33 = arith.constant 0 : i32
      %dma_start3A_34 = arith.constant 0 : i32
      %dma_start3A_35 = tpu.memref_slice %arg3[%arg0, %dma_start3A_33, %dma_start3A_34] : memref<2x832x128xi32, #tpu.memory_space<hbm>> -> memref<1x832x128xi32, #tpu.memory_space<hbm>>
      %dma_start3A_36 = tpu.memref_squeeze %dma_start3A_35 : memref<1x832x128xi32, #tpu.memory_space<hbm>> -> memref<832x128xi32, #tpu.memory_space<hbm>>
      %dma_start3A_37 = arith.constant 0 : i32
      %dma_start3A_38 = tpu.memref_slice %dma_start3A_36[%mul3A_0, %dma_start3A_37] : memref<832x128xi32, #tpu.memory_space<hbm>> -> memref<52x128xi32, #tpu.memory_space<hbm>>
      %dma_start3A_39 = arith.constant 0 : i32
      %dma_start3A_40 = arith.constant 0 : i32
      %dma_start3A_41 = tpu.memref_slice %arg3[%arg0, %dma_start3A_39, %dma_start3A_40] : memref<2x832x128xi32, #tpu.memory_space<hbm>> -> memref<1x832x128xi32, #tpu.memory_space<hbm>>
      %dma_start3A_42 = tpu.memref_squeeze %dma_start3A_41 : memref<1x832x128xi32, #tpu.memory_space<hbm>> -> memref<832x128xi32, #tpu.memory_space<hbm>>
      %dma_start3A_43 = arith.constant 0 : i32
      %dma_start3A_44 = tpu.memref_slice %dma_start3A_42[%mul3A_0, %dma_start3A_43] : memref<832x128xi32, #tpu.memory_space<hbm>> -> memref<52x128xi32, #tpu.memory_space<hbm>>
      tpu.enqueue_dma source(%dma_start3A_44 : memref<52x128xi32, #tpu.memory_space<hbm>>) target(%arg5 : memref<52x128xi32, #tpu.memory_space<vmem>>) target_semaphore(%run_scoped3A : memref<!tpu.dma_semaphore, #tpu.memory_space<semaphore_mem>>)
      %dma_wait3A = arith.constant 0 : i32
      %dma_wait3A_45 = arith.constant 0 : i32
      %dma_wait3A_46 = tpu.memref_slice %arg3[%arg0, %dma_wait3A, %dma_wait3A_45] : memref<2x832x128xi32, #tpu.memory_space<hbm>> -> memref<1x832x128xi32, #tpu.memory_space<hbm>>
      %dma_wait3A_47 = tpu.memref_squeeze %dma_wait3A_46 : memref<1x832x128xi32, #tpu.memory_space<hbm>> -> memref<832x128xi32, #tpu.memory_space<hbm>>
      %dma_wait3A_48 = arith.constant 0 : i32
      %dma_wait3A_49 = tpu.memref_slice %dma_wait3A_47[%mul3A_0, %dma_wait3A_48] : memref<832x128xi32, #tpu.memory_space<hbm>> -> memref<52x128xi32, #tpu.memory_space<hbm>>
      %dma_wait3A_50 = arith.constant 0 : i32
      %dma_wait3A_51 = arith.constant 0 : i32
      %dma_wait3A_52 = tpu.memref_slice %arg3[%arg0, %dma_wait3A_50, %dma_wait3A_51] : memref<2x832x128xi32, #tpu.memory_space<hbm>> -> memref<1x832x128xi32, #tpu.memory_space<hbm>>
      %dma_wait3A_53 = tpu.memref_squeeze %dma_wait3A_52 : memref<1x832x128xi32, #tpu.memory_space<hbm>> -> memref<832x128xi32, #tpu.memory_space<hbm>>
      %dma_wait3A_54 = arith.constant 0 : i32
      %dma_wait3A_55 = tpu.memref_slice %dma_wait3A_53[%mul3A_0, %dma_wait3A_54] : memref<832x128xi32, #tpu.memory_space<hbm>> -> memref<52x128xi32, #tpu.memory_space<hbm>>
      tpu.wait_dma2 semaphore(%run_scoped3A : memref<!tpu.dma_semaphore, #tpu.memory_space<semaphore_mem>>) src(%dma_wait3A_55 : memref<52x128xi32, #tpu.memory_space<hbm>>) dst(%arg5 : memref<52x128xi32, #tpu.memory_space<vmem>>)
      tpu.yield
    }) : () -> ()
    %dma_start3A = arith.constant 0 : i32
    %dma_start3A_1 = arith.constant 0 : i32
    %dma_start3A_2 = tpu.memref_slice %arg5[%dma_start3A, %dma_start3A_1] : memref<52x128xi32, #tpu.memory_space<vmem>> -> memref<1x128xi32, #tpu.memory_space<vmem>>
    %dma_start3A_3 = tpu.memref_squeeze %dma_start3A_2 : memref<1x128xi32, #tpu.memory_space<vmem>> -> memref<128xi32, #tpu.memory_space<vmem>>
    %dma_start3A_4 = arith.constant 0 : i32
    %dma_start3A_5 = arith.constant 0 : i32
    %dma_start3A_6 = tpu.memref_slice %arg2[%dma_start3A_4, %dma_start3A_5] : memref<20480x32xf32, #tpu.memory_space<hbm>> -> memref<20480x32xf32, #tpu.memory_space<hbm>>
    tpu.enqueue_indirect_dma source(%dma_start3A_6 : memref<20480x32xf32, #tpu.memory_space<hbm>>) target(%arg6 : memref<128x32xf32, #tpu.memory_space<vmem>>) offsets(%dma_start3A_3 : memref<128xi32, #tpu.memory_space<vmem>>) semaphore(%arg10 : memref<!tpu.dma_semaphore, #tpu.memory_space<semaphore_mem>>)
    %dma_start3A_7 = arith.constant 1 : i32
    %dma_start3A_8 = arith.constant 0 : i32
    %dma_start3A_9 = tpu.memref_slice %arg5[%dma_start3A_7, %dma_start3A_8] : memref<52x128xi32, #tpu.memory_space<vmem>> -> memref<1x128xi32, #tpu.memory_space<vmem>>
    %dma_start3A_10 = tpu.memref_squeeze %dma_start3A_9 : memref<1x128xi32, #tpu.memory_space<vmem>> -> memref<128xi32, #tpu.memory_space<vmem>>
    %dma_start3A_11 = arith.constant 0 : i32
    %dma_start3A_12 = arith.constant 0 : i32
    %dma_start3A_13 = tpu.memref_slice %arg2[%dma_start3A_11, %dma_start3A_12] : memref<20480x32xf32, #tpu.memory_space<hbm>> -> memref<20480x32xf32, #tpu.memory_space<hbm>>
    tpu.enqueue_indirect_dma source(%dma_start3A_13 : memref<20480x32xf32, #tpu.memory_space<hbm>>) target(%arg7 : memref<128x32xf32, #tpu.memory_space<vmem>>) offsets(%dma_start3A_10 : memref<128xi32, #tpu.memory_space<vmem>>) semaphore(%arg11 : memref<!tpu.dma_semaphore, #tpu.memory_space<semaphore_mem>>)
    %dma_start3A_14 = arith.constant 2 : i32
    %dma_start3A_15 = arith.constant 0 : i32
    %dma_start3A_16 = tpu.memref_slice %arg5[%dma_start3A_14, %dma_start3A_15] : memref<52x128xi32, #tpu.memory_space<vmem>> -> memref<1x128xi32, #tpu.memory_space<vmem>>
    %dma_start3A_17 = tpu.memref_squeeze %dma_start3A_16 : memref<1x128xi32, #tpu.memory_space<vmem>> -> memref<128xi32, #tpu.memory_space<vmem>>
    %dma_start3A_18 = arith.constant 0 : i32
    %dma_start3A_19 = arith.constant 0 : i32
    %dma_start3A_20 = tpu.memref_slice %arg2[%dma_start3A_18, %dma_start3A_19] : memref<20480x32xf32, #tpu.memory_space<hbm>> -> memref<20480x32xf32, #tpu.memory_space<hbm>>
    tpu.enqueue_indirect_dma source(%dma_start3A_20 : memref<20480x32xf32, #tpu.memory_space<hbm>>) target(%arg8 : memref<128x32xf32, #tpu.memory_space<vmem>>) offsets(%dma_start3A_17 : memref<128xi32, #tpu.memory_space<vmem>>) semaphore(%arg12 : memref<!tpu.dma_semaphore, #tpu.memory_space<semaphore_mem>>)
    %dma_start3A_21 = arith.constant 3 : i32
    %dma_start3A_22 = arith.constant 0 : i32
    %dma_start3A_23 = tpu.memref_slice %arg5[%dma_start3A_21, %dma_start3A_22] : memref<52x128xi32, #tpu.memory_space<vmem>> -> memref<1x128xi32, #tpu.memory_space<vmem>>
    %dma_start3A_24 = tpu.memref_squeeze %dma_start3A_23 : memref<1x128xi32, #tpu.memory_space<vmem>> -> memref<128xi32, #tpu.memory_space<vmem>>
    %dma_start3A_25 = arith.constant 0 : i32
    %dma_start3A_26 = arith.constant 0 : i32
    %dma_start3A_27 = tpu.memref_slice %arg2[%dma_start3A_25, %dma_start3A_26] : memref<20480x32xf32, #tpu.memory_space<hbm>> -> memref<20480x32xf32, #tpu.memory_space<hbm>>
    tpu.enqueue_indirect_dma source(%dma_start3A_27 : memref<20480x32xf32, #tpu.memory_space<hbm>>) target(%arg9 : memref<128x32xf32, #tpu.memory_space<vmem>>) offsets(%dma_start3A_24 : memref<128xi32, #tpu.memory_space<vmem>>) semaphore(%arg13 : memref<!tpu.dma_semaphore, #tpu.memory_space<semaphore_mem>>)
    %scan3A = arith.constant 0 : i32
    %scan3A_28 = arith.constant 0 : i32
    %scan3A_29 = arith.constant 13 : i32
    %scan3A_30 = arith.addi %scan3A_28, %scan3A_29 : i32
    %scan3A_31 = arith.constant 1 : i32
    scf.for %scan3A_33 = %scan3A_28 to %scan3A_30 step %scan3A_31  : i32 {
      %mul3A_34 = arith.constant 4 : i32
      %mul3A_35 = arith.muli %scan3A_33, %mul3A_34 : i32
      %add3A = arith.constant 0 : i32
      %add3A_36 = arith.addi %mul3A_35, %add3A : i32
      %dma_wait3A = arith.constant 0 : i32
      %dma_wait3A_37 = tpu.memref_slice %arg5[%add3A_36, %dma_wait3A] : memref<52x128xi32, #tpu.memory_space<vmem>> -> memref<1x128xi32, #tpu.memory_space<vmem>>
      %dma_wait3A_38 = tpu.memref_squeeze %dma_wait3A_37 : memref<1x128xi32, #tpu.memory_space<vmem>> -> memref<128xi32, #tpu.memory_space<vmem>>
      %dma_wait3A_39 = arith.constant 0 : i32
      %dma_wait3A_40 = arith.constant 0 : i32
      %dma_wait3A_41 = tpu.memref_slice %arg2[%dma_wait3A_39, %dma_wait3A_40] : memref<20480x32xf32, #tpu.memory_space<hbm>> -> memref<20480x32xf32, #tpu.memory_space<hbm>>
      tpu.wait_indirect_dma semaphore(%arg10 : memref<!tpu.dma_semaphore, #tpu.memory_space<semaphore_mem>>) src(%dma_wait3A_41 : memref<20480x32xf32, #tpu.memory_space<hbm>>) dst(%arg6 : memref<128x32xf32, #tpu.memory_space<vmem>>)
      %add3A_42 = arith.addi %mul3A_0, %mul3A_35 : i32
      %add3A_43 = arith.constant 0 : i32
      %add3A_44 = arith.addi %add3A_42, %add3A_43 : i32
      %mul3A_45 = arith.constant 128 : i32
      %mul3A_46 = arith.muli %add3A_44, %mul3A_45 : i32
      %dma_start3A_47 = arith.constant 0 : i32
      %dma_start3A_48 = arith.constant 0 : i32
      %dma_start3A_49 = tpu.memref_slice %arg4[%arg0, %dma_start3A_47, %dma_start3A_48] : memref<2x106496x32xf32, #tpu.memory_space<hbm>> -> memref<1x106496x32xf32, #tpu.memory_space<hbm>>
      %dma_start3A_50 = tpu.memref_squeeze %dma_start3A_49 : memref<1x106496x32xf32, #tpu.memory_space<hbm>> -> memref<106496x32xf32, #tpu.memory_space<hbm>>
      %dma_start3A_51 = arith.constant 0 : i32
      %dma_start3A_52 = tpu.memref_slice %dma_start3A_50[%mul3A_46, %dma_start3A_51] : memref<106496x32xf32, #tpu.memory_space<hbm>> -> memref<128x32xf32, #tpu.memory_space<hbm>>
      %dma_start3A_53 = arith.constant 0 : i32
      %dma_start3A_54 = arith.constant 0 : i32
      %dma_start3A_55 = tpu.memref_slice %arg4[%arg0, %dma_start3A_53, %dma_start3A_54] : memref<2x106496x32xf32, #tpu.memory_space<hbm>> -> memref<1x106496x32xf32, #tpu.memory_space<hbm>>
      %dma_start3A_56 = tpu.memref_squeeze %dma_start3A_55 : memref<1x106496x32xf32, #tpu.memory_space<hbm>> -> memref<106496x32xf32, #tpu.memory_space<hbm>>
      %dma_start3A_57 = arith.constant 0 : i32
      %dma_start3A_58 = tpu.memref_slice %dma_start3A_56[%mul3A_46, %dma_start3A_57] : memref<106496x32xf32, #tpu.memory_space<hbm>> -> memref<128x32xf32, #tpu.memory_space<hbm>>
      tpu.enqueue_dma source(%arg6 : memref<128x32xf32, #tpu.memory_space<vmem>>) target(%dma_start3A_58 : memref<128x32xf32, #tpu.memory_space<hbm>>) target_semaphore(%arg14 : memref<!tpu.dma_semaphore, #tpu.memory_space<semaphore_mem>>)
      %add3A_59 = arith.constant 1 : i32
      %add3A_60 = arith.addi %mul3A_35, %add3A_59 : i32
      %dma_wait3A_61 = arith.constant 0 : i32
      %dma_wait3A_62 = tpu.memref_slice %arg5[%add3A_60, %dma_wait3A_61] : memref<52x128xi32, #tpu.memory_space<vmem>> -> memref<1x128xi32, #tpu.memory_space<vmem>>
      %dma_wait3A_63 = tpu.memref_squeeze %dma_wait3A_62 : memref<1x128xi32, #tpu.memory_space<vmem>> -> memref<128xi32, #tpu.memory_space<vmem>>
      %dma_wait3A_64 = arith.constant 0 : i32
      %dma_wait3A_65 = arith.constant 0 : i32
      %dma_wait3A_66 = tpu.memref_slice %arg2[%dma_wait3A_64, %dma_wait3A_65] : memref<20480x32xf32, #tpu.memory_space<hbm>> -> memref<20480x32xf32, #tpu.memory_space<hbm>>
      tpu.wait_indirect_dma semaphore(%arg11 : memref<!tpu.dma_semaphore, #tpu.memory_space<semaphore_mem>>) src(%dma_wait3A_66 : memref<20480x32xf32, #tpu.memory_space<hbm>>) dst(%arg7 : memref<128x32xf32, #tpu.memory_space<vmem>>)
      %add3A_67 = arith.addi %mul3A_0, %mul3A_35 : i32
      %add3A_68 = arith.constant 1 : i32
      %add3A_69 = arith.addi %add3A_67, %add3A_68 : i32
      %mul3A_70 = arith.constant 128 : i32
      %mul3A_71 = arith.muli %add3A_69, %mul3A_70 : i32
      %dma_start3A_72 = arith.constant 0 : i32
      %dma_start3A_73 = arith.constant 0 : i32
      %dma_start3A_74 = tpu.memref_slice %arg4[%arg0, %dma_start3A_72, %dma_start3A_73] : memref<2x106496x32xf32, #tpu.memory_space<hbm>> -> memref<1x106496x32xf32, #tpu.memory_space<hbm>>
      %dma_start3A_75 = tpu.memref_squeeze %dma_start3A_74 : memref<1x106496x32xf32, #tpu.memory_space<hbm>> -> memref<106496x32xf32, #tpu.memory_space<hbm>>
      %dma_start3A_76 = arith.constant 0 : i32
      %dma_start3A_77 = tpu.memref_slice %dma_start3A_75[%mul3A_71, %dma_start3A_76] : memref<106496x32xf32, #tpu.memory_space<hbm>> -> memref<128x32xf32, #tpu.memory_space<hbm>>
      %dma_start3A_78 = arith.constant 0 : i32
      %dma_start3A_79 = arith.constant 0 : i32
      %dma_start3A_80 = tpu.memref_slice %arg4[%arg0, %dma_start3A_78, %dma_start3A_79] : memref<2x106496x32xf32, #tpu.memory_space<hbm>> -> memref<1x106496x32xf32, #tpu.memory_space<hbm>>
      %dma_start3A_81 = tpu.memref_squeeze %dma_start3A_80 : memref<1x106496x32xf32, #tpu.memory_space<hbm>> -> memref<106496x32xf32, #tpu.memory_space<hbm>>
      %dma_start3A_82 = arith.constant 0 : i32
      %dma_start3A_83 = tpu.memref_slice %dma_start3A_81[%mul3A_71, %dma_start3A_82] : memref<106496x32xf32, #tpu.memory_space<hbm>> -> memref<128x32xf32, #tpu.memory_space<hbm>>
      tpu.enqueue_dma source(%arg7 : memref<128x32xf32, #tpu.memory_space<vmem>>) target(%dma_start3A_83 : memref<128x32xf32, #tpu.memory_space<hbm>>) target_semaphore(%arg15 : memref<!tpu.dma_semaphore, #tpu.memory_space<semaphore_mem>>)
      %add3A_84 = arith.constant 2 : i32
      %add3A_85 = arith.addi %mul3A_35, %add3A_84 : i32
      %dma_wait3A_86 = arith.constant 0 : i32
      %dma_wait3A_87 = tpu.memref_slice %arg5[%add3A_85, %dma_wait3A_86] : memref<52x128xi32, #tpu.memory_space<vmem>> -> memref<1x128xi32, #tpu.memory_space<vmem>>
      %dma_wait3A_88 = tpu.memref_squeeze %dma_wait3A_87 : memref<1x128xi32, #tpu.memory_space<vmem>> -> memref<128xi32, #tpu.memory_space<vmem>>
      %dma_wait3A_89 = arith.constant 0 : i32
      %dma_wait3A_90 = arith.constant 0 : i32
      %dma_wait3A_91 = tpu.memref_slice %arg2[%dma_wait3A_89, %dma_wait3A_90] : memref<20480x32xf32, #tpu.memory_space<hbm>> -> memref<20480x32xf32, #tpu.memory_space<hbm>>
      tpu.wait_indirect_dma semaphore(%arg12 : memref<!tpu.dma_semaphore, #tpu.memory_space<semaphore_mem>>) src(%dma_wait3A_91 : memref<20480x32xf32, #tpu.memory_space<hbm>>) dst(%arg8 : memref<128x32xf32, #tpu.memory_space<vmem>>)
      %add3A_92 = arith.addi %mul3A_0, %mul3A_35 : i32
      %add3A_93 = arith.constant 2 : i32
      %add3A_94 = arith.addi %add3A_92, %add3A_93 : i32
      %mul3A_95 = arith.constant 128 : i32
      %mul3A_96 = arith.muli %add3A_94, %mul3A_95 : i32
      %dma_start3A_97 = arith.constant 0 : i32
      %dma_start3A_98 = arith.constant 0 : i32
      %dma_start3A_99 = tpu.memref_slice %arg4[%arg0, %dma_start3A_97, %dma_start3A_98] : memref<2x106496x32xf32, #tpu.memory_space<hbm>> -> memref<1x106496x32xf32, #tpu.memory_space<hbm>>
      %dma_start3A_100 = tpu.memref_squeeze %dma_start3A_99 : memref<1x106496x32xf32, #tpu.memory_space<hbm>> -> memref<106496x32xf32, #tpu.memory_space<hbm>>
      %dma_start3A_101 = arith.constant 0 : i32
      %dma_start3A_102 = tpu.memref_slice %dma_start3A_100[%mul3A_96, %dma_start3A_101] : memref<106496x32xf32, #tpu.memory_space<hbm>> -> memref<128x32xf32, #tpu.memory_space<hbm>>
      %dma_start3A_103 = arith.constant 0 : i32
      %dma_start3A_104 = arith.constant 0 : i32
      %dma_start3A_105 = tpu.memref_slice %arg4[%arg0, %dma_start3A_103, %dma_start3A_104] : memref<2x106496x32xf32, #tpu.memory_space<hbm>> -> memref<1x106496x32xf32, #tpu.memory_space<hbm>>
      %dma_start3A_106 = tpu.memref_squeeze %dma_start3A_105 : memref<1x106496x32xf32, #tpu.memory_space<hbm>> -> memref<106496x32xf32, #tpu.memory_space<hbm>>
      %dma_start3A_107 = arith.constant 0 : i32
      %dma_start3A_108 = tpu.memref_slice %dma_start3A_106[%mul3A_96, %dma_start3A_107] : memref<106496x32xf32, #tpu.memory_space<hbm>> -> memref<128x32xf32, #tpu.memory_space<hbm>>
      tpu.enqueue_dma source(%arg8 : memref<128x32xf32, #tpu.memory_space<vmem>>) target(%dma_start3A_108 : memref<128x32xf32, #tpu.memory_space<hbm>>) target_semaphore(%arg16 : memref<!tpu.dma_semaphore, #tpu.memory_space<semaphore_mem>>)
      %add3A_109 = arith.constant 3 : i32
      %add3A_110 = arith.addi %mul3A_35, %add3A_109 : i32
      %dma_wait3A_111 = arith.constant 0 : i32
      %dma_wait3A_112 = tpu.memref_slice %arg5[%add3A_110, %dma_wait3A_111] : memref<52x128xi32, #tpu.memory_space<vmem>> -> memref<1x128xi32, #tpu.memory_space<vmem>>
      %dma_wait3A_113 = tpu.memref_squeeze %dma_wait3A_112 : memref<1x128xi32, #tpu.memory_space<vmem>> -> memref<128xi32, #tpu.memory_space<vmem>>
      %dma_wait3A_114 = arith.constant 0 : i32
      %dma_wait3A_115 = arith.constant 0 : i32
      %dma_wait3A_116 = tpu.memref_slice %arg2[%dma_wait3A_114, %dma_wait3A_115] : memref<20480x32xf32, #tpu.memory_space<hbm>> -> memref<20480x32xf32, #tpu.memory_space<hbm>>
      tpu.wait_indirect_dma semaphore(%arg13 : memref<!tpu.dma_semaphore, #tpu.memory_space<semaphore_mem>>) src(%dma_wait3A_116 : memref<20480x32xf32, #tpu.memory_space<hbm>>) dst(%arg9 : memref<128x32xf32, #tpu.memory_space<vmem>>)
      %add3A_117 = arith.addi %mul3A_0, %mul3A_35 : i32
      %add3A_118 = arith.constant 3 : i32
      %add3A_119 = arith.addi %add3A_117, %add3A_118 : i32
      %mul3A_120 = arith.constant 128 : i32
      %mul3A_121 = arith.muli %add3A_119, %mul3A_120 : i32
      %dma_start3A_122 = arith.constant 0 : i32
      %dma_start3A_123 = arith.constant 0 : i32
      %dma_start3A_124 = tpu.memref_slice %arg4[%arg0, %dma_start3A_122, %dma_start3A_123] : memref<2x106496x32xf32, #tpu.memory_space<hbm>> -> memref<1x106496x32xf32, #tpu.memory_space<hbm>>
      %dma_start3A_125 = tpu.memref_squeeze %dma_start3A_124 : memref<1x106496x32xf32, #tpu.memory_space<hbm>> -> memref<106496x32xf32, #tpu.memory_space<hbm>>
      %dma_start3A_126 = arith.constant 0 : i32
      %dma_start3A_127 = tpu.memref_slice %dma_start3A_125[%mul3A_121, %dma_start3A_126] : memref<106496x32xf32, #tpu.memory_space<hbm>> -> memref<128x32xf32, #tpu.memory_space<hbm>>
      %dma_start3A_128 = arith.constant 0 : i32
      %dma_start3A_129 = arith.constant 0 : i32
      %dma_start3A_130 = tpu.memref_slice %arg4[%arg0, %dma_start3A_128, %dma_start3A_129] : memref<2x106496x32xf32, #tpu.memory_space<hbm>> -> memref<1x106496x32xf32, #tpu.memory_space<hbm>>
      %dma_start3A_131 = tpu.memref_squeeze %dma_start3A_130 : memref<1x106496x32xf32, #tpu.memory_space<hbm>> -> memref<106496x32xf32, #tpu.memory_space<hbm>>
      %dma_start3A_132 = arith.constant 0 : i32
      %dma_start3A_133 = tpu.memref_slice %dma_start3A_131[%mul3A_121, %dma_start3A_132] : memref<106496x32xf32, #tpu.memory_space<hbm>> -> memref<128x32xf32, #tpu.memory_space<hbm>>
      tpu.enqueue_dma source(%arg9 : memref<128x32xf32, #tpu.memory_space<vmem>>) target(%dma_start3A_133 : memref<128x32xf32, #tpu.memory_space<hbm>>) target_semaphore(%arg17 : memref<!tpu.dma_semaphore, #tpu.memory_space<semaphore_mem>>)
      %add3A_134 = arith.addi %mul3A_0, %mul3A_35 : i32
      %add3A_135 = arith.constant 0 : i32
      %add3A_136 = arith.addi %add3A_134, %add3A_135 : i32
      %mul3A_137 = arith.constant 128 : i32
      %mul3A_138 = arith.muli %add3A_136, %mul3A_137 : i32
      %dma_wait3A_139 = arith.constant 0 : i32
      %dma_wait3A_140 = arith.constant 0 : i32
      %dma_wait3A_141 = tpu.memref_slice %arg4[%arg0, %dma_wait3A_139, %dma_wait3A_140] : memref<2x106496x32xf32, #tpu.memory_space<hbm>> -> memref<1x106496x32xf32, #tpu.memory_space<hbm>>
      %dma_wait3A_142 = tpu.memref_squeeze %dma_wait3A_141 : memref<1x106496x32xf32, #tpu.memory_space<hbm>> -> memref<106496x32xf32, #tpu.memory_space<hbm>>
      %dma_wait3A_143 = arith.constant 0 : i32
      %dma_wait3A_144 = tpu.memref_slice %dma_wait3A_142[%mul3A_138, %dma_wait3A_143] : memref<106496x32xf32, #tpu.memory_space<hbm>> -> memref<128x32xf32, #tpu.memory_space<hbm>>
      %dma_wait3A_145 = arith.constant 0 : i32
      %dma_wait3A_146 = arith.constant 0 : i32
      %dma_wait3A_147 = tpu.memref_slice %arg4[%arg0, %dma_wait3A_145, %dma_wait3A_146] : memref<2x106496x32xf32, #tpu.memory_space<hbm>> -> memref<1x106496x32xf32, #tpu.memory_space<hbm>>
      %dma_wait3A_148 = tpu.memref_squeeze %dma_wait3A_147 : memref<1x106496x32xf32, #tpu.memory_space<hbm>> -> memref<106496x32xf32, #tpu.memory_space<hbm>>
      %dma_wait3A_149 = arith.constant 0 : i32
      %dma_wait3A_150 = tpu.memref_slice %dma_wait3A_148[%mul3A_138, %dma_wait3A_149] : memref<106496x32xf32, #tpu.memory_space<hbm>> -> memref<128x32xf32, #tpu.memory_space<hbm>>
      tpu.wait_dma2 semaphore(%arg14 : memref<!tpu.dma_semaphore, #tpu.memory_space<semaphore_mem>>) src(%arg6 : memref<128x32xf32, #tpu.memory_space<vmem>>) dst(%dma_wait3A_150 : memref<128x32xf32, #tpu.memory_space<hbm>>)
      %add3A_151 = arith.constant 1 : i32
      %add3A_152 = arith.addi %scan3A_33, %add3A_151 : i32
      %lt3A = arith.constant 13 : i32
      %lt3A_153 = arith.cmpi slt, %add3A_152, %lt3A : i32
      %convert_element_type3A = arith.extui %lt3A_153 : i1 to i32
      %cond3A = arith.constant 0 : i32
      %cond3A_154 = arith.cmpi ne, %convert_element_type3A, %cond3A : i32
      scf.if %cond3A_154 {
        %add3A_227 = arith.constant 4 : i32
        %add3A_228 = arith.addi %mul3A_35, %add3A_227 : i32
        %add3A_229 = arith.constant 0 : i32
        %add3A_230 = arith.addi %add3A_228, %add3A_229 : i32
        %dma_start3A_231 = arith.constant 0 : i32
        %dma_start3A_232 = tpu.memref_slice %arg5[%add3A_230, %dma_start3A_231] : memref<52x128xi32, #tpu.memory_space<vmem>> -> memref<1x128xi32, #tpu.memory_space<vmem>>
        %dma_start3A_233 = tpu.memref_squeeze %dma_start3A_232 : memref<1x128xi32, #tpu.memory_space<vmem>> -> memref<128xi32, #tpu.memory_space<vmem>>
        %dma_start3A_234 = arith.constant 0 : i32
        %dma_start3A_235 = arith.constant 0 : i32
        %dma_start3A_236 = tpu.memref_slice %arg2[%dma_start3A_234, %dma_start3A_235] : memref<20480x32xf32, #tpu.memory_space<hbm>> -> memref<20480x32xf32, #tpu.memory_space<hbm>>
        tpu.enqueue_indirect_dma source(%dma_start3A_236 : memref<20480x32xf32, #tpu.memory_space<hbm>>) target(%arg6 : memref<128x32xf32, #tpu.memory_space<vmem>>) offsets(%dma_start3A_233 : memref<128xi32, #tpu.memory_space<vmem>>) semaphore(%arg10 : memref<!tpu.dma_semaphore, #tpu.memory_space<semaphore_mem>>)
      } else {
      }
      %add3A_155 = arith.addi %mul3A_0, %mul3A_35 : i32
      %add3A_156 = arith.constant 1 : i32
      %add3A_157 = arith.addi %add3A_155, %add3A_156 : i32
      %mul3A_158 = arith.constant 128 : i32
      %mul3A_159 = arith.muli %add3A_157, %mul3A_158 : i32
      %dma_wait3A_160 = arith.constant 0 : i32
      %dma_wait3A_161 = arith.constant 0 : i32
      %dma_wait3A_162 = tpu.memref_slice %arg4[%arg0, %dma_wait3A_160, %dma_wait3A_161] : memref<2x106496x32xf32, #tpu.memory_space<hbm>> -> memref<1x106496x32xf32, #tpu.memory_space<hbm>>
      %dma_wait3A_163 = tpu.memref_squeeze %dma_wait3A_162 : memref<1x106496x32xf32, #tpu.memory_space<hbm>> -> memref<106496x32xf32, #tpu.memory_space<hbm>>
      %dma_wait3A_164 = arith.constant 0 : i32
      %dma_wait3A_165 = tpu.memref_slice %dma_wait3A_163[%mul3A_159, %dma_wait3A_164] : memref<106496x32xf32, #tpu.memory_space<hbm>> -> memref<128x32xf32, #tpu.memory_space<hbm>>
      %dma_wait3A_166 = arith.constant 0 : i32
      %dma_wait3A_167 = arith.constant 0 : i32
      %dma_wait3A_168 = tpu.memref_slice %arg4[%arg0, %dma_wait3A_166, %dma_wait3A_167] : memref<2x106496x32xf32, #tpu.memory_space<hbm>> -> memref<1x106496x32xf32, #tpu.memory_space<hbm>>
      %dma_wait3A_169 = tpu.memref_squeeze %dma_wait3A_168 : memref<1x106496x32xf32, #tpu.memory_space<hbm>> -> memref<106496x32xf32, #tpu.memory_space<hbm>>
      %dma_wait3A_170 = arith.constant 0 : i32
      %dma_wait3A_171 = tpu.memref_slice %dma_wait3A_169[%mul3A_159, %dma_wait3A_170] : memref<106496x32xf32, #tpu.memory_space<hbm>> -> memref<128x32xf32, #tpu.memory_space<hbm>>
      tpu.wait_dma2 semaphore(%arg15 : memref<!tpu.dma_semaphore, #tpu.memory_space<semaphore_mem>>) src(%arg7 : memref<128x32xf32, #tpu.memory_space<vmem>>) dst(%dma_wait3A_171 : memref<128x32xf32, #tpu.memory_space<hbm>>)
      %add3A_172 = arith.constant 1 : i32
      %add3A_173 = arith.addi %scan3A_33, %add3A_172 : i32
      %lt3A_174 = arith.constant 13 : i32
      %lt3A_175 = arith.cmpi slt, %add3A_173, %lt3A_174 : i32
      %convert_element_type3A_176 = arith.extui %lt3A_175 : i1 to i32
      %cond3A_177 = arith.constant 0 : i32
      %cond3A_178 = arith.cmpi ne, %convert_element_type3A_176, %cond3A_177 : i32
      scf.if %cond3A_178 {
        %add3A_227 = arith.constant 4 : i32
        %add3A_228 = arith.addi %mul3A_35, %add3A_227 : i32
        %add3A_229 = arith.constant 1 : i32
        %add3A_230 = arith.addi %add3A_228, %add3A_229 : i32
        %dma_start3A_231 = arith.constant 0 : i32
        %dma_start3A_232 = tpu.memref_slice %arg5[%add3A_230, %dma_start3A_231] : memref<52x128xi32, #tpu.memory_space<vmem>> -> memref<1x128xi32, #tpu.memory_space<vmem>>
        %dma_start3A_233 = tpu.memref_squeeze %dma_start3A_232 : memref<1x128xi32, #tpu.memory_space<vmem>> -> memref<128xi32, #tpu.memory_space<vmem>>
        %dma_start3A_234 = arith.constant 0 : i32
        %dma_start3A_235 = arith.constant 0 : i32
        %dma_start3A_236 = tpu.memref_slice %arg2[%dma_start3A_234, %dma_start3A_235] : memref<20480x32xf32, #tpu.memory_space<hbm>> -> memref<20480x32xf32, #tpu.memory_space<hbm>>
        tpu.enqueue_indirect_dma source(%dma_start3A_236 : memref<20480x32xf32, #tpu.memory_space<hbm>>) target(%arg7 : memref<128x32xf32, #tpu.memory_space<vmem>>) offsets(%dma_start3A_233 : memref<128xi32, #tpu.memory_space<vmem>>) semaphore(%arg11 : memref<!tpu.dma_semaphore, #tpu.memory_space<semaphore_mem>>)
      } else {
      }
      %add3A_179 = arith.addi %mul3A_0, %mul3A_35 : i32
      %add3A_180 = arith.constant 2 : i32
      %add3A_181 = arith.addi %add3A_179, %add3A_180 : i32
      %mul3A_182 = arith.constant 128 : i32
      %mul3A_183 = arith.muli %add3A_181, %mul3A_182 : i32
      %dma_wait3A_184 = arith.constant 0 : i32
      %dma_wait3A_185 = arith.constant 0 : i32
      %dma_wait3A_186 = tpu.memref_slice %arg4[%arg0, %dma_wait3A_184, %dma_wait3A_185] : memref<2x106496x32xf32, #tpu.memory_space<hbm>> -> memref<1x106496x32xf32, #tpu.memory_space<hbm>>
      %dma_wait3A_187 = tpu.memref_squeeze %dma_wait3A_186 : memref<1x106496x32xf32, #tpu.memory_space<hbm>> -> memref<106496x32xf32, #tpu.memory_space<hbm>>
      %dma_wait3A_188 = arith.constant 0 : i32
      %dma_wait3A_189 = tpu.memref_slice %dma_wait3A_187[%mul3A_183, %dma_wait3A_188] : memref<106496x32xf32, #tpu.memory_space<hbm>> -> memref<128x32xf32, #tpu.memory_space<hbm>>
      %dma_wait3A_190 = arith.constant 0 : i32
      %dma_wait3A_191 = arith.constant 0 : i32
      %dma_wait3A_192 = tpu.memref_slice %arg4[%arg0, %dma_wait3A_190, %dma_wait3A_191] : memref<2x106496x32xf32, #tpu.memory_space<hbm>> -> memref<1x106496x32xf32, #tpu.memory_space<hbm>>
      %dma_wait3A_193 = tpu.memref_squeeze %dma_wait3A_192 : memref<1x106496x32xf32, #tpu.memory_space<hbm>> -> memref<106496x32xf32, #tpu.memory_space<hbm>>
      %dma_wait3A_194 = arith.constant 0 : i32
      %dma_wait3A_195 = tpu.memref_slice %dma_wait3A_193[%mul3A_183, %dma_wait3A_194] : memref<106496x32xf32, #tpu.memory_space<hbm>> -> memref<128x32xf32, #tpu.memory_space<hbm>>
      tpu.wait_dma2 semaphore(%arg16 : memref<!tpu.dma_semaphore, #tpu.memory_space<semaphore_mem>>) src(%arg8 : memref<128x32xf32, #tpu.memory_space<vmem>>) dst(%dma_wait3A_195 : memref<128x32xf32, #tpu.memory_space<hbm>>)
      %add3A_196 = arith.constant 1 : i32
      %add3A_197 = arith.addi %scan3A_33, %add3A_196 : i32
      %lt3A_198 = arith.constant 13 : i32
      %lt3A_199 = arith.cmpi slt, %add3A_197, %lt3A_198 : i32
      %convert_element_type3A_200 = arith.extui %lt3A_199 : i1 to i32
      %cond3A_201 = arith.constant 0 : i32
      %cond3A_202 = arith.cmpi ne, %convert_element_type3A_200, %cond3A_201 : i32
      scf.if %cond3A_202 {
        %add3A_227 = arith.constant 4 : i32
        %add3A_228 = arith.addi %mul3A_35, %add3A_227 : i32
        %add3A_229 = arith.constant 2 : i32
        %add3A_230 = arith.addi %add3A_228, %add3A_229 : i32
        %dma_start3A_231 = arith.constant 0 : i32
        %dma_start3A_232 = tpu.memref_slice %arg5[%add3A_230, %dma_start3A_231] : memref<52x128xi32, #tpu.memory_space<vmem>> -> memref<1x128xi32, #tpu.memory_space<vmem>>
        %dma_start3A_233 = tpu.memref_squeeze %dma_start3A_232 : memref<1x128xi32, #tpu.memory_space<vmem>> -> memref<128xi32, #tpu.memory_space<vmem>>
        %dma_start3A_234 = arith.constant 0 : i32
        %dma_start3A_235 = arith.constant 0 : i32
        %dma_start3A_236 = tpu.memref_slice %arg2[%dma_start3A_234, %dma_start3A_235] : memref<20480x32xf32, #tpu.memory_space<hbm>> -> memref<20480x32xf32, #tpu.memory_space<hbm>>
        tpu.enqueue_indirect_dma source(%dma_start3A_236 : memref<20480x32xf32, #tpu.memory_space<hbm>>) target(%arg8 : memref<128x32xf32, #tpu.memory_space<vmem>>) offsets(%dma_start3A_233 : memref<128xi32, #tpu.memory_space<vmem>>) semaphore(%arg12 : memref<!tpu.dma_semaphore, #tpu.memory_space<semaphore_mem>>)
      } else {
      }
      %add3A_203 = arith.addi %mul3A_0, %mul3A_35 : i32
      %add3A_204 = arith.constant 3 : i32
      %add3A_205 = arith.addi %add3A_203, %add3A_204 : i32
      %mul3A_206 = arith.constant 128 : i32
      %mul3A_207 = arith.muli %add3A_205, %mul3A_206 : i32
      %dma_wait3A_208 = arith.constant 0 : i32
      %dma_wait3A_209 = arith.constant 0 : i32
      %dma_wait3A_210 = tpu.memref_slice %arg4[%arg0, %dma_wait3A_208, %dma_wait3A_209] : memref<2x106496x32xf32, #tpu.memory_space<hbm>> -> memref<1x106496x32xf32, #tpu.memory_space<hbm>>
      %dma_wait3A_211 = tpu.memref_squeeze %dma_wait3A_210 : memref<1x106496x32xf32, #tpu.memory_space<hbm>> -> memref<106496x32xf32, #tpu.memory_space<hbm>>
      %dma_wait3A_212 = arith.constant 0 : i32
      %dma_wait3A_213 = tpu.memref_slice %dma_wait3A_211[%mul3A_207, %dma_wait3A_212] : memref<106496x32xf32, #tpu.memory_space<hbm>> -> memref<128x32xf32, #tpu.memory_space<hbm>>
      %dma_wait3A_214 = arith.constant 0 : i32
      %dma_wait3A_215 = arith.constant 0 : i32
      %dma_wait3A_216 = tpu.memref_slice %arg4[%arg0, %dma_wait3A_214, %dma_wait3A_215] : memref<2x106496x32xf32, #tpu.memory_space<hbm>> -> memref<1x106496x32xf32, #tpu.memory_space<hbm>>
      %dma_wait3A_217 = tpu.memref_squeeze %dma_wait3A_216 : memref<1x106496x32xf32, #tpu.memory_space<hbm>> -> memref<106496x32xf32, #tpu.memory_space<hbm>>
      %dma_wait3A_218 = arith.constant 0 : i32
      %dma_wait3A_219 = tpu.memref_slice %dma_wait3A_217[%mul3A_207, %dma_wait3A_218] : memref<106496x32xf32, #tpu.memory_space<hbm>> -> memref<128x32xf32, #tpu.memory_space<hbm>>
      tpu.wait_dma2 semaphore(%arg17 : memref<!tpu.dma_semaphore, #tpu.memory_space<semaphore_mem>>) src(%arg9 : memref<128x32xf32, #tpu.memory_space<vmem>>) dst(%dma_wait3A_219 : memref<128x32xf32, #tpu.memory_space<hbm>>)
      %add3A_220 = arith.constant 1 : i32
      %add3A_221 = arith.addi %scan3A_33, %add3A_220 : i32
      %lt3A_222 = arith.constant 13 : i32
      %lt3A_223 = arith.cmpi slt, %add3A_221, %lt3A_222 : i32
      %convert_element_type3A_224 = arith.extui %lt3A_223 : i1 to i32
      %cond3A_225 = arith.constant 0 : i32
      %cond3A_226 = arith.cmpi ne, %convert_element_type3A_224, %cond3A_225 : i32
      scf.if %cond3A_226 {
        %add3A_227 = arith.constant 4 : i32
        %add3A_228 = arith.addi %mul3A_35, %add3A_227 : i32
        %add3A_229 = arith.constant 3 : i32
        %add3A_230 = arith.addi %add3A_228, %add3A_229 : i32
        %dma_start3A_231 = arith.constant 0 : i32
        %dma_start3A_232 = tpu.memref_slice %arg5[%add3A_230, %dma_start3A_231] : memref<52x128xi32, #tpu.memory_space<vmem>> -> memref<1x128xi32, #tpu.memory_space<vmem>>
        %dma_start3A_233 = tpu.memref_squeeze %dma_start3A_232 : memref<1x128xi32, #tpu.memory_space<vmem>> -> memref<128xi32, #tpu.memory_space<vmem>>
        %dma_start3A_234 = arith.constant 0 : i32
        %dma_start3A_235 = arith.constant 0 : i32
        %dma_start3A_236 = tpu.memref_slice %arg2[%dma_start3A_234, %dma_start3A_235] : memref<20480x32xf32, #tpu.memory_space<hbm>> -> memref<20480x32xf32, #tpu.memory_space<hbm>>
        tpu.enqueue_indirect_dma source(%dma_start3A_236 : memref<20480x32xf32, #tpu.memory_space<hbm>>) target(%arg9 : memref<128x32xf32, #tpu.memory_space<vmem>>) offsets(%dma_start3A_233 : memref<128xi32, #tpu.memory_space<vmem>>) semaphore(%arg13 : memref<!tpu.dma_semaphore, #tpu.memory_space<semaphore_mem>>)
      } else {
      }
    }
    %scan3A_32 = arith.constant 13 : i32
    return
  }
}

#map = affine_map<(d0, d1) -> (0, 0)>
#map1 = affine_map<(d0, d1) -> (0, 0, 0)>
module attributes {stable_mosaic.version = 14 : i64} {
  func.func @body(%arg0: i32, %arg1: i32, %arg2: memref<20480x128xf32, #tpu.memory_space<hbm>>, %arg3: memref<2x5120x64xi32, #tpu.memory_space<hbm>>, %arg4: memref<5120x64xi32, #tpu.memory_space<hbm>>, %arg5: memref<640x128xf32, #tpu.memory_space<hbm>>, %arg6: memref<2x10240x128xf32, #tpu.memory_space<hbm>>, %arg7: memref<64xi32, #tpu.memory_space<vmem>>, %arg8: memref<64xi32, #tpu.memory_space<vmem>>, %arg9: memref<64xi32, #tpu.memory_space<vmem>>, %arg10: memref<64xi32, #tpu.memory_space<vmem>>, %arg11: memref<64xi32, #tpu.memory_space<vmem>>, %arg12: memref<64xi32, #tpu.memory_space<vmem>>, %arg13: memref<64xi32, #tpu.memory_space<vmem>>, %arg14: memref<64xi32, #tpu.memory_space<vmem>>, %arg15: memref<64x128xf32, #tpu.memory_space<vmem>>, %arg16: memref<64x128xf32, #tpu.memory_space<vmem>>, %arg17: memref<64x128xf32, #tpu.memory_space<vmem>>, %arg18: memref<64x128xf32, #tpu.memory_space<vmem>>, %arg19: memref<10240x128xf32, #tpu.memory_space<vmem_shared>>, %arg20: memref<!tpu.dma_semaphore, #tpu.memory_space<semaphore_mem>>, %arg21: memref<!tpu.dma_semaphore, #tpu.memory_space<semaphore_mem>>, %arg22: memref<!tpu.dma_semaphore, #tpu.memory_space<semaphore_mem>>, %arg23: memref<!tpu.dma_semaphore, #tpu.memory_space<semaphore_mem>>, %arg24: memref<!tpu.dma_semaphore, #tpu.memory_space<semaphore_mem>>, %arg25: memref<!tpu.dma_semaphore, #tpu.memory_space<semaphore_mem>>, %arg26: memref<!tpu.dma_semaphore, #tpu.memory_space<semaphore_mem>>, %arg27: memref<!tpu.dma_semaphore, #tpu.memory_space<semaphore_mem>>) attributes {dimension_semantics = [#tpu.dimension_semantics<core_parallel>, #tpu.dimension_semantics<subcore_parallel>], iteration_bounds = array<i64: 2, 16>, scalar_prefetch = 0 : i64, scratch_operands = 21 : i64, tpu.core_type = #tpu.core_type<sc_vector_subcore>, window_params = [{transform_indices = #map}, {transform_indices = #map1}, {transform_indices = #map}, {transform_indices = #map}, {transform_indices = #map1}]} {
    %mul3A = arith.constant 640 : i32
    %mul3A_0 = arith.muli %arg1, %mul3A : i32
    "tpu.region"() ({
      %run_scoped3A = tpu.sem_alloc : memref<!tpu.dma_semaphore, #tpu.memory_space<semaphore_mem>>
      %dma_start3A_107 = arith.constant 0 : i32
      %dma_start3A_108 = tpu.memref_slice %arg19[%mul3A_0, %dma_start3A_107] : memref<10240x128xf32, #tpu.memory_space<vmem_shared>> -> memref<640x128xf32, #tpu.memory_space<vmem_shared>>
      tpu.enqueue_dma source(%arg5 : memref<640x128xf32, #tpu.memory_space<hbm>>) target(%dma_start3A_108 : memref<640x128xf32, #tpu.memory_space<vmem_shared>>) target_semaphore(%run_scoped3A : memref<!tpu.dma_semaphore, #tpu.memory_space<semaphore_mem>>)
      %dma_wait3A = arith.constant 0 : i32
      %dma_wait3A_109 = tpu.memref_slice %arg19[%mul3A_0, %dma_wait3A] : memref<10240x128xf32, #tpu.memory_space<vmem_shared>> -> memref<640x128xf32, #tpu.memory_space<vmem_shared>>
      tpu.wait_dma2 semaphore(%run_scoped3A : memref<!tpu.dma_semaphore, #tpu.memory_space<semaphore_mem>>) src(%arg5 : memref<640x128xf32, #tpu.memory_space<hbm>>) dst(%dma_wait3A_109 : memref<640x128xf32, #tpu.memory_space<vmem_shared>>)
      tpu.yield
    }) : () -> ()
    %mul3A_1 = arith.constant 320 : i32
    %mul3A_2 = arith.muli %arg1, %mul3A_1 : i32
    %barrier3A = arith.constant 0 : index
    tpu.barrier barrier_id(%barrier3A)
    %add3A = arith.constant 0 : i32
    %add3A_3 = arith.addi %mul3A_2, %add3A : i32
    %dma_start3A = arith.constant 0 : i32
    %dma_start3A_4 = arith.constant 0 : i32
    %dma_start3A_5 = tpu.memref_slice %arg3[%arg0, %dma_start3A, %dma_start3A_4] : memref<2x5120x64xi32, #tpu.memory_space<hbm>> -> memref<1x5120x64xi32, #tpu.memory_space<hbm>>
    %dma_start3A_6 = tpu.memref_squeeze %dma_start3A_5 : memref<1x5120x64xi32, #tpu.memory_space<hbm>> -> memref<5120x64xi32, #tpu.memory_space<hbm>>
    %dma_start3A_7 = arith.constant 0 : i32
    %dma_start3A_8 = tpu.memref_slice %dma_start3A_6[%add3A_3, %dma_start3A_7] : memref<5120x64xi32, #tpu.memory_space<hbm>> -> memref<1x64xi32, #tpu.memory_space<hbm>>
    %dma_start3A_9 = tpu.memref_squeeze %dma_start3A_8 : memref<1x64xi32, #tpu.memory_space<hbm>> -> memref<64xi32, #tpu.memory_space<hbm>>
    %dma_start3A_10 = arith.constant 0 : i32
    %dma_start3A_11 = arith.constant 0 : i32
    %dma_start3A_12 = tpu.memref_slice %arg3[%arg0, %dma_start3A_10, %dma_start3A_11] : memref<2x5120x64xi32, #tpu.memory_space<hbm>> -> memref<1x5120x64xi32, #tpu.memory_space<hbm>>
    %dma_start3A_13 = tpu.memref_squeeze %dma_start3A_12 : memref<1x5120x64xi32, #tpu.memory_space<hbm>> -> memref<5120x64xi32, #tpu.memory_space<hbm>>
    %dma_start3A_14 = arith.constant 0 : i32
    %dma_start3A_15 = tpu.memref_slice %dma_start3A_13[%add3A_3, %dma_start3A_14] : memref<5120x64xi32, #tpu.memory_space<hbm>> -> memref<1x64xi32, #tpu.memory_space<hbm>>
    %dma_start3A_16 = tpu.memref_squeeze %dma_start3A_15 : memref<1x64xi32, #tpu.memory_space<hbm>> -> memref<64xi32, #tpu.memory_space<hbm>>
    tpu.enqueue_dma source(%dma_start3A_16 : memref<64xi32, #tpu.memory_space<hbm>>) target(%arg7 : memref<64xi32, #tpu.memory_space<vmem>>) target_semaphore(%arg24 : memref<!tpu.dma_semaphore, #tpu.memory_space<semaphore_mem>>)
    %add3A_17 = arith.constant 0 : i32
    %add3A_18 = arith.addi %mul3A_2, %add3A_17 : i32
    %dma_start3A_19 = arith.constant 0 : i32
    %dma_start3A_20 = tpu.memref_slice %arg4[%add3A_18, %dma_start3A_19] : memref<5120x64xi32, #tpu.memory_space<hbm>> -> memref<1x64xi32, #tpu.memory_space<hbm>>
    %dma_start3A_21 = tpu.memref_squeeze %dma_start3A_20 : memref<1x64xi32, #tpu.memory_space<hbm>> -> memref<64xi32, #tpu.memory_space<hbm>>
    %dma_start3A_22 = arith.constant 0 : i32
    %dma_start3A_23 = tpu.memref_slice %arg4[%add3A_18, %dma_start3A_22] : memref<5120x64xi32, #tpu.memory_space<hbm>> -> memref<1x64xi32, #tpu.memory_space<hbm>>
    %dma_start3A_24 = tpu.memref_squeeze %dma_start3A_23 : memref<1x64xi32, #tpu.memory_space<hbm>> -> memref<64xi32, #tpu.memory_space<hbm>>
    tpu.enqueue_dma source(%dma_start3A_24 : memref<64xi32, #tpu.memory_space<hbm>>) target(%arg11 : memref<64xi32, #tpu.memory_space<vmem>>) target_semaphore(%arg24 : memref<!tpu.dma_semaphore, #tpu.memory_space<semaphore_mem>>)
    %add3A_25 = arith.constant 1 : i32
    %add3A_26 = arith.addi %mul3A_2, %add3A_25 : i32
    %dma_start3A_27 = arith.constant 0 : i32
    %dma_start3A_28 = arith.constant 0 : i32
    %dma_start3A_29 = tpu.memref_slice %arg3[%arg0, %dma_start3A_27, %dma_start3A_28] : memref<2x5120x64xi32, #tpu.memory_space<hbm>> -> memref<1x5120x64xi32, #tpu.memory_space<hbm>>
    %dma_start3A_30 = tpu.memref_squeeze %dma_start3A_29 : memref<1x5120x64xi32, #tpu.memory_space<hbm>> -> memref<5120x64xi32, #tpu.memory_space<hbm>>
    %dma_start3A_31 = arith.constant 0 : i32
    %dma_start3A_32 = tpu.memref_slice %dma_start3A_30[%add3A_26, %dma_start3A_31] : memref<5120x64xi32, #tpu.memory_space<hbm>> -> memref<1x64xi32, #tpu.memory_space<hbm>>
    %dma_start3A_33 = tpu.memref_squeeze %dma_start3A_32 : memref<1x64xi32, #tpu.memory_space<hbm>> -> memref<64xi32, #tpu.memory_space<hbm>>
    %dma_start3A_34 = arith.constant 0 : i32
    %dma_start3A_35 = arith.constant 0 : i32
    %dma_start3A_36 = tpu.memref_slice %arg3[%arg0, %dma_start3A_34, %dma_start3A_35] : memref<2x5120x64xi32, #tpu.memory_space<hbm>> -> memref<1x5120x64xi32, #tpu.memory_space<hbm>>
    %dma_start3A_37 = tpu.memref_squeeze %dma_start3A_36 : memref<1x5120x64xi32, #tpu.memory_space<hbm>> -> memref<5120x64xi32, #tpu.memory_space<hbm>>
    %dma_start3A_38 = arith.constant 0 : i32
    %dma_start3A_39 = tpu.memref_slice %dma_start3A_37[%add3A_26, %dma_start3A_38] : memref<5120x64xi32, #tpu.memory_space<hbm>> -> memref<1x64xi32, #tpu.memory_space<hbm>>
    %dma_start3A_40 = tpu.memref_squeeze %dma_start3A_39 : memref<1x64xi32, #tpu.memory_space<hbm>> -> memref<64xi32, #tpu.memory_space<hbm>>
    tpu.enqueue_dma source(%dma_start3A_40 : memref<64xi32, #tpu.memory_space<hbm>>) target(%arg8 : memref<64xi32, #tpu.memory_space<vmem>>) target_semaphore(%arg25 : memref<!tpu.dma_semaphore, #tpu.memory_space<semaphore_mem>>)
    %add3A_41 = arith.constant 1 : i32
    %add3A_42 = arith.addi %mul3A_2, %add3A_41 : i32
    %dma_start3A_43 = arith.constant 0 : i32
    %dma_start3A_44 = tpu.memref_slice %arg4[%add3A_42, %dma_start3A_43] : memref<5120x64xi32, #tpu.memory_space<hbm>> -> memref<1x64xi32, #tpu.memory_space<hbm>>
    %dma_start3A_45 = tpu.memref_squeeze %dma_start3A_44 : memref<1x64xi32, #tpu.memory_space<hbm>> -> memref<64xi32, #tpu.memory_space<hbm>>
    %dma_start3A_46 = arith.constant 0 : i32
    %dma_start3A_47 = tpu.memref_slice %arg4[%add3A_42, %dma_start3A_46] : memref<5120x64xi32, #tpu.memory_space<hbm>> -> memref<1x64xi32, #tpu.memory_space<hbm>>
    %dma_start3A_48 = tpu.memref_squeeze %dma_start3A_47 : memref<1x64xi32, #tpu.memory_space<hbm>> -> memref<64xi32, #tpu.memory_space<hbm>>
    tpu.enqueue_dma source(%dma_start3A_48 : memref<64xi32, #tpu.memory_space<hbm>>) target(%arg12 : memref<64xi32, #tpu.memory_space<vmem>>) target_semaphore(%arg25 : memref<!tpu.dma_semaphore, #tpu.memory_space<semaphore_mem>>)
    %add3A_49 = arith.constant 2 : i32
    %add3A_50 = arith.addi %mul3A_2, %add3A_49 : i32
    %dma_start3A_51 = arith.constant 0 : i32
    %dma_start3A_52 = arith.constant 0 : i32
    %dma_start3A_53 = tpu.memref_slice %arg3[%arg0, %dma_start3A_51, %dma_start3A_52] : memref<2x5120x64xi32, #tpu.memory_space<hbm>> -> memref<1x5120x64xi32, #tpu.memory_space<hbm>>
    %dma_start3A_54 = tpu.memref_squeeze %dma_start3A_53 : memref<1x5120x64xi32, #tpu.memory_space<hbm>> -> memref<5120x64xi32, #tpu.memory_space<hbm>>
    %dma_start3A_55 = arith.constant 0 : i32
    %dma_start3A_56 = tpu.memref_slice %dma_start3A_54[%add3A_50, %dma_start3A_55] : memref<5120x64xi32, #tpu.memory_space<hbm>> -> memref<1x64xi32, #tpu.memory_space<hbm>>
    %dma_start3A_57 = tpu.memref_squeeze %dma_start3A_56 : memref<1x64xi32, #tpu.memory_space<hbm>> -> memref<64xi32, #tpu.memory_space<hbm>>
    %dma_start3A_58 = arith.constant 0 : i32
    %dma_start3A_59 = arith.constant 0 : i32
    %dma_start3A_60 = tpu.memref_slice %arg3[%arg0, %dma_start3A_58, %dma_start3A_59] : memref<2x5120x64xi32, #tpu.memory_space<hbm>> -> memref<1x5120x64xi32, #tpu.memory_space<hbm>>
    %dma_start3A_61 = tpu.memref_squeeze %dma_start3A_60 : memref<1x5120x64xi32, #tpu.memory_space<hbm>> -> memref<5120x64xi32, #tpu.memory_space<hbm>>
    %dma_start3A_62 = arith.constant 0 : i32
    %dma_start3A_63 = tpu.memref_slice %dma_start3A_61[%add3A_50, %dma_start3A_62] : memref<5120x64xi32, #tpu.memory_space<hbm>> -> memref<1x64xi32, #tpu.memory_space<hbm>>
    %dma_start3A_64 = tpu.memref_squeeze %dma_start3A_63 : memref<1x64xi32, #tpu.memory_space<hbm>> -> memref<64xi32, #tpu.memory_space<hbm>>
    tpu.enqueue_dma source(%dma_start3A_64 : memref<64xi32, #tpu.memory_space<hbm>>) target(%arg9 : memref<64xi32, #tpu.memory_space<vmem>>) target_semaphore(%arg26 : memref<!tpu.dma_semaphore, #tpu.memory_space<semaphore_mem>>)
    %add3A_65 = arith.constant 2 : i32
    %add3A_66 = arith.addi %mul3A_2, %add3A_65 : i32
    %dma_start3A_67 = arith.constant 0 : i32
    %dma_start3A_68 = tpu.memref_slice %arg4[%add3A_66, %dma_start3A_67] : memref<5120x64xi32, #tpu.memory_space<hbm>> -> memref<1x64xi32, #tpu.memory_space<hbm>>
    %dma_start3A_69 = tpu.memref_squeeze %dma_start3A_68 : memref<1x64xi32, #tpu.memory_space<hbm>> -> memref<64xi32, #tpu.memory_space<hbm>>
    %dma_start3A_70 = arith.constant 0 : i32
    %dma_start3A_71 = tpu.memref_slice %arg4[%add3A_66, %dma_start3A_70] : memref<5120x64xi32, #tpu.memory_space<hbm>> -> memref<1x64xi32, #tpu.memory_space<hbm>>
    %dma_start3A_72 = tpu.memref_squeeze %dma_start3A_71 : memref<1x64xi32, #tpu.memory_space<hbm>> -> memref<64xi32, #tpu.memory_space<hbm>>
    tpu.enqueue_dma source(%dma_start3A_72 : memref<64xi32, #tpu.memory_space<hbm>>) target(%arg13 : memref<64xi32, #tpu.memory_space<vmem>>) target_semaphore(%arg26 : memref<!tpu.dma_semaphore, #tpu.memory_space<semaphore_mem>>)
    %add3A_73 = arith.constant 3 : i32
    %add3A_74 = arith.addi %mul3A_2, %add3A_73 : i32
    %dma_start3A_75 = arith.constant 0 : i32
    %dma_start3A_76 = arith.constant 0 : i32
    %dma_start3A_77 = tpu.memref_slice %arg3[%arg0, %dma_start3A_75, %dma_start3A_76] : memref<2x5120x64xi32, #tpu.memory_space<hbm>> -> memref<1x5120x64xi32, #tpu.memory_space<hbm>>
    %dma_start3A_78 = tpu.memref_squeeze %dma_start3A_77 : memref<1x5120x64xi32, #tpu.memory_space<hbm>> -> memref<5120x64xi32, #tpu.memory_space<hbm>>
    %dma_start3A_79 = arith.constant 0 : i32
    %dma_start3A_80 = tpu.memref_slice %dma_start3A_78[%add3A_74, %dma_start3A_79] : memref<5120x64xi32, #tpu.memory_space<hbm>> -> memref<1x64xi32, #tpu.memory_space<hbm>>
    %dma_start3A_81 = tpu.memref_squeeze %dma_start3A_80 : memref<1x64xi32, #tpu.memory_space<hbm>> -> memref<64xi32, #tpu.memory_space<hbm>>
    %dma_start3A_82 = arith.constant 0 : i32
    %dma_start3A_83 = arith.constant 0 : i32
    %dma_start3A_84 = tpu.memref_slice %arg3[%arg0, %dma_start3A_82, %dma_start3A_83] : memref<2x5120x64xi32, #tpu.memory_space<hbm>> -> memref<1x5120x64xi32, #tpu.memory_space<hbm>>
    %dma_start3A_85 = tpu.memref_squeeze %dma_start3A_84 : memref<1x5120x64xi32, #tpu.memory_space<hbm>> -> memref<5120x64xi32, #tpu.memory_space<hbm>>
    %dma_start3A_86 = arith.constant 0 : i32
    %dma_start3A_87 = tpu.memref_slice %dma_start3A_85[%add3A_74, %dma_start3A_86] : memref<5120x64xi32, #tpu.memory_space<hbm>> -> memref<1x64xi32, #tpu.memory_space<hbm>>
    %dma_start3A_88 = tpu.memref_squeeze %dma_start3A_87 : memref<1x64xi32, #tpu.memory_space<hbm>> -> memref<64xi32, #tpu.memory_space<hbm>>
    tpu.enqueue_dma source(%dma_start3A_88 : memref<64xi32, #tpu.memory_space<hbm>>) target(%arg10 : memref<64xi32, #tpu.memory_space<vmem>>) target_semaphore(%arg27 : memref<!tpu.dma_semaphore, #tpu.memory_space<semaphore_mem>>)
    %add3A_89 = arith.constant 3 : i32
    %add3A_90 = arith.addi %mul3A_2, %add3A_89 : i32
    %dma_start3A_91 = arith.constant 0 : i32
    %dma_start3A_92 = tpu.memref_slice %arg4[%add3A_90, %dma_start3A_91] : memref<5120x64xi32, #tpu.memory_space<hbm>> -> memref<1x64xi32, #tpu.memory_space<hbm>>
    %dma_start3A_93 = tpu.memref_squeeze %dma_start3A_92 : memref<1x64xi32, #tpu.memory_space<hbm>> -> memref<64xi32, #tpu.memory_space<hbm>>
    %dma_start3A_94 = arith.constant 0 : i32
    %dma_start3A_95 = tpu.memref_slice %arg4[%add3A_90, %dma_start3A_94] : memref<5120x64xi32, #tpu.memory_space<hbm>> -> memref<1x64xi32, #tpu.memory_space<hbm>>
    %dma_start3A_96 = tpu.memref_squeeze %dma_start3A_95 : memref<1x64xi32, #tpu.memory_space<hbm>> -> memref<64xi32, #tpu.memory_space<hbm>>
    tpu.enqueue_dma source(%dma_start3A_96 : memref<64xi32, #tpu.memory_space<hbm>>) target(%arg14 : memref<64xi32, #tpu.memory_space<vmem>>) target_semaphore(%arg27 : memref<!tpu.dma_semaphore, #tpu.memory_space<semaphore_mem>>)
    %scan3A = arith.constant 0 : i32
    %scan3A_97 = arith.constant 0 : i32
    %scan3A_98 = arith.constant 80 : i32
    %scan3A_99 = arith.addi %scan3A_97, %scan3A_98 : i32
    %scan3A_100 = arith.constant 1 : i32
    scf.for %scan3A_107 = %scan3A_97 to %scan3A_99 step %scan3A_100  : i32 {
      %mul3A_108 = arith.constant 4 : i32
      %mul3A_109 = arith.muli %scan3A_107, %mul3A_108 : i32
      %add3A_110 = arith.addi %mul3A_2, %mul3A_109 : i32
      %add3A_111 = arith.constant 0 : i32
      %add3A_112 = arith.addi %add3A_110, %add3A_111 : i32
      %dma_wait3A = arith.constant 0 : i32
      %dma_wait3A_113 = arith.constant 0 : i32
      %dma_wait3A_114 = tpu.memref_slice %arg3[%arg0, %dma_wait3A, %dma_wait3A_113] : memref<2x5120x64xi32, #tpu.memory_space<hbm>> -> memref<1x5120x64xi32, #tpu.memory_space<hbm>>
      %dma_wait3A_115 = tpu.memref_squeeze %dma_wait3A_114 : memref<1x5120x64xi32, #tpu.memory_space<hbm>> -> memref<5120x64xi32, #tpu.memory_space<hbm>>
      %dma_wait3A_116 = arith.constant 0 : i32
      %dma_wait3A_117 = tpu.memref_slice %dma_wait3A_115[%add3A_112, %dma_wait3A_116] : memref<5120x64xi32, #tpu.memory_space<hbm>> -> memref<1x64xi32, #tpu.memory_space<hbm>>
      %dma_wait3A_118 = tpu.memref_squeeze %dma_wait3A_117 : memref<1x64xi32, #tpu.memory_space<hbm>> -> memref<64xi32, #tpu.memory_space<hbm>>
      %dma_wait3A_119 = arith.constant 0 : i32
      %dma_wait3A_120 = arith.constant 0 : i32
      %dma_wait3A_121 = tpu.memref_slice %arg3[%arg0, %dma_wait3A_119, %dma_wait3A_120] : memref<2x5120x64xi32, #tpu.memory_space<hbm>> -> memref<1x5120x64xi32, #tpu.memory_space<hbm>>
      %dma_wait3A_122 = tpu.memref_squeeze %dma_wait3A_121 : memref<1x5120x64xi32, #tpu.memory_space<hbm>> -> memref<5120x64xi32, #tpu.memory_space<hbm>>
      %dma_wait3A_123 = arith.constant 0 : i32
      %dma_wait3A_124 = tpu.memref_slice %dma_wait3A_122[%add3A_112, %dma_wait3A_123] : memref<5120x64xi32, #tpu.memory_space<hbm>> -> memref<1x64xi32, #tpu.memory_space<hbm>>
      %dma_wait3A_125 = tpu.memref_squeeze %dma_wait3A_124 : memref<1x64xi32, #tpu.memory_space<hbm>> -> memref<64xi32, #tpu.memory_space<hbm>>
      tpu.wait_dma2 semaphore(%arg24 : memref<!tpu.dma_semaphore, #tpu.memory_space<semaphore_mem>>) src(%dma_wait3A_125 : memref<64xi32, #tpu.memory_space<hbm>>) dst(%arg7 : memref<64xi32, #tpu.memory_space<vmem>>)
      %add3A_126 = arith.addi %mul3A_2, %mul3A_109 : i32
      %add3A_127 = arith.constant 0 : i32
      %add3A_128 = arith.addi %add3A_126, %add3A_127 : i32
      %dma_wait3A_129 = arith.constant 0 : i32
      %dma_wait3A_130 = tpu.memref_slice %arg4[%add3A_128, %dma_wait3A_129] : memref<5120x64xi32, #tpu.memory_space<hbm>> -> memref<1x64xi32, #tpu.memory_space<hbm>>
      %dma_wait3A_131 = tpu.memref_squeeze %dma_wait3A_130 : memref<1x64xi32, #tpu.memory_space<hbm>> -> memref<64xi32, #tpu.memory_space<hbm>>
      %dma_wait3A_132 = arith.constant 0 : i32
      %dma_wait3A_133 = tpu.memref_slice %arg4[%add3A_128, %dma_wait3A_132] : memref<5120x64xi32, #tpu.memory_space<hbm>> -> memref<1x64xi32, #tpu.memory_space<hbm>>
      %dma_wait3A_134 = tpu.memref_squeeze %dma_wait3A_133 : memref<1x64xi32, #tpu.memory_space<hbm>> -> memref<64xi32, #tpu.memory_space<hbm>>
      tpu.wait_dma2 semaphore(%arg24 : memref<!tpu.dma_semaphore, #tpu.memory_space<semaphore_mem>>) src(%dma_wait3A_134 : memref<64xi32, #tpu.memory_space<hbm>>) dst(%arg11 : memref<64xi32, #tpu.memory_space<vmem>>)
      %dma_start3A_135 = arith.constant 0 : i32
      %dma_start3A_136 = arith.constant 0 : i32
      %dma_start3A_137 = tpu.memref_slice %arg2[%dma_start3A_135, %dma_start3A_136] : memref<20480x128xf32, #tpu.memory_space<hbm>> -> memref<20480x128xf32, #tpu.memory_space<hbm>>
      tpu.enqueue_indirect_dma source(%dma_start3A_137 : memref<20480x128xf32, #tpu.memory_space<hbm>>) target(%arg15 : memref<64x128xf32, #tpu.memory_space<vmem>>) offsets(%arg7 : memref<64xi32, #tpu.memory_space<vmem>>) semaphore(%arg20 : memref<!tpu.dma_semaphore, #tpu.memory_space<semaphore_mem>>)
      %add3A_138 = arith.addi %mul3A_2, %mul3A_109 : i32
      %add3A_139 = arith.constant 1 : i32
      %add3A_140 = arith.addi %add3A_138, %add3A_139 : i32
      %dma_wait3A_141 = arith.constant 0 : i32
      %dma_wait3A_142 = arith.constant 0 : i32
      %dma_wait3A_143 = tpu.memref_slice %arg3[%arg0, %dma_wait3A_141, %dma_wait3A_142] : memref<2x5120x64xi32, #tpu.memory_space<hbm>> -> memref<1x5120x64xi32, #tpu.memory_space<hbm>>
      %dma_wait3A_144 = tpu.memref_squeeze %dma_wait3A_143 : memref<1x5120x64xi32, #tpu.memory_space<hbm>> -> memref<5120x64xi32, #tpu.memory_space<hbm>>
      %dma_wait3A_145 = arith.constant 0 : i32
      %dma_wait3A_146 = tpu.memref_slice %dma_wait3A_144[%add3A_140, %dma_wait3A_145] : memref<5120x64xi32, #tpu.memory_space<hbm>> -> memref<1x64xi32, #tpu.memory_space<hbm>>
      %dma_wait3A_147 = tpu.memref_squeeze %dma_wait3A_146 : memref<1x64xi32, #tpu.memory_space<hbm>> -> memref<64xi32, #tpu.memory_space<hbm>>
      %dma_wait3A_148 = arith.constant 0 : i32
      %dma_wait3A_149 = arith.constant 0 : i32
      %dma_wait3A_150 = tpu.memref_slice %arg3[%arg0, %dma_wait3A_148, %dma_wait3A_149] : memref<2x5120x64xi32, #tpu.memory_space<hbm>> -> memref<1x5120x64xi32, #tpu.memory_space<hbm>>
      %dma_wait3A_151 = tpu.memref_squeeze %dma_wait3A_150 : memref<1x5120x64xi32, #tpu.memory_space<hbm>> -> memref<5120x64xi32, #tpu.memory_space<hbm>>
      %dma_wait3A_152 = arith.constant 0 : i32
      %dma_wait3A_153 = tpu.memref_slice %dma_wait3A_151[%add3A_140, %dma_wait3A_152] : memref<5120x64xi32, #tpu.memory_space<hbm>> -> memref<1x64xi32, #tpu.memory_space<hbm>>
      %dma_wait3A_154 = tpu.memref_squeeze %dma_wait3A_153 : memref<1x64xi32, #tpu.memory_space<hbm>> -> memref<64xi32, #tpu.memory_space<hbm>>
      tpu.wait_dma2 semaphore(%arg25 : memref<!tpu.dma_semaphore, #tpu.memory_space<semaphore_mem>>) src(%dma_wait3A_154 : memref<64xi32, #tpu.memory_space<hbm>>) dst(%arg8 : memref<64xi32, #tpu.memory_space<vmem>>)
      %add3A_155 = arith.addi %mul3A_2, %mul3A_109 : i32
      %add3A_156 = arith.constant 1 : i32
      %add3A_157 = arith.addi %add3A_155, %add3A_156 : i32
      %dma_wait3A_158 = arith.constant 0 : i32
      %dma_wait3A_159 = tpu.memref_slice %arg4[%add3A_157, %dma_wait3A_158] : memref<5120x64xi32, #tpu.memory_space<hbm>> -> memref<1x64xi32, #tpu.memory_space<hbm>>
      %dma_wait3A_160 = tpu.memref_squeeze %dma_wait3A_159 : memref<1x64xi32, #tpu.memory_space<hbm>> -> memref<64xi32, #tpu.memory_space<hbm>>
      %dma_wait3A_161 = arith.constant 0 : i32
      %dma_wait3A_162 = tpu.memref_slice %arg4[%add3A_157, %dma_wait3A_161] : memref<5120x64xi32, #tpu.memory_space<hbm>> -> memref<1x64xi32, #tpu.memory_space<hbm>>
      %dma_wait3A_163 = tpu.memref_squeeze %dma_wait3A_162 : memref<1x64xi32, #tpu.memory_space<hbm>> -> memref<64xi32, #tpu.memory_space<hbm>>
      tpu.wait_dma2 semaphore(%arg25 : memref<!tpu.dma_semaphore, #tpu.memory_space<semaphore_mem>>) src(%dma_wait3A_163 : memref<64xi32, #tpu.memory_space<hbm>>) dst(%arg12 : memref<64xi32, #tpu.memory_space<vmem>>)
      %dma_start3A_164 = arith.constant 0 : i32
      %dma_start3A_165 = arith.constant 0 : i32
      %dma_start3A_166 = tpu.memref_slice %arg2[%dma_start3A_164, %dma_start3A_165] : memref<20480x128xf32, #tpu.memory_space<hbm>> -> memref<20480x128xf32, #tpu.memory_space<hbm>>
      tpu.enqueue_indirect_dma source(%dma_start3A_166 : memref<20480x128xf32, #tpu.memory_space<hbm>>) target(%arg16 : memref<64x128xf32, #tpu.memory_space<vmem>>) offsets(%arg8 : memref<64xi32, #tpu.memory_space<vmem>>) semaphore(%arg21 : memref<!tpu.dma_semaphore, #tpu.memory_space<semaphore_mem>>)
      %add3A_167 = arith.addi %mul3A_2, %mul3A_109 : i32
      %add3A_168 = arith.constant 2 : i32
      %add3A_169 = arith.addi %add3A_167, %add3A_168 : i32
      %dma_wait3A_170 = arith.constant 0 : i32
      %dma_wait3A_171 = arith.constant 0 : i32
      %dma_wait3A_172 = tpu.memref_slice %arg3[%arg0, %dma_wait3A_170, %dma_wait3A_171] : memref<2x5120x64xi32, #tpu.memory_space<hbm>> -> memref<1x5120x64xi32, #tpu.memory_space<hbm>>
      %dma_wait3A_173 = tpu.memref_squeeze %dma_wait3A_172 : memref<1x5120x64xi32, #tpu.memory_space<hbm>> -> memref<5120x64xi32, #tpu.memory_space<hbm>>
      %dma_wait3A_174 = arith.constant 0 : i32
      %dma_wait3A_175 = tpu.memref_slice %dma_wait3A_173[%add3A_169, %dma_wait3A_174] : memref<5120x64xi32, #tpu.memory_space<hbm>> -> memref<1x64xi32, #tpu.memory_space<hbm>>
      %dma_wait3A_176 = tpu.memref_squeeze %dma_wait3A_175 : memref<1x64xi32, #tpu.memory_space<hbm>> -> memref<64xi32, #tpu.memory_space<hbm>>
      %dma_wait3A_177 = arith.constant 0 : i32
      %dma_wait3A_178 = arith.constant 0 : i32
      %dma_wait3A_179 = tpu.memref_slice %arg3[%arg0, %dma_wait3A_177, %dma_wait3A_178] : memref<2x5120x64xi32, #tpu.memory_space<hbm>> -> memref<1x5120x64xi32, #tpu.memory_space<hbm>>
      %dma_wait3A_180 = tpu.memref_squeeze %dma_wait3A_179 : memref<1x5120x64xi32, #tpu.memory_space<hbm>> -> memref<5120x64xi32, #tpu.memory_space<hbm>>
      %dma_wait3A_181 = arith.constant 0 : i32
      %dma_wait3A_182 = tpu.memref_slice %dma_wait3A_180[%add3A_169, %dma_wait3A_181] : memref<5120x64xi32, #tpu.memory_space<hbm>> -> memref<1x64xi32, #tpu.memory_space<hbm>>
      %dma_wait3A_183 = tpu.memref_squeeze %dma_wait3A_182 : memref<1x64xi32, #tpu.memory_space<hbm>> -> memref<64xi32, #tpu.memory_space<hbm>>
      tpu.wait_dma2 semaphore(%arg26 : memref<!tpu.dma_semaphore, #tpu.memory_space<semaphore_mem>>) src(%dma_wait3A_183 : memref<64xi32, #tpu.memory_space<hbm>>) dst(%arg9 : memref<64xi32, #tpu.memory_space<vmem>>)
      %add3A_184 = arith.addi %mul3A_2, %mul3A_109 : i32
      %add3A_185 = arith.constant 2 : i32
      %add3A_186 = arith.addi %add3A_184, %add3A_185 : i32
      %dma_wait3A_187 = arith.constant 0 : i32
      %dma_wait3A_188 = tpu.memref_slice %arg4[%add3A_186, %dma_wait3A_187] : memref<5120x64xi32, #tpu.memory_space<hbm>> -> memref<1x64xi32, #tpu.memory_space<hbm>>
      %dma_wait3A_189 = tpu.memref_squeeze %dma_wait3A_188 : memref<1x64xi32, #tpu.memory_space<hbm>> -> memref<64xi32, #tpu.memory_space<hbm>>
      %dma_wait3A_190 = arith.constant 0 : i32
      %dma_wait3A_191 = tpu.memref_slice %arg4[%add3A_186, %dma_wait3A_190] : memref<5120x64xi32, #tpu.memory_space<hbm>> -> memref<1x64xi32, #tpu.memory_space<hbm>>
      %dma_wait3A_192 = tpu.memref_squeeze %dma_wait3A_191 : memref<1x64xi32, #tpu.memory_space<hbm>> -> memref<64xi32, #tpu.memory_space<hbm>>
      tpu.wait_dma2 semaphore(%arg26 : memref<!tpu.dma_semaphore, #tpu.memory_space<semaphore_mem>>) src(%dma_wait3A_192 : memref<64xi32, #tpu.memory_space<hbm>>) dst(%arg13 : memref<64xi32, #tpu.memory_space<vmem>>)
      %dma_start3A_193 = arith.constant 0 : i32
      %dma_start3A_194 = arith.constant 0 : i32
      %dma_start3A_195 = tpu.memref_slice %arg2[%dma_start3A_193, %dma_start3A_194] : memref<20480x128xf32, #tpu.memory_space<hbm>> -> memref<20480x128xf32, #tpu.memory_space<hbm>>
      tpu.enqueue_indirect_dma source(%dma_start3A_195 : memref<20480x128xf32, #tpu.memory_space<hbm>>) target(%arg17 : memref<64x128xf32, #tpu.memory_space<vmem>>) offsets(%arg9 : memref<64xi32, #tpu.memory_space<vmem>>) semaphore(%arg22 : memref<!tpu.dma_semaphore, #tpu.memory_space<semaphore_mem>>)
      %add3A_196 = arith.addi %mul3A_2, %mul3A_109 : i32
      %add3A_197 = arith.constant 3 : i32
      %add3A_198 = arith.addi %add3A_196, %add3A_197 : i32
      %dma_wait3A_199 = arith.constant 0 : i32
      %dma_wait3A_200 = arith.constant 0 : i32
      %dma_wait3A_201 = tpu.memref_slice %arg3[%arg0, %dma_wait3A_199, %dma_wait3A_200] : memref<2x5120x64xi32, #tpu.memory_space<hbm>> -> memref<1x5120x64xi32, #tpu.memory_space<hbm>>
      %dma_wait3A_202 = tpu.memref_squeeze %dma_wait3A_201 : memref<1x5120x64xi32, #tpu.memory_space<hbm>> -> memref<5120x64xi32, #tpu.memory_space<hbm>>
      %dma_wait3A_203 = arith.constant 0 : i32
      %dma_wait3A_204 = tpu.memref_slice %dma_wait3A_202[%add3A_198, %dma_wait3A_203] : memref<5120x64xi32, #tpu.memory_space<hbm>> -> memref<1x64xi32, #tpu.memory_space<hbm>>
      %dma_wait3A_205 = tpu.memref_squeeze %dma_wait3A_204 : memref<1x64xi32, #tpu.memory_space<hbm>> -> memref<64xi32, #tpu.memory_space<hbm>>
      %dma_wait3A_206 = arith.constant 0 : i32
      %dma_wait3A_207 = arith.constant 0 : i32
      %dma_wait3A_208 = tpu.memref_slice %arg3[%arg0, %dma_wait3A_206, %dma_wait3A_207] : memref<2x5120x64xi32, #tpu.memory_space<hbm>> -> memref<1x5120x64xi32, #tpu.memory_space<hbm>>
      %dma_wait3A_209 = tpu.memref_squeeze %dma_wait3A_208 : memref<1x5120x64xi32, #tpu.memory_space<hbm>> -> memref<5120x64xi32, #tpu.memory_space<hbm>>
      %dma_wait3A_210 = arith.constant 0 : i32
      %dma_wait3A_211 = tpu.memref_slice %dma_wait3A_209[%add3A_198, %dma_wait3A_210] : memref<5120x64xi32, #tpu.memory_space<hbm>> -> memref<1x64xi32, #tpu.memory_space<hbm>>
      %dma_wait3A_212 = tpu.memref_squeeze %dma_wait3A_211 : memref<1x64xi32, #tpu.memory_space<hbm>> -> memref<64xi32, #tpu.memory_space<hbm>>
      tpu.wait_dma2 semaphore(%arg27 : memref<!tpu.dma_semaphore, #tpu.memory_space<semaphore_mem>>) src(%dma_wait3A_212 : memref<64xi32, #tpu.memory_space<hbm>>) dst(%arg10 : memref<64xi32, #tpu.memory_space<vmem>>)
      %add3A_213 = arith.addi %mul3A_2, %mul3A_109 : i32
      %add3A_214 = arith.constant 3 : i32
      %add3A_215 = arith.addi %add3A_213, %add3A_214 : i32
      %dma_wait3A_216 = arith.constant 0 : i32
      %dma_wait3A_217 = tpu.memref_slice %arg4[%add3A_215, %dma_wait3A_216] : memref<5120x64xi32, #tpu.memory_space<hbm>> -> memref<1x64xi32, #tpu.memory_space<hbm>>
      %dma_wait3A_218 = tpu.memref_squeeze %dma_wait3A_217 : memref<1x64xi32, #tpu.memory_space<hbm>> -> memref<64xi32, #tpu.memory_space<hbm>>
      %dma_wait3A_219 = arith.constant 0 : i32
      %dma_wait3A_220 = tpu.memref_slice %arg4[%add3A_215, %dma_wait3A_219] : memref<5120x64xi32, #tpu.memory_space<hbm>> -> memref<1x64xi32, #tpu.memory_space<hbm>>
      %dma_wait3A_221 = tpu.memref_squeeze %dma_wait3A_220 : memref<1x64xi32, #tpu.memory_space<hbm>> -> memref<64xi32, #tpu.memory_space<hbm>>
      tpu.wait_dma2 semaphore(%arg27 : memref<!tpu.dma_semaphore, #tpu.memory_space<semaphore_mem>>) src(%dma_wait3A_221 : memref<64xi32, #tpu.memory_space<hbm>>) dst(%arg14 : memref<64xi32, #tpu.memory_space<vmem>>)
      %dma_start3A_222 = arith.constant 0 : i32
      %dma_start3A_223 = arith.constant 0 : i32
      %dma_start3A_224 = tpu.memref_slice %arg2[%dma_start3A_222, %dma_start3A_223] : memref<20480x128xf32, #tpu.memory_space<hbm>> -> memref<20480x128xf32, #tpu.memory_space<hbm>>
      tpu.enqueue_indirect_dma source(%dma_start3A_224 : memref<20480x128xf32, #tpu.memory_space<hbm>>) target(%arg18 : memref<64x128xf32, #tpu.memory_space<vmem>>) offsets(%arg10 : memref<64xi32, #tpu.memory_space<vmem>>) semaphore(%arg23 : memref<!tpu.dma_semaphore, #tpu.memory_space<semaphore_mem>>)
      %dma_wait3A_225 = arith.constant 0 : i32
      %dma_wait3A_226 = arith.constant 0 : i32
      %dma_wait3A_227 = tpu.memref_slice %arg2[%dma_wait3A_225, %dma_wait3A_226] : memref<20480x128xf32, #tpu.memory_space<hbm>> -> memref<20480x128xf32, #tpu.memory_space<hbm>>
      tpu.wait_indirect_dma semaphore(%arg20 : memref<!tpu.dma_semaphore, #tpu.memory_space<semaphore_mem>>) src(%dma_wait3A_227 : memref<20480x128xf32, #tpu.memory_space<hbm>>) dst(%arg15 : memref<64x128xf32, #tpu.memory_space<vmem>>)
      "tpu.region"() ({
        %run_scoped3A = tpu.sem_alloc : memref<!tpu.dma_semaphore, #tpu.memory_space<semaphore_mem>>
        %dma_start3A_262 = arith.constant 0 : i32
        %dma_start3A_263 = arith.constant 0 : i32
        %dma_start3A_264 = tpu.memref_slice %arg19[%dma_start3A_262, %dma_start3A_263] : memref<10240x128xf32, #tpu.memory_space<vmem_shared>> -> memref<10240x128xf32, #tpu.memory_space<vmem_shared>>
        tpu.enqueue_indirect_dma source(%arg15 : memref<64x128xf32, #tpu.memory_space<vmem>>) target(%dma_start3A_264 : memref<10240x128xf32, #tpu.memory_space<vmem_shared>>) offsets(%arg11 : memref<64xi32, #tpu.memory_space<vmem>>) semaphore(%run_scoped3A : memref<!tpu.dma_semaphore, #tpu.memory_space<semaphore_mem>>) {add = true}
        %dma_wait3A_265 = arith.constant 0 : i32
        %dma_wait3A_266 = arith.constant 0 : i32
        %dma_wait3A_267 = tpu.memref_slice %arg19[%dma_wait3A_265, %dma_wait3A_266] : memref<10240x128xf32, #tpu.memory_space<vmem_shared>> -> memref<10240x128xf32, #tpu.memory_space<vmem_shared>>
        tpu.wait_indirect_dma semaphore(%run_scoped3A : memref<!tpu.dma_semaphore, #tpu.memory_space<semaphore_mem>>) src(%arg15 : memref<64x128xf32, #tpu.memory_space<vmem>>) dst(%dma_wait3A_267 : memref<10240x128xf32, #tpu.memory_space<vmem_shared>>)
        tpu.yield
      }) : () -> ()
      %add3A_228 = arith.constant 1 : i32
      %add3A_229 = arith.addi %scan3A_107, %add3A_228 : i32
      %lt3A = arith.constant 80 : i32
      %lt3A_230 = arith.cmpi slt, %add3A_229, %lt3A : i32
      %convert_element_type3A = arith.extui %lt3A_230 : i1 to i32
      %cond3A = arith.constant 0 : i32
      %cond3A_231 = arith.cmpi ne, %convert_element_type3A, %cond3A : i32
      scf.if %cond3A_231 {
        %add3A_262 = arith.constant 4 : i32
        %add3A_263 = arith.addi %mul3A_109, %add3A_262 : i32
        %add3A_264 = arith.constant 0 : i32
        %add3A_265 = arith.addi %add3A_263, %add3A_264 : i32
        %add3A_266 = arith.addi %mul3A_2, %add3A_265 : i32
        %dma_start3A_267 = arith.constant 0 : i32
        %dma_start3A_268 = arith.constant 0 : i32
        %dma_start3A_269 = tpu.memref_slice %arg3[%arg0, %dma_start3A_267, %dma_start3A_268] : memref<2x5120x64xi32, #tpu.memory_space<hbm>> -> memref<1x5120x64xi32, #tpu.memory_space<hbm>>
        %dma_start3A_270 = tpu.memref_squeeze %dma_start3A_269 : memref<1x5120x64xi32, #tpu.memory_space<hbm>> -> memref<5120x64xi32, #tpu.memory_space<hbm>>
        %dma_start3A_271 = arith.constant 0 : i32
        %dma_start3A_272 = tpu.memref_slice %dma_start3A_270[%add3A_266, %dma_start3A_271] : memref<5120x64xi32, #tpu.memory_space<hbm>> -> memref<1x64xi32, #tpu.memory_space<hbm>>
        %dma_start3A_273 = tpu.memref_squeeze %dma_start3A_272 : memref<1x64xi32, #tpu.memory_space<hbm>> -> memref<64xi32, #tpu.memory_space<hbm>>
        %dma_start3A_274 = arith.constant 0 : i32
        %dma_start3A_275 = arith.constant 0 : i32
        %dma_start3A_276 = tpu.memref_slice %arg3[%arg0, %dma_start3A_274, %dma_start3A_275] : memref<2x5120x64xi32, #tpu.memory_space<hbm>> -> memref<1x5120x64xi32, #tpu.memory_space<hbm>>
        %dma_start3A_277 = tpu.memref_squeeze %dma_start3A_276 : memref<1x5120x64xi32, #tpu.memory_space<hbm>> -> memref<5120x64xi32, #tpu.memory_space<hbm>>
        %dma_start3A_278 = arith.constant 0 : i32
        %dma_start3A_279 = tpu.memref_slice %dma_start3A_277[%add3A_266, %dma_start3A_278] : memref<5120x64xi32, #tpu.memory_space<hbm>> -> memref<1x64xi32, #tpu.memory_space<hbm>>
        %dma_start3A_280 = tpu.memref_squeeze %dma_start3A_279 : memref<1x64xi32, #tpu.memory_space<hbm>> -> memref<64xi32, #tpu.memory_space<hbm>>
        tpu.enqueue_dma source(%dma_start3A_280 : memref<64xi32, #tpu.memory_space<hbm>>) target(%arg7 : memref<64xi32, #tpu.memory_space<vmem>>) target_semaphore(%arg24 : memref<!tpu.dma_semaphore, #tpu.memory_space<semaphore_mem>>)
        %add3A_281 = arith.addi %mul3A_2, %add3A_265 : i32
        %dma_start3A_282 = arith.constant 0 : i32
        %dma_start3A_283 = tpu.memref_slice %arg4[%add3A_281, %dma_start3A_282] : memref<5120x64xi32, #tpu.memory_space<hbm>> -> memref<1x64xi32, #tpu.memory_space<hbm>>
        %dma_start3A_284 = tpu.memref_squeeze %dma_start3A_283 : memref<1x64xi32, #tpu.memory_space<hbm>> -> memref<64xi32, #tpu.memory_space<hbm>>
        %dma_start3A_285 = arith.constant 0 : i32
        %dma_start3A_286 = tpu.memref_slice %arg4[%add3A_281, %dma_start3A_285] : memref<5120x64xi32, #tpu.memory_space<hbm>> -> memref<1x64xi32, #tpu.memory_space<hbm>>
        %dma_start3A_287 = tpu.memref_squeeze %dma_start3A_286 : memref<1x64xi32, #tpu.memory_space<hbm>> -> memref<64xi32, #tpu.memory_space<hbm>>
        tpu.enqueue_dma source(%dma_start3A_287 : memref<64xi32, #tpu.memory_space<hbm>>) target(%arg11 : memref<64xi32, #tpu.memory_space<vmem>>) target_semaphore(%arg24 : memref<!tpu.dma_semaphore, #tpu.memory_space<semaphore_mem>>)
      } else {
      }
      %dma_wait3A_232 = arith.constant 0 : i32
      %dma_wait3A_233 = arith.constant 0 : i32
      %dma_wait3A_234 = tpu.memref_slice %arg2[%dma_wait3A_232, %dma_wait3A_233] : memref<20480x128xf32, #tpu.memory_space<hbm>> -> memref<20480x128xf32, #tpu.memory_space<hbm>>
      tpu.wait_indirect_dma semaphore(%arg21 : memref<!tpu.dma_semaphore, #tpu.memory_space<semaphore_mem>>) src(%dma_wait3A_234 : memref<20480x128xf32, #tpu.memory_space<hbm>>) dst(%arg16 : memref<64x128xf32, #tpu.memory_space<vmem>>)
      "tpu.region"() ({
        %run_scoped3A = tpu.sem_alloc : memref<!tpu.dma_semaphore, #tpu.memory_space<semaphore_mem>>
        %dma_start3A_262 = arith.constant 0 : i32
        %dma_start3A_263 = arith.constant 0 : i32
        %dma_start3A_264 = tpu.memref_slice %arg19[%dma_start3A_262, %dma_start3A_263] : memref<10240x128xf32, #tpu.memory_space<vmem_shared>> -> memref<10240x128xf32, #tpu.memory_space<vmem_shared>>
        tpu.enqueue_indirect_dma source(%arg16 : memref<64x128xf32, #tpu.memory_space<vmem>>) target(%dma_start3A_264 : memref<10240x128xf32, #tpu.memory_space<vmem_shared>>) offsets(%arg12 : memref<64xi32, #tpu.memory_space<vmem>>) semaphore(%run_scoped3A : memref<!tpu.dma_semaphore, #tpu.memory_space<semaphore_mem>>) {add = true}
        %dma_wait3A_265 = arith.constant 0 : i32
        %dma_wait3A_266 = arith.constant 0 : i32
        %dma_wait3A_267 = tpu.memref_slice %arg19[%dma_wait3A_265, %dma_wait3A_266] : memref<10240x128xf32, #tpu.memory_space<vmem_shared>> -> memref<10240x128xf32, #tpu.memory_space<vmem_shared>>
        tpu.wait_indirect_dma semaphore(%run_scoped3A : memref<!tpu.dma_semaphore, #tpu.memory_space<semaphore_mem>>) src(%arg16 : memref<64x128xf32, #tpu.memory_space<vmem>>) dst(%dma_wait3A_267 : memref<10240x128xf32, #tpu.memory_space<vmem_shared>>)
        tpu.yield
      }) : () -> ()
      %add3A_235 = arith.constant 1 : i32
      %add3A_236 = arith.addi %scan3A_107, %add3A_235 : i32
      %lt3A_237 = arith.constant 80 : i32
      %lt3A_238 = arith.cmpi slt, %add3A_236, %lt3A_237 : i32
      %convert_element_type3A_239 = arith.extui %lt3A_238 : i1 to i32
      %cond3A_240 = arith.constant 0 : i32
      %cond3A_241 = arith.cmpi ne, %convert_element_type3A_239, %cond3A_240 : i32
      scf.if %cond3A_241 {
        %add3A_262 = arith.constant 4 : i32
        %add3A_263 = arith.addi %mul3A_109, %add3A_262 : i32
        %add3A_264 = arith.constant 1 : i32
        %add3A_265 = arith.addi %add3A_263, %add3A_264 : i32
        %add3A_266 = arith.addi %mul3A_2, %add3A_265 : i32
        %dma_start3A_267 = arith.constant 0 : i32
        %dma_start3A_268 = arith.constant 0 : i32
        %dma_start3A_269 = tpu.memref_slice %arg3[%arg0, %dma_start3A_267, %dma_start3A_268] : memref<2x5120x64xi32, #tpu.memory_space<hbm>> -> memref<1x5120x64xi32, #tpu.memory_space<hbm>>
        %dma_start3A_270 = tpu.memref_squeeze %dma_start3A_269 : memref<1x5120x64xi32, #tpu.memory_space<hbm>> -> memref<5120x64xi32, #tpu.memory_space<hbm>>
        %dma_start3A_271 = arith.constant 0 : i32
        %dma_start3A_272 = tpu.memref_slice %dma_start3A_270[%add3A_266, %dma_start3A_271] : memref<5120x64xi32, #tpu.memory_space<hbm>> -> memref<1x64xi32, #tpu.memory_space<hbm>>
        %dma_start3A_273 = tpu.memref_squeeze %dma_start3A_272 : memref<1x64xi32, #tpu.memory_space<hbm>> -> memref<64xi32, #tpu.memory_space<hbm>>
        %dma_start3A_274 = arith.constant 0 : i32
        %dma_start3A_275 = arith.constant 0 : i32
        %dma_start3A_276 = tpu.memref_slice %arg3[%arg0, %dma_start3A_274, %dma_start3A_275] : memref<2x5120x64xi32, #tpu.memory_space<hbm>> -> memref<1x5120x64xi32, #tpu.memory_space<hbm>>
        %dma_start3A_277 = tpu.memref_squeeze %dma_start3A_276 : memref<1x5120x64xi32, #tpu.memory_space<hbm>> -> memref<5120x64xi32, #tpu.memory_space<hbm>>
        %dma_start3A_278 = arith.constant 0 : i32
        %dma_start3A_279 = tpu.memref_slice %dma_start3A_277[%add3A_266, %dma_start3A_278] : memref<5120x64xi32, #tpu.memory_space<hbm>> -> memref<1x64xi32, #tpu.memory_space<hbm>>
        %dma_start3A_280 = tpu.memref_squeeze %dma_start3A_279 : memref<1x64xi32, #tpu.memory_space<hbm>> -> memref<64xi32, #tpu.memory_space<hbm>>
        tpu.enqueue_dma source(%dma_start3A_280 : memref<64xi32, #tpu.memory_space<hbm>>) target(%arg8 : memref<64xi32, #tpu.memory_space<vmem>>) target_semaphore(%arg25 : memref<!tpu.dma_semaphore, #tpu.memory_space<semaphore_mem>>)
        %add3A_281 = arith.addi %mul3A_2, %add3A_265 : i32
        %dma_start3A_282 = arith.constant 0 : i32
        %dma_start3A_283 = tpu.memref_slice %arg4[%add3A_281, %dma_start3A_282] : memref<5120x64xi32, #tpu.memory_space<hbm>> -> memref<1x64xi32, #tpu.memory_space<hbm>>
        %dma_start3A_284 = tpu.memref_squeeze %dma_start3A_283 : memref<1x64xi32, #tpu.memory_space<hbm>> -> memref<64xi32, #tpu.memory_space<hbm>>
        %dma_start3A_285 = arith.constant 0 : i32
        %dma_start3A_286 = tpu.memref_slice %arg4[%add3A_281, %dma_start3A_285] : memref<5120x64xi32, #tpu.memory_space<hbm>> -> memref<1x64xi32, #tpu.memory_space<hbm>>
        %dma_start3A_287 = tpu.memref_squeeze %dma_start3A_286 : memref<1x64xi32, #tpu.memory_space<hbm>> -> memref<64xi32, #tpu.memory_space<hbm>>
        tpu.enqueue_dma source(%dma_start3A_287 : memref<64xi32, #tpu.memory_space<hbm>>) target(%arg12 : memref<64xi32, #tpu.memory_space<vmem>>) target_semaphore(%arg25 : memref<!tpu.dma_semaphore, #tpu.memory_space<semaphore_mem>>)
      } else {
      }
      %dma_wait3A_242 = arith.constant 0 : i32
      %dma_wait3A_243 = arith.constant 0 : i32
      %dma_wait3A_244 = tpu.memref_slice %arg2[%dma_wait3A_242, %dma_wait3A_243] : memref<20480x128xf32, #tpu.memory_space<hbm>> -> memref<20480x128xf32, #tpu.memory_space<hbm>>
      tpu.wait_indirect_dma semaphore(%arg22 : memref<!tpu.dma_semaphore, #tpu.memory_space<semaphore_mem>>) src(%dma_wait3A_244 : memref<20480x128xf32, #tpu.memory_space<hbm>>) dst(%arg17 : memref<64x128xf32, #tpu.memory_space<vmem>>)
      "tpu.region"() ({
        %run_scoped3A = tpu.sem_alloc : memref<!tpu.dma_semaphore, #tpu.memory_space<semaphore_mem>>
        %dma_start3A_262 = arith.constant 0 : i32
        %dma_start3A_263 = arith.constant 0 : i32
        %dma_start3A_264 = tpu.memref_slice %arg19[%dma_start3A_262, %dma_start3A_263] : memref<10240x128xf32, #tpu.memory_space<vmem_shared>> -> memref<10240x128xf32, #tpu.memory_space<vmem_shared>>
        tpu.enqueue_indirect_dma source(%arg17 : memref<64x128xf32, #tpu.memory_space<vmem>>) target(%dma_start3A_264 : memref<10240x128xf32, #tpu.memory_space<vmem_shared>>) offsets(%arg13 : memref<64xi32, #tpu.memory_space<vmem>>) semaphore(%run_scoped3A : memref<!tpu.dma_semaphore, #tpu.memory_space<semaphore_mem>>) {add = true}
        %dma_wait3A_265 = arith.constant 0 : i32
        %dma_wait3A_266 = arith.constant 0 : i32
        %dma_wait3A_267 = tpu.memref_slice %arg19[%dma_wait3A_265, %dma_wait3A_266] : memref<10240x128xf32, #tpu.memory_space<vmem_shared>> -> memref<10240x128xf32, #tpu.memory_space<vmem_shared>>
        tpu.wait_indirect_dma semaphore(%run_scoped3A : memref<!tpu.dma_semaphore, #tpu.memory_space<semaphore_mem>>) src(%arg17 : memref<64x128xf32, #tpu.memory_space<vmem>>) dst(%dma_wait3A_267 : memref<10240x128xf32, #tpu.memory_space<vmem_shared>>)
        tpu.yield
      }) : () -> ()
      %add3A_245 = arith.constant 1 : i32
      %add3A_246 = arith.addi %scan3A_107, %add3A_245 : i32
      %lt3A_247 = arith.constant 80 : i32
      %lt3A_248 = arith.cmpi slt, %add3A_246, %lt3A_247 : i32
      %convert_element_type3A_249 = arith.extui %lt3A_248 : i1 to i32
      %cond3A_250 = arith.constant 0 : i32
      %cond3A_251 = arith.cmpi ne, %convert_element_type3A_249, %cond3A_250 : i32
      scf.if %cond3A_251 {
        %add3A_262 = arith.constant 4 : i32
        %add3A_263 = arith.addi %mul3A_109, %add3A_262 : i32
        %add3A_264 = arith.constant 2 : i32
        %add3A_265 = arith.addi %add3A_263, %add3A_264 : i32
        %add3A_266 = arith.addi %mul3A_2, %add3A_265 : i32
        %dma_start3A_267 = arith.constant 0 : i32
        %dma_start3A_268 = arith.constant 0 : i32
        %dma_start3A_269 = tpu.memref_slice %arg3[%arg0, %dma_start3A_267, %dma_start3A_268] : memref<2x5120x64xi32, #tpu.memory_space<hbm>> -> memref<1x5120x64xi32, #tpu.memory_space<hbm>>
        %dma_start3A_270 = tpu.memref_squeeze %dma_start3A_269 : memref<1x5120x64xi32, #tpu.memory_space<hbm>> -> memref<5120x64xi32, #tpu.memory_space<hbm>>
        %dma_start3A_271 = arith.constant 0 : i32
        %dma_start3A_272 = tpu.memref_slice %dma_start3A_270[%add3A_266, %dma_start3A_271] : memref<5120x64xi32, #tpu.memory_space<hbm>> -> memref<1x64xi32, #tpu.memory_space<hbm>>
        %dma_start3A_273 = tpu.memref_squeeze %dma_start3A_272 : memref<1x64xi32, #tpu.memory_space<hbm>> -> memref<64xi32, #tpu.memory_space<hbm>>
        %dma_start3A_274 = arith.constant 0 : i32
        %dma_start3A_275 = arith.constant 0 : i32
        %dma_start3A_276 = tpu.memref_slice %arg3[%arg0, %dma_start3A_274, %dma_start3A_275] : memref<2x5120x64xi32, #tpu.memory_space<hbm>> -> memref<1x5120x64xi32, #tpu.memory_space<hbm>>
        %dma_start3A_277 = tpu.memref_squeeze %dma_start3A_276 : memref<1x5120x64xi32, #tpu.memory_space<hbm>> -> memref<5120x64xi32, #tpu.memory_space<hbm>>
        %dma_start3A_278 = arith.constant 0 : i32
        %dma_start3A_279 = tpu.memref_slice %dma_start3A_277[%add3A_266, %dma_start3A_278] : memref<5120x64xi32, #tpu.memory_space<hbm>> -> memref<1x64xi32, #tpu.memory_space<hbm>>
        %dma_start3A_280 = tpu.memref_squeeze %dma_start3A_279 : memref<1x64xi32, #tpu.memory_space<hbm>> -> memref<64xi32, #tpu.memory_space<hbm>>
        tpu.enqueue_dma source(%dma_start3A_280 : memref<64xi32, #tpu.memory_space<hbm>>) target(%arg9 : memref<64xi32, #tpu.memory_space<vmem>>) target_semaphore(%arg26 : memref<!tpu.dma_semaphore, #tpu.memory_space<semaphore_mem>>)
        %add3A_281 = arith.addi %mul3A_2, %add3A_265 : i32
        %dma_start3A_282 = arith.constant 0 : i32
        %dma_start3A_283 = tpu.memref_slice %arg4[%add3A_281, %dma_start3A_282] : memref<5120x64xi32, #tpu.memory_space<hbm>> -> memref<1x64xi32, #tpu.memory_space<hbm>>
        %dma_start3A_284 = tpu.memref_squeeze %dma_start3A_283 : memref<1x64xi32, #tpu.memory_space<hbm>> -> memref<64xi32, #tpu.memory_space<hbm>>
        %dma_start3A_285 = arith.constant 0 : i32
        %dma_start3A_286 = tpu.memref_slice %arg4[%add3A_281, %dma_start3A_285] : memref<5120x64xi32, #tpu.memory_space<hbm>> -> memref<1x64xi32, #tpu.memory_space<hbm>>
        %dma_start3A_287 = tpu.memref_squeeze %dma_start3A_286 : memref<1x64xi32, #tpu.memory_space<hbm>> -> memref<64xi32, #tpu.memory_space<hbm>>
        tpu.enqueue_dma source(%dma_start3A_287 : memref<64xi32, #tpu.memory_space<hbm>>) target(%arg13 : memref<64xi32, #tpu.memory_space<vmem>>) target_semaphore(%arg26 : memref<!tpu.dma_semaphore, #tpu.memory_space<semaphore_mem>>)
      } else {
      }
      %dma_wait3A_252 = arith.constant 0 : i32
      %dma_wait3A_253 = arith.constant 0 : i32
      %dma_wait3A_254 = tpu.memref_slice %arg2[%dma_wait3A_252, %dma_wait3A_253] : memref<20480x128xf32, #tpu.memory_space<hbm>> -> memref<20480x128xf32, #tpu.memory_space<hbm>>
      tpu.wait_indirect_dma semaphore(%arg23 : memref<!tpu.dma_semaphore, #tpu.memory_space<semaphore_mem>>) src(%dma_wait3A_254 : memref<20480x128xf32, #tpu.memory_space<hbm>>) dst(%arg18 : memref<64x128xf32, #tpu.memory_space<vmem>>)
      "tpu.region"() ({
        %run_scoped3A = tpu.sem_alloc : memref<!tpu.dma_semaphore, #tpu.memory_space<semaphore_mem>>
        %dma_start3A_262 = arith.constant 0 : i32
        %dma_start3A_263 = arith.constant 0 : i32
        %dma_start3A_264 = tpu.memref_slice %arg19[%dma_start3A_262, %dma_start3A_263] : memref<10240x128xf32, #tpu.memory_space<vmem_shared>> -> memref<10240x128xf32, #tpu.memory_space<vmem_shared>>
        tpu.enqueue_indirect_dma source(%arg18 : memref<64x128xf32, #tpu.memory_space<vmem>>) target(%dma_start3A_264 : memref<10240x128xf32, #tpu.memory_space<vmem_shared>>) offsets(%arg14 : memref<64xi32, #tpu.memory_space<vmem>>) semaphore(%run_scoped3A : memref<!tpu.dma_semaphore, #tpu.memory_space<semaphore_mem>>) {add = true}
        %dma_wait3A_265 = arith.constant 0 : i32
        %dma_wait3A_266 = arith.constant 0 : i32
        %dma_wait3A_267 = tpu.memref_slice %arg19[%dma_wait3A_265, %dma_wait3A_266] : memref<10240x128xf32, #tpu.memory_space<vmem_shared>> -> memref<10240x128xf32, #tpu.memory_space<vmem_shared>>
        tpu.wait_indirect_dma semaphore(%run_scoped3A : memref<!tpu.dma_semaphore, #tpu.memory_space<semaphore_mem>>) src(%arg18 : memref<64x128xf32, #tpu.memory_space<vmem>>) dst(%dma_wait3A_267 : memref<10240x128xf32, #tpu.memory_space<vmem_shared>>)
        tpu.yield
      }) : () -> ()
      %add3A_255 = arith.constant 1 : i32
      %add3A_256 = arith.addi %scan3A_107, %add3A_255 : i32
      %lt3A_257 = arith.constant 80 : i32
      %lt3A_258 = arith.cmpi slt, %add3A_256, %lt3A_257 : i32
      %convert_element_type3A_259 = arith.extui %lt3A_258 : i1 to i32
      %cond3A_260 = arith.constant 0 : i32
      %cond3A_261 = arith.cmpi ne, %convert_element_type3A_259, %cond3A_260 : i32
      scf.if %cond3A_261 {
        %add3A_262 = arith.constant 4 : i32
        %add3A_263 = arith.addi %mul3A_109, %add3A_262 : i32
        %add3A_264 = arith.constant 3 : i32
        %add3A_265 = arith.addi %add3A_263, %add3A_264 : i32
        %add3A_266 = arith.addi %mul3A_2, %add3A_265 : i32
        %dma_start3A_267 = arith.constant 0 : i32
        %dma_start3A_268 = arith.constant 0 : i32
        %dma_start3A_269 = tpu.memref_slice %arg3[%arg0, %dma_start3A_267, %dma_start3A_268] : memref<2x5120x64xi32, #tpu.memory_space<hbm>> -> memref<1x5120x64xi32, #tpu.memory_space<hbm>>
        %dma_start3A_270 = tpu.memref_squeeze %dma_start3A_269 : memref<1x5120x64xi32, #tpu.memory_space<hbm>> -> memref<5120x64xi32, #tpu.memory_space<hbm>>
        %dma_start3A_271 = arith.constant 0 : i32
        %dma_start3A_272 = tpu.memref_slice %dma_start3A_270[%add3A_266, %dma_start3A_271] : memref<5120x64xi32, #tpu.memory_space<hbm>> -> memref<1x64xi32, #tpu.memory_space<hbm>>
        %dma_start3A_273 = tpu.memref_squeeze %dma_start3A_272 : memref<1x64xi32, #tpu.memory_space<hbm>> -> memref<64xi32, #tpu.memory_space<hbm>>
        %dma_start3A_274 = arith.constant 0 : i32
        %dma_start3A_275 = arith.constant 0 : i32
        %dma_start3A_276 = tpu.memref_slice %arg3[%arg0, %dma_start3A_274, %dma_start3A_275] : memref<2x5120x64xi32, #tpu.memory_space<hbm>> -> memref<1x5120x64xi32, #tpu.memory_space<hbm>>
        %dma_start3A_277 = tpu.memref_squeeze %dma_start3A_276 : memref<1x5120x64xi32, #tpu.memory_space<hbm>> -> memref<5120x64xi32, #tpu.memory_space<hbm>>
        %dma_start3A_278 = arith.constant 0 : i32
        %dma_start3A_279 = tpu.memref_slice %dma_start3A_277[%add3A_266, %dma_start3A_278] : memref<5120x64xi32, #tpu.memory_space<hbm>> -> memref<1x64xi32, #tpu.memory_space<hbm>>
        %dma_start3A_280 = tpu.memref_squeeze %dma_start3A_279 : memref<1x64xi32, #tpu.memory_space<hbm>> -> memref<64xi32, #tpu.memory_space<hbm>>
        tpu.enqueue_dma source(%dma_start3A_280 : memref<64xi32, #tpu.memory_space<hbm>>) target(%arg10 : memref<64xi32, #tpu.memory_space<vmem>>) target_semaphore(%arg27 : memref<!tpu.dma_semaphore, #tpu.memory_space<semaphore_mem>>)
        %add3A_281 = arith.addi %mul3A_2, %add3A_265 : i32
        %dma_start3A_282 = arith.constant 0 : i32
        %dma_start3A_283 = tpu.memref_slice %arg4[%add3A_281, %dma_start3A_282] : memref<5120x64xi32, #tpu.memory_space<hbm>> -> memref<1x64xi32, #tpu.memory_space<hbm>>
        %dma_start3A_284 = tpu.memref_squeeze %dma_start3A_283 : memref<1x64xi32, #tpu.memory_space<hbm>> -> memref<64xi32, #tpu.memory_space<hbm>>
        %dma_start3A_285 = arith.constant 0 : i32
        %dma_start3A_286 = tpu.memref_slice %arg4[%add3A_281, %dma_start3A_285] : memref<5120x64xi32, #tpu.memory_space<hbm>> -> memref<1x64xi32, #tpu.memory_space<hbm>>
        %dma_start3A_287 = tpu.memref_squeeze %dma_start3A_286 : memref<1x64xi32, #tpu.memory_space<hbm>> -> memref<64xi32, #tpu.memory_space<hbm>>
        tpu.enqueue_dma source(%dma_start3A_287 : memref<64xi32, #tpu.memory_space<hbm>>) target(%arg14 : memref<64xi32, #tpu.memory_space<vmem>>) target_semaphore(%arg27 : memref<!tpu.dma_semaphore, #tpu.memory_space<semaphore_mem>>)
      } else {
      }
    }
    %scan3A_101 = arith.constant 80 : i32
    %barrier3A_102 = arith.constant 0 : index
    tpu.barrier barrier_id(%barrier3A_102)
    %mul3A_103 = arith.constant 640 : i32
    %mul3A_104 = arith.muli %arg1, %mul3A_103 : i32
    %mul3A_105 = arith.constant 640 : i32
    %mul3A_106 = arith.muli %arg1, %mul3A_105 : i32
    "tpu.region"() ({
      %run_scoped3A = tpu.sem_alloc : memref<!tpu.dma_semaphore, #tpu.memory_space<semaphore_mem>>
      %dma_start3A_107 = arith.constant 0 : i32
      %dma_start3A_108 = arith.constant 0 : i32
      %dma_start3A_109 = tpu.memref_slice %arg6[%arg0, %dma_start3A_107, %dma_start3A_108] : memref<2x10240x128xf32, #tpu.memory_space<hbm>> -> memref<1x10240x128xf32, #tpu.memory_space<hbm>>
      %dma_start3A_110 = tpu.memref_squeeze %dma_start3A_109 : memref<1x10240x128xf32, #tpu.memory_space<hbm>> -> memref<10240x128xf32, #tpu.memory_space<hbm>>
      %dma_start3A_111 = arith.constant 0 : i32
      %dma_start3A_112 = tpu.memref_slice %dma_start3A_110[%mul3A_106, %dma_start3A_111] : memref<10240x128xf32, #tpu.memory_space<hbm>> -> memref<640x128xf32, #tpu.memory_space<hbm>>
      %dma_start3A_113 = arith.constant 0 : i32
      %dma_start3A_114 = tpu.memref_slice %arg19[%mul3A_104, %dma_start3A_113] : memref<10240x128xf32, #tpu.memory_space<vmem_shared>> -> memref<640x128xf32, #tpu.memory_space<vmem_shared>>
      tpu.enqueue_dma source(%dma_start3A_114 : memref<640x128xf32, #tpu.memory_space<vmem_shared>>) target(%dma_start3A_112 : memref<640x128xf32, #tpu.memory_space<hbm>>) target_semaphore(%run_scoped3A : memref<!tpu.dma_semaphore, #tpu.memory_space<semaphore_mem>>)
      %dma_wait3A = arith.constant 0 : i32
      %dma_wait3A_115 = arith.constant 0 : i32
      %dma_wait3A_116 = tpu.memref_slice %arg6[%arg0, %dma_wait3A, %dma_wait3A_115] : memref<2x10240x128xf32, #tpu.memory_space<hbm>> -> memref<1x10240x128xf32, #tpu.memory_space<hbm>>
      %dma_wait3A_117 = tpu.memref_squeeze %dma_wait3A_116 : memref<1x10240x128xf32, #tpu.memory_space<hbm>> -> memref<10240x128xf32, #tpu.memory_space<hbm>>
      %dma_wait3A_118 = arith.constant 0 : i32
      %dma_wait3A_119 = tpu.memref_slice %dma_wait3A_117[%mul3A_106, %dma_wait3A_118] : memref<10240x128xf32, #tpu.memory_space<hbm>> -> memref<640x128xf32, #tpu.memory_space<hbm>>
      %dma_wait3A_120 = arith.constant 0 : i32
      %dma_wait3A_121 = tpu.memref_slice %arg19[%mul3A_104, %dma_wait3A_120] : memref<10240x128xf32, #tpu.memory_space<vmem_shared>> -> memref<640x128xf32, #tpu.memory_space<vmem_shared>>
      tpu.wait_dma2 semaphore(%run_scoped3A : memref<!tpu.dma_semaphore, #tpu.memory_space<semaphore_mem>>) src(%dma_wait3A_121 : memref<640x128xf32, #tpu.memory_space<vmem_shared>>) dst(%dma_wait3A_119 : memref<640x128xf32, #tpu.memory_space<hbm>>)
      tpu.yield
    }) : () -> ()
    return
  }
}

#map = affine_map<(d0, d1) -> (0, 0)>
#map1 = affine_map<(d0, d1) -> (0, 0, 0)>
module attributes {stable_mosaic.version = 14 : i64} {
  func.func @body(%arg0: i32, %arg1: i32, %arg2: memref<20480x80xf32, #tpu.memory_space<hbm>>, %arg3: memref<2x2560x128xi32, #tpu.memory_space<hbm>>, %arg4: memref<2560x128xi32, #tpu.memory_space<hbm>>, %arg5: memref<640x80xf32, #tpu.memory_space<hbm>>, %arg6: memref<2x10240x80xf32, #tpu.memory_space<hbm>>, %arg7: memref<128xi32, #tpu.memory_space<vmem>>, %arg8: memref<128xi32, #tpu.memory_space<vmem>>, %arg9: memref<128xi32, #tpu.memory_space<vmem>>, %arg10: memref<128xi32, #tpu.memory_space<vmem>>, %arg11: memref<128xi32, #tpu.memory_space<vmem>>, %arg12: memref<128xi32, #tpu.memory_space<vmem>>, %arg13: memref<128xi32, #tpu.memory_space<vmem>>, %arg14: memref<128xi32, #tpu.memory_space<vmem>>, %arg15: memref<128x80xf32, #tpu.memory_space<vmem>>, %arg16: memref<128x80xf32, #tpu.memory_space<vmem>>, %arg17: memref<128x80xf32, #tpu.memory_space<vmem>>, %arg18: memref<128x80xf32, #tpu.memory_space<vmem>>, %arg19: memref<10240x80xf32, #tpu.memory_space<vmem_shared>>, %arg20: memref<!tpu.dma_semaphore, #tpu.memory_space<semaphore_mem>>, %arg21: memref<!tpu.dma_semaphore, #tpu.memory_space<semaphore_mem>>, %arg22: memref<!tpu.dma_semaphore, #tpu.memory_space<semaphore_mem>>, %arg23: memref<!tpu.dma_semaphore, #tpu.memory_space<semaphore_mem>>, %arg24: memref<!tpu.dma_semaphore, #tpu.memory_space<semaphore_mem>>, %arg25: memref<!tpu.dma_semaphore, #tpu.memory_space<semaphore_mem>>, %arg26: memref<!tpu.dma_semaphore, #tpu.memory_space<semaphore_mem>>, %arg27: memref<!tpu.dma_semaphore, #tpu.memory_space<semaphore_mem>>) attributes {dimension_semantics = [#tpu.dimension_semantics<core_parallel>, #tpu.dimension_semantics<subcore_parallel>], iteration_bounds = array<i64: 2, 16>, scalar_prefetch = 0 : i64, scratch_operands = 21 : i64, tpu.core_type = #tpu.core_type<sc_vector_subcore>, window_params = [{transform_indices = #map}, {transform_indices = #map1}, {transform_indices = #map}, {transform_indices = #map}, {transform_indices = #map1}]} {
    %mul3A = arith.constant 640 : i32
    %mul3A_0 = arith.muli %arg1, %mul3A : i32
    "tpu.region"() ({
      %run_scoped3A = tpu.sem_alloc : memref<!tpu.dma_semaphore, #tpu.memory_space<semaphore_mem>>
      %dma_start3A_107 = arith.constant 0 : i32
      %dma_start3A_108 = tpu.memref_slice %arg19[%mul3A_0, %dma_start3A_107] : memref<10240x80xf32, #tpu.memory_space<vmem_shared>> -> memref<640x80xf32, #tpu.memory_space<vmem_shared>>
      tpu.enqueue_dma source(%arg5 : memref<640x80xf32, #tpu.memory_space<hbm>>) target(%dma_start3A_108 : memref<640x80xf32, #tpu.memory_space<vmem_shared>>) target_semaphore(%run_scoped3A : memref<!tpu.dma_semaphore, #tpu.memory_space<semaphore_mem>>)
      %dma_wait3A = arith.constant 0 : i32
      %dma_wait3A_109 = tpu.memref_slice %arg19[%mul3A_0, %dma_wait3A] : memref<10240x80xf32, #tpu.memory_space<vmem_shared>> -> memref<640x80xf32, #tpu.memory_space<vmem_shared>>
      tpu.wait_dma2 semaphore(%run_scoped3A : memref<!tpu.dma_semaphore, #tpu.memory_space<semaphore_mem>>) src(%arg5 : memref<640x80xf32, #tpu.memory_space<hbm>>) dst(%dma_wait3A_109 : memref<640x80xf32, #tpu.memory_space<vmem_shared>>)
      tpu.yield
    }) : () -> ()
    %mul3A_1 = arith.constant 160 : i32
    %mul3A_2 = arith.muli %arg1, %mul3A_1 : i32
    %barrier3A = arith.constant 0 : index
    tpu.barrier barrier_id(%barrier3A)
    %add3A = arith.constant 0 : i32
    %add3A_3 = arith.addi %mul3A_2, %add3A : i32
    %dma_start3A = arith.constant 0 : i32
    %dma_start3A_4 = arith.constant 0 : i32
    %dma_start3A_5 = tpu.memref_slice %arg3[%arg0, %dma_start3A, %dma_start3A_4] : memref<2x2560x128xi32, #tpu.memory_space<hbm>> -> memref<1x2560x128xi32, #tpu.memory_space<hbm>>
    %dma_start3A_6 = tpu.memref_squeeze %dma_start3A_5 : memref<1x2560x128xi32, #tpu.memory_space<hbm>> -> memref<2560x128xi32, #tpu.memory_space<hbm>>
    %dma_start3A_7 = arith.constant 0 : i32
    %dma_start3A_8 = tpu.memref_slice %dma_start3A_6[%add3A_3, %dma_start3A_7] : memref<2560x128xi32, #tpu.memory_space<hbm>> -> memref<1x128xi32, #tpu.memory_space<hbm>>
    %dma_start3A_9 = tpu.memref_squeeze %dma_start3A_8 : memref<1x128xi32, #tpu.memory_space<hbm>> -> memref<128xi32, #tpu.memory_space<hbm>>
    %dma_start3A_10 = arith.constant 0 : i32
    %dma_start3A_11 = arith.constant 0 : i32
    %dma_start3A_12 = tpu.memref_slice %arg3[%arg0, %dma_start3A_10, %dma_start3A_11] : memref<2x2560x128xi32, #tpu.memory_space<hbm>> -> memref<1x2560x128xi32, #tpu.memory_space<hbm>>
    %dma_start3A_13 = tpu.memref_squeeze %dma_start3A_12 : memref<1x2560x128xi32, #tpu.memory_space<hbm>> -> memref<2560x128xi32, #tpu.memory_space<hbm>>
    %dma_start3A_14 = arith.constant 0 : i32
    %dma_start3A_15 = tpu.memref_slice %dma_start3A_13[%add3A_3, %dma_start3A_14] : memref<2560x128xi32, #tpu.memory_space<hbm>> -> memref<1x128xi32, #tpu.memory_space<hbm>>
    %dma_start3A_16 = tpu.memref_squeeze %dma_start3A_15 : memref<1x128xi32, #tpu.memory_space<hbm>> -> memref<128xi32, #tpu.memory_space<hbm>>
    tpu.enqueue_dma source(%dma_start3A_16 : memref<128xi32, #tpu.memory_space<hbm>>) target(%arg7 : memref<128xi32, #tpu.memory_space<vmem>>) target_semaphore(%arg24 : memref<!tpu.dma_semaphore, #tpu.memory_space<semaphore_mem>>)
    %add3A_17 = arith.constant 0 : i32
    %add3A_18 = arith.addi %mul3A_2, %add3A_17 : i32
    %dma_start3A_19 = arith.constant 0 : i32
    %dma_start3A_20 = tpu.memref_slice %arg4[%add3A_18, %dma_start3A_19] : memref<2560x128xi32, #tpu.memory_space<hbm>> -> memref<1x128xi32, #tpu.memory_space<hbm>>
    %dma_start3A_21 = tpu.memref_squeeze %dma_start3A_20 : memref<1x128xi32, #tpu.memory_space<hbm>> -> memref<128xi32, #tpu.memory_space<hbm>>
    %dma_start3A_22 = arith.constant 0 : i32
    %dma_start3A_23 = tpu.memref_slice %arg4[%add3A_18, %dma_start3A_22] : memref<2560x128xi32, #tpu.memory_space<hbm>> -> memref<1x128xi32, #tpu.memory_space<hbm>>
    %dma_start3A_24 = tpu.memref_squeeze %dma_start3A_23 : memref<1x128xi32, #tpu.memory_space<hbm>> -> memref<128xi32, #tpu.memory_space<hbm>>
    tpu.enqueue_dma source(%dma_start3A_24 : memref<128xi32, #tpu.memory_space<hbm>>) target(%arg11 : memref<128xi32, #tpu.memory_space<vmem>>) target_semaphore(%arg24 : memref<!tpu.dma_semaphore, #tpu.memory_space<semaphore_mem>>)
    %add3A_25 = arith.constant 1 : i32
    %add3A_26 = arith.addi %mul3A_2, %add3A_25 : i32
    %dma_start3A_27 = arith.constant 0 : i32
    %dma_start3A_28 = arith.constant 0 : i32
    %dma_start3A_29 = tpu.memref_slice %arg3[%arg0, %dma_start3A_27, %dma_start3A_28] : memref<2x2560x128xi32, #tpu.memory_space<hbm>> -> memref<1x2560x128xi32, #tpu.memory_space<hbm>>
    %dma_start3A_30 = tpu.memref_squeeze %dma_start3A_29 : memref<1x2560x128xi32, #tpu.memory_space<hbm>> -> memref<2560x128xi32, #tpu.memory_space<hbm>>
    %dma_start3A_31 = arith.constant 0 : i32
    %dma_start3A_32 = tpu.memref_slice %dma_start3A_30[%add3A_26, %dma_start3A_31] : memref<2560x128xi32, #tpu.memory_space<hbm>> -> memref<1x128xi32, #tpu.memory_space<hbm>>
    %dma_start3A_33 = tpu.memref_squeeze %dma_start3A_32 : memref<1x128xi32, #tpu.memory_space<hbm>> -> memref<128xi32, #tpu.memory_space<hbm>>
    %dma_start3A_34 = arith.constant 0 : i32
    %dma_start3A_35 = arith.constant 0 : i32
    %dma_start3A_36 = tpu.memref_slice %arg3[%arg0, %dma_start3A_34, %dma_start3A_35] : memref<2x2560x128xi32, #tpu.memory_space<hbm>> -> memref<1x2560x128xi32, #tpu.memory_space<hbm>>
    %dma_start3A_37 = tpu.memref_squeeze %dma_start3A_36 : memref<1x2560x128xi32, #tpu.memory_space<hbm>> -> memref<2560x128xi32, #tpu.memory_space<hbm>>
    %dma_start3A_38 = arith.constant 0 : i32
    %dma_start3A_39 = tpu.memref_slice %dma_start3A_37[%add3A_26, %dma_start3A_38] : memref<2560x128xi32, #tpu.memory_space<hbm>> -> memref<1x128xi32, #tpu.memory_space<hbm>>
    %dma_start3A_40 = tpu.memref_squeeze %dma_start3A_39 : memref<1x128xi32, #tpu.memory_space<hbm>> -> memref<128xi32, #tpu.memory_space<hbm>>
    tpu.enqueue_dma source(%dma_start3A_40 : memref<128xi32, #tpu.memory_space<hbm>>) target(%arg8 : memref<128xi32, #tpu.memory_space<vmem>>) target_semaphore(%arg25 : memref<!tpu.dma_semaphore, #tpu.memory_space<semaphore_mem>>)
    %add3A_41 = arith.constant 1 : i32
    %add3A_42 = arith.addi %mul3A_2, %add3A_41 : i32
    %dma_start3A_43 = arith.constant 0 : i32
    %dma_start3A_44 = tpu.memref_slice %arg4[%add3A_42, %dma_start3A_43] : memref<2560x128xi32, #tpu.memory_space<hbm>> -> memref<1x128xi32, #tpu.memory_space<hbm>>
    %dma_start3A_45 = tpu.memref_squeeze %dma_start3A_44 : memref<1x128xi32, #tpu.memory_space<hbm>> -> memref<128xi32, #tpu.memory_space<hbm>>
    %dma_start3A_46 = arith.constant 0 : i32
    %dma_start3A_47 = tpu.memref_slice %arg4[%add3A_42, %dma_start3A_46] : memref<2560x128xi32, #tpu.memory_space<hbm>> -> memref<1x128xi32, #tpu.memory_space<hbm>>
    %dma_start3A_48 = tpu.memref_squeeze %dma_start3A_47 : memref<1x128xi32, #tpu.memory_space<hbm>> -> memref<128xi32, #tpu.memory_space<hbm>>
    tpu.enqueue_dma source(%dma_start3A_48 : memref<128xi32, #tpu.memory_space<hbm>>) target(%arg12 : memref<128xi32, #tpu.memory_space<vmem>>) target_semaphore(%arg25 : memref<!tpu.dma_semaphore, #tpu.memory_space<semaphore_mem>>)
    %add3A_49 = arith.constant 2 : i32
    %add3A_50 = arith.addi %mul3A_2, %add3A_49 : i32
    %dma_start3A_51 = arith.constant 0 : i32
    %dma_start3A_52 = arith.constant 0 : i32
    %dma_start3A_53 = tpu.memref_slice %arg3[%arg0, %dma_start3A_51, %dma_start3A_52] : memref<2x2560x128xi32, #tpu.memory_space<hbm>> -> memref<1x2560x128xi32, #tpu.memory_space<hbm>>
    %dma_start3A_54 = tpu.memref_squeeze %dma_start3A_53 : memref<1x2560x128xi32, #tpu.memory_space<hbm>> -> memref<2560x128xi32, #tpu.memory_space<hbm>>
    %dma_start3A_55 = arith.constant 0 : i32
    %dma_start3A_56 = tpu.memref_slice %dma_start3A_54[%add3A_50, %dma_start3A_55] : memref<2560x128xi32, #tpu.memory_space<hbm>> -> memref<1x128xi32, #tpu.memory_space<hbm>>
    %dma_start3A_57 = tpu.memref_squeeze %dma_start3A_56 : memref<1x128xi32, #tpu.memory_space<hbm>> -> memref<128xi32, #tpu.memory_space<hbm>>
    %dma_start3A_58 = arith.constant 0 : i32
    %dma_start3A_59 = arith.constant 0 : i32
    %dma_start3A_60 = tpu.memref_slice %arg3[%arg0, %dma_start3A_58, %dma_start3A_59] : memref<2x2560x128xi32, #tpu.memory_space<hbm>> -> memref<1x2560x128xi32, #tpu.memory_space<hbm>>
    %dma_start3A_61 = tpu.memref_squeeze %dma_start3A_60 : memref<1x2560x128xi32, #tpu.memory_space<hbm>> -> memref<2560x128xi32, #tpu.memory_space<hbm>>
    %dma_start3A_62 = arith.constant 0 : i32
    %dma_start3A_63 = tpu.memref_slice %dma_start3A_61[%add3A_50, %dma_start3A_62] : memref<2560x128xi32, #tpu.memory_space<hbm>> -> memref<1x128xi32, #tpu.memory_space<hbm>>
    %dma_start3A_64 = tpu.memref_squeeze %dma_start3A_63 : memref<1x128xi32, #tpu.memory_space<hbm>> -> memref<128xi32, #tpu.memory_space<hbm>>
    tpu.enqueue_dma source(%dma_start3A_64 : memref<128xi32, #tpu.memory_space<hbm>>) target(%arg9 : memref<128xi32, #tpu.memory_space<vmem>>) target_semaphore(%arg26 : memref<!tpu.dma_semaphore, #tpu.memory_space<semaphore_mem>>)
    %add3A_65 = arith.constant 2 : i32
    %add3A_66 = arith.addi %mul3A_2, %add3A_65 : i32
    %dma_start3A_67 = arith.constant 0 : i32
    %dma_start3A_68 = tpu.memref_slice %arg4[%add3A_66, %dma_start3A_67] : memref<2560x128xi32, #tpu.memory_space<hbm>> -> memref<1x128xi32, #tpu.memory_space<hbm>>
    %dma_start3A_69 = tpu.memref_squeeze %dma_start3A_68 : memref<1x128xi32, #tpu.memory_space<hbm>> -> memref<128xi32, #tpu.memory_space<hbm>>
    %dma_start3A_70 = arith.constant 0 : i32
    %dma_start3A_71 = tpu.memref_slice %arg4[%add3A_66, %dma_start3A_70] : memref<2560x128xi32, #tpu.memory_space<hbm>> -> memref<1x128xi32, #tpu.memory_space<hbm>>
    %dma_start3A_72 = tpu.memref_squeeze %dma_start3A_71 : memref<1x128xi32, #tpu.memory_space<hbm>> -> memref<128xi32, #tpu.memory_space<hbm>>
    tpu.enqueue_dma source(%dma_start3A_72 : memref<128xi32, #tpu.memory_space<hbm>>) target(%arg13 : memref<128xi32, #tpu.memory_space<vmem>>) target_semaphore(%arg26 : memref<!tpu.dma_semaphore, #tpu.memory_space<semaphore_mem>>)
    %add3A_73 = arith.constant 3 : i32
    %add3A_74 = arith.addi %mul3A_2, %add3A_73 : i32
    %dma_start3A_75 = arith.constant 0 : i32
    %dma_start3A_76 = arith.constant 0 : i32
    %dma_start3A_77 = tpu.memref_slice %arg3[%arg0, %dma_start3A_75, %dma_start3A_76] : memref<2x2560x128xi32, #tpu.memory_space<hbm>> -> memref<1x2560x128xi32, #tpu.memory_space<hbm>>
    %dma_start3A_78 = tpu.memref_squeeze %dma_start3A_77 : memref<1x2560x128xi32, #tpu.memory_space<hbm>> -> memref<2560x128xi32, #tpu.memory_space<hbm>>
    %dma_start3A_79 = arith.constant 0 : i32
    %dma_start3A_80 = tpu.memref_slice %dma_start3A_78[%add3A_74, %dma_start3A_79] : memref<2560x128xi32, #tpu.memory_space<hbm>> -> memref<1x128xi32, #tpu.memory_space<hbm>>
    %dma_start3A_81 = tpu.memref_squeeze %dma_start3A_80 : memref<1x128xi32, #tpu.memory_space<hbm>> -> memref<128xi32, #tpu.memory_space<hbm>>
    %dma_start3A_82 = arith.constant 0 : i32
    %dma_start3A_83 = arith.constant 0 : i32
    %dma_start3A_84 = tpu.memref_slice %arg3[%arg0, %dma_start3A_82, %dma_start3A_83] : memref<2x2560x128xi32, #tpu.memory_space<hbm>> -> memref<1x2560x128xi32, #tpu.memory_space<hbm>>
    %dma_start3A_85 = tpu.memref_squeeze %dma_start3A_84 : memref<1x2560x128xi32, #tpu.memory_space<hbm>> -> memref<2560x128xi32, #tpu.memory_space<hbm>>
    %dma_start3A_86 = arith.constant 0 : i32
    %dma_start3A_87 = tpu.memref_slice %dma_start3A_85[%add3A_74, %dma_start3A_86] : memref<2560x128xi32, #tpu.memory_space<hbm>> -> memref<1x128xi32, #tpu.memory_space<hbm>>
    %dma_start3A_88 = tpu.memref_squeeze %dma_start3A_87 : memref<1x128xi32, #tpu.memory_space<hbm>> -> memref<128xi32, #tpu.memory_space<hbm>>
    tpu.enqueue_dma source(%dma_start3A_88 : memref<128xi32, #tpu.memory_space<hbm>>) target(%arg10 : memref<128xi32, #tpu.memory_space<vmem>>) target_semaphore(%arg27 : memref<!tpu.dma_semaphore, #tpu.memory_space<semaphore_mem>>)
    %add3A_89 = arith.constant 3 : i32
    %add3A_90 = arith.addi %mul3A_2, %add3A_89 : i32
    %dma_start3A_91 = arith.constant 0 : i32
    %dma_start3A_92 = tpu.memref_slice %arg4[%add3A_90, %dma_start3A_91] : memref<2560x128xi32, #tpu.memory_space<hbm>> -> memref<1x128xi32, #tpu.memory_space<hbm>>
    %dma_start3A_93 = tpu.memref_squeeze %dma_start3A_92 : memref<1x128xi32, #tpu.memory_space<hbm>> -> memref<128xi32, #tpu.memory_space<hbm>>
    %dma_start3A_94 = arith.constant 0 : i32
    %dma_start3A_95 = tpu.memref_slice %arg4[%add3A_90, %dma_start3A_94] : memref<2560x128xi32, #tpu.memory_space<hbm>> -> memref<1x128xi32, #tpu.memory_space<hbm>>
    %dma_start3A_96 = tpu.memref_squeeze %dma_start3A_95 : memref<1x128xi32, #tpu.memory_space<hbm>> -> memref<128xi32, #tpu.memory_space<hbm>>
    tpu.enqueue_dma source(%dma_start3A_96 : memref<128xi32, #tpu.memory_space<hbm>>) target(%arg14 : memref<128xi32, #tpu.memory_space<vmem>>) target_semaphore(%arg27 : memref<!tpu.dma_semaphore, #tpu.memory_space<semaphore_mem>>)
    %scan3A = arith.constant 0 : i32
    %scan3A_97 = arith.constant 0 : i32
    %scan3A_98 = arith.constant 40 : i32
    %scan3A_99 = arith.addi %scan3A_97, %scan3A_98 : i32
    %scan3A_100 = arith.constant 1 : i32
    scf.for %scan3A_107 = %scan3A_97 to %scan3A_99 step %scan3A_100  : i32 {
      %mul3A_108 = arith.constant 4 : i32
      %mul3A_109 = arith.muli %scan3A_107, %mul3A_108 : i32
      %add3A_110 = arith.addi %mul3A_2, %mul3A_109 : i32
      %add3A_111 = arith.constant 0 : i32
      %add3A_112 = arith.addi %add3A_110, %add3A_111 : i32
      %dma_wait3A = arith.constant 0 : i32
      %dma_wait3A_113 = arith.constant 0 : i32
      %dma_wait3A_114 = tpu.memref_slice %arg3[%arg0, %dma_wait3A, %dma_wait3A_113] : memref<2x2560x128xi32, #tpu.memory_space<hbm>> -> memref<1x2560x128xi32, #tpu.memory_space<hbm>>
      %dma_wait3A_115 = tpu.memref_squeeze %dma_wait3A_114 : memref<1x2560x128xi32, #tpu.memory_space<hbm>> -> memref<2560x128xi32, #tpu.memory_space<hbm>>
      %dma_wait3A_116 = arith.constant 0 : i32
      %dma_wait3A_117 = tpu.memref_slice %dma_wait3A_115[%add3A_112, %dma_wait3A_116] : memref<2560x128xi32, #tpu.memory_space<hbm>> -> memref<1x128xi32, #tpu.memory_space<hbm>>
      %dma_wait3A_118 = tpu.memref_squeeze %dma_wait3A_117 : memref<1x128xi32, #tpu.memory_space<hbm>> -> memref<128xi32, #tpu.memory_space<hbm>>
      %dma_wait3A_119 = arith.constant 0 : i32
      %dma_wait3A_120 = arith.constant 0 : i32
      %dma_wait3A_121 = tpu.memref_slice %arg3[%arg0, %dma_wait3A_119, %dma_wait3A_120] : memref<2x2560x128xi32, #tpu.memory_space<hbm>> -> memref<1x2560x128xi32, #tpu.memory_space<hbm>>
      %dma_wait3A_122 = tpu.memref_squeeze %dma_wait3A_121 : memref<1x2560x128xi32, #tpu.memory_space<hbm>> -> memref<2560x128xi32, #tpu.memory_space<hbm>>
      %dma_wait3A_123 = arith.constant 0 : i32
      %dma_wait3A_124 = tpu.memref_slice %dma_wait3A_122[%add3A_112, %dma_wait3A_123] : memref<2560x128xi32, #tpu.memory_space<hbm>> -> memref<1x128xi32, #tpu.memory_space<hbm>>
      %dma_wait3A_125 = tpu.memref_squeeze %dma_wait3A_124 : memref<1x128xi32, #tpu.memory_space<hbm>> -> memref<128xi32, #tpu.memory_space<hbm>>
      tpu.wait_dma2 semaphore(%arg24 : memref<!tpu.dma_semaphore, #tpu.memory_space<semaphore_mem>>) src(%dma_wait3A_125 : memref<128xi32, #tpu.memory_space<hbm>>) dst(%arg7 : memref<128xi32, #tpu.memory_space<vmem>>)
      %add3A_126 = arith.addi %mul3A_2, %mul3A_109 : i32
      %add3A_127 = arith.constant 0 : i32
      %add3A_128 = arith.addi %add3A_126, %add3A_127 : i32
      %dma_wait3A_129 = arith.constant 0 : i32
      %dma_wait3A_130 = tpu.memref_slice %arg4[%add3A_128, %dma_wait3A_129] : memref<2560x128xi32, #tpu.memory_space<hbm>> -> memref<1x128xi32, #tpu.memory_space<hbm>>
      %dma_wait3A_131 = tpu.memref_squeeze %dma_wait3A_130 : memref<1x128xi32, #tpu.memory_space<hbm>> -> memref<128xi32, #tpu.memory_space<hbm>>
      %dma_wait3A_132 = arith.constant 0 : i32
      %dma_wait3A_133 = tpu.memref_slice %arg4[%add3A_128, %dma_wait3A_132] : memref<2560x128xi32, #tpu.memory_space<hbm>> -> memref<1x128xi32, #tpu.memory_space<hbm>>
      %dma_wait3A_134 = tpu.memref_squeeze %dma_wait3A_133 : memref<1x128xi32, #tpu.memory_space<hbm>> -> memref<128xi32, #tpu.memory_space<hbm>>
      tpu.wait_dma2 semaphore(%arg24 : memref<!tpu.dma_semaphore, #tpu.memory_space<semaphore_mem>>) src(%dma_wait3A_134 : memref<128xi32, #tpu.memory_space<hbm>>) dst(%arg11 : memref<128xi32, #tpu.memory_space<vmem>>)
      %dma_start3A_135 = arith.constant 0 : i32
      %dma_start3A_136 = arith.constant 0 : i32
      %dma_start3A_137 = tpu.memref_slice %arg2[%dma_start3A_135, %dma_start3A_136] : memref<20480x80xf32, #tpu.memory_space<hbm>> -> memref<20480x80xf32, #tpu.memory_space<hbm>>
      tpu.enqueue_indirect_dma source(%dma_start3A_137 : memref<20480x80xf32, #tpu.memory_space<hbm>>) target(%arg15 : memref<128x80xf32, #tpu.memory_space<vmem>>) offsets(%arg7 : memref<128xi32, #tpu.memory_space<vmem>>) semaphore(%arg20 : memref<!tpu.dma_semaphore, #tpu.memory_space<semaphore_mem>>)
      %add3A_138 = arith.addi %mul3A_2, %mul3A_109 : i32
      %add3A_139 = arith.constant 1 : i32
      %add3A_140 = arith.addi %add3A_138, %add3A_139 : i32
      %dma_wait3A_141 = arith.constant 0 : i32
      %dma_wait3A_142 = arith.constant 0 : i32
      %dma_wait3A_143 = tpu.memref_slice %arg3[%arg0, %dma_wait3A_141, %dma_wait3A_142] : memref<2x2560x128xi32, #tpu.memory_space<hbm>> -> memref<1x2560x128xi32, #tpu.memory_space<hbm>>
      %dma_wait3A_144 = tpu.memref_squeeze %dma_wait3A_143 : memref<1x2560x128xi32, #tpu.memory_space<hbm>> -> memref<2560x128xi32, #tpu.memory_space<hbm>>
      %dma_wait3A_145 = arith.constant 0 : i32
      %dma_wait3A_146 = tpu.memref_slice %dma_wait3A_144[%add3A_140, %dma_wait3A_145] : memref<2560x128xi32, #tpu.memory_space<hbm>> -> memref<1x128xi32, #tpu.memory_space<hbm>>
      %dma_wait3A_147 = tpu.memref_squeeze %dma_wait3A_146 : memref<1x128xi32, #tpu.memory_space<hbm>> -> memref<128xi32, #tpu.memory_space<hbm>>
      %dma_wait3A_148 = arith.constant 0 : i32
      %dma_wait3A_149 = arith.constant 0 : i32
      %dma_wait3A_150 = tpu.memref_slice %arg3[%arg0, %dma_wait3A_148, %dma_wait3A_149] : memref<2x2560x128xi32, #tpu.memory_space<hbm>> -> memref<1x2560x128xi32, #tpu.memory_space<hbm>>
      %dma_wait3A_151 = tpu.memref_squeeze %dma_wait3A_150 : memref<1x2560x128xi32, #tpu.memory_space<hbm>> -> memref<2560x128xi32, #tpu.memory_space<hbm>>
      %dma_wait3A_152 = arith.constant 0 : i32
      %dma_wait3A_153 = tpu.memref_slice %dma_wait3A_151[%add3A_140, %dma_wait3A_152] : memref<2560x128xi32, #tpu.memory_space<hbm>> -> memref<1x128xi32, #tpu.memory_space<hbm>>
      %dma_wait3A_154 = tpu.memref_squeeze %dma_wait3A_153 : memref<1x128xi32, #tpu.memory_space<hbm>> -> memref<128xi32, #tpu.memory_space<hbm>>
      tpu.wait_dma2 semaphore(%arg25 : memref<!tpu.dma_semaphore, #tpu.memory_space<semaphore_mem>>) src(%dma_wait3A_154 : memref<128xi32, #tpu.memory_space<hbm>>) dst(%arg8 : memref<128xi32, #tpu.memory_space<vmem>>)
      %add3A_155 = arith.addi %mul3A_2, %mul3A_109 : i32
      %add3A_156 = arith.constant 1 : i32
      %add3A_157 = arith.addi %add3A_155, %add3A_156 : i32
      %dma_wait3A_158 = arith.constant 0 : i32
      %dma_wait3A_159 = tpu.memref_slice %arg4[%add3A_157, %dma_wait3A_158] : memref<2560x128xi32, #tpu.memory_space<hbm>> -> memref<1x128xi32, #tpu.memory_space<hbm>>
      %dma_wait3A_160 = tpu.memref_squeeze %dma_wait3A_159 : memref<1x128xi32, #tpu.memory_space<hbm>> -> memref<128xi32, #tpu.memory_space<hbm>>
      %dma_wait3A_161 = arith.constant 0 : i32
      %dma_wait3A_162 = tpu.memref_slice %arg4[%add3A_157, %dma_wait3A_161] : memref<2560x128xi32, #tpu.memory_space<hbm>> -> memref<1x128xi32, #tpu.memory_space<hbm>>
      %dma_wait3A_163 = tpu.memref_squeeze %dma_wait3A_162 : memref<1x128xi32, #tpu.memory_space<hbm>> -> memref<128xi32, #tpu.memory_space<hbm>>
      tpu.wait_dma2 semaphore(%arg25 : memref<!tpu.dma_semaphore, #tpu.memory_space<semaphore_mem>>) src(%dma_wait3A_163 : memref<128xi32, #tpu.memory_space<hbm>>) dst(%arg12 : memref<128xi32, #tpu.memory_space<vmem>>)
      %dma_start3A_164 = arith.constant 0 : i32
      %dma_start3A_165 = arith.constant 0 : i32
      %dma_start3A_166 = tpu.memref_slice %arg2[%dma_start3A_164, %dma_start3A_165] : memref<20480x80xf32, #tpu.memory_space<hbm>> -> memref<20480x80xf32, #tpu.memory_space<hbm>>
      tpu.enqueue_indirect_dma source(%dma_start3A_166 : memref<20480x80xf32, #tpu.memory_space<hbm>>) target(%arg16 : memref<128x80xf32, #tpu.memory_space<vmem>>) offsets(%arg8 : memref<128xi32, #tpu.memory_space<vmem>>) semaphore(%arg21 : memref<!tpu.dma_semaphore, #tpu.memory_space<semaphore_mem>>)
      %add3A_167 = arith.addi %mul3A_2, %mul3A_109 : i32
      %add3A_168 = arith.constant 2 : i32
      %add3A_169 = arith.addi %add3A_167, %add3A_168 : i32
      %dma_wait3A_170 = arith.constant 0 : i32
      %dma_wait3A_171 = arith.constant 0 : i32
      %dma_wait3A_172 = tpu.memref_slice %arg3[%arg0, %dma_wait3A_170, %dma_wait3A_171] : memref<2x2560x128xi32, #tpu.memory_space<hbm>> -> memref<1x2560x128xi32, #tpu.memory_space<hbm>>
      %dma_wait3A_173 = tpu.memref_squeeze %dma_wait3A_172 : memref<1x2560x128xi32, #tpu.memory_space<hbm>> -> memref<2560x128xi32, #tpu.memory_space<hbm>>
      %dma_wait3A_174 = arith.constant 0 : i32
      %dma_wait3A_175 = tpu.memref_slice %dma_wait3A_173[%add3A_169, %dma_wait3A_174] : memref<2560x128xi32, #tpu.memory_space<hbm>> -> memref<1x128xi32, #tpu.memory_space<hbm>>
      %dma_wait3A_176 = tpu.memref_squeeze %dma_wait3A_175 : memref<1x128xi32, #tpu.memory_space<hbm>> -> memref<128xi32, #tpu.memory_space<hbm>>
      %dma_wait3A_177 = arith.constant 0 : i32
      %dma_wait3A_178 = arith.constant 0 : i32
      %dma_wait3A_179 = tpu.memref_slice %arg3[%arg0, %dma_wait3A_177, %dma_wait3A_178] : memref<2x2560x128xi32, #tpu.memory_space<hbm>> -> memref<1x2560x128xi32, #tpu.memory_space<hbm>>
      %dma_wait3A_180 = tpu.memref_squeeze %dma_wait3A_179 : memref<1x2560x128xi32, #tpu.memory_space<hbm>> -> memref<2560x128xi32, #tpu.memory_space<hbm>>
      %dma_wait3A_181 = arith.constant 0 : i32
      %dma_wait3A_182 = tpu.memref_slice %dma_wait3A_180[%add3A_169, %dma_wait3A_181] : memref<2560x128xi32, #tpu.memory_space<hbm>> -> memref<1x128xi32, #tpu.memory_space<hbm>>
      %dma_wait3A_183 = tpu.memref_squeeze %dma_wait3A_182 : memref<1x128xi32, #tpu.memory_space<hbm>> -> memref<128xi32, #tpu.memory_space<hbm>>
      tpu.wait_dma2 semaphore(%arg26 : memref<!tpu.dma_semaphore, #tpu.memory_space<semaphore_mem>>) src(%dma_wait3A_183 : memref<128xi32, #tpu.memory_space<hbm>>) dst(%arg9 : memref<128xi32, #tpu.memory_space<vmem>>)
      %add3A_184 = arith.addi %mul3A_2, %mul3A_109 : i32
      %add3A_185 = arith.constant 2 : i32
      %add3A_186 = arith.addi %add3A_184, %add3A_185 : i32
      %dma_wait3A_187 = arith.constant 0 : i32
      %dma_wait3A_188 = tpu.memref_slice %arg4[%add3A_186, %dma_wait3A_187] : memref<2560x128xi32, #tpu.memory_space<hbm>> -> memref<1x128xi32, #tpu.memory_space<hbm>>
      %dma_wait3A_189 = tpu.memref_squeeze %dma_wait3A_188 : memref<1x128xi32, #tpu.memory_space<hbm>> -> memref<128xi32, #tpu.memory_space<hbm>>
      %dma_wait3A_190 = arith.constant 0 : i32
      %dma_wait3A_191 = tpu.memref_slice %arg4[%add3A_186, %dma_wait3A_190] : memref<2560x128xi32, #tpu.memory_space<hbm>> -> memref<1x128xi32, #tpu.memory_space<hbm>>
      %dma_wait3A_192 = tpu.memref_squeeze %dma_wait3A_191 : memref<1x128xi32, #tpu.memory_space<hbm>> -> memref<128xi32, #tpu.memory_space<hbm>>
      tpu.wait_dma2 semaphore(%arg26 : memref<!tpu.dma_semaphore, #tpu.memory_space<semaphore_mem>>) src(%dma_wait3A_192 : memref<128xi32, #tpu.memory_space<hbm>>) dst(%arg13 : memref<128xi32, #tpu.memory_space<vmem>>)
      %dma_start3A_193 = arith.constant 0 : i32
      %dma_start3A_194 = arith.constant 0 : i32
      %dma_start3A_195 = tpu.memref_slice %arg2[%dma_start3A_193, %dma_start3A_194] : memref<20480x80xf32, #tpu.memory_space<hbm>> -> memref<20480x80xf32, #tpu.memory_space<hbm>>
      tpu.enqueue_indirect_dma source(%dma_start3A_195 : memref<20480x80xf32, #tpu.memory_space<hbm>>) target(%arg17 : memref<128x80xf32, #tpu.memory_space<vmem>>) offsets(%arg9 : memref<128xi32, #tpu.memory_space<vmem>>) semaphore(%arg22 : memref<!tpu.dma_semaphore, #tpu.memory_space<semaphore_mem>>)
      %add3A_196 = arith.addi %mul3A_2, %mul3A_109 : i32
      %add3A_197 = arith.constant 3 : i32
      %add3A_198 = arith.addi %add3A_196, %add3A_197 : i32
      %dma_wait3A_199 = arith.constant 0 : i32
      %dma_wait3A_200 = arith.constant 0 : i32
      %dma_wait3A_201 = tpu.memref_slice %arg3[%arg0, %dma_wait3A_199, %dma_wait3A_200] : memref<2x2560x128xi32, #tpu.memory_space<hbm>> -> memref<1x2560x128xi32, #tpu.memory_space<hbm>>
      %dma_wait3A_202 = tpu.memref_squeeze %dma_wait3A_201 : memref<1x2560x128xi32, #tpu.memory_space<hbm>> -> memref<2560x128xi32, #tpu.memory_space<hbm>>
      %dma_wait3A_203 = arith.constant 0 : i32
      %dma_wait3A_204 = tpu.memref_slice %dma_wait3A_202[%add3A_198, %dma_wait3A_203] : memref<2560x128xi32, #tpu.memory_space<hbm>> -> memref<1x128xi32, #tpu.memory_space<hbm>>
      %dma_wait3A_205 = tpu.memref_squeeze %dma_wait3A_204 : memref<1x128xi32, #tpu.memory_space<hbm>> -> memref<128xi32, #tpu.memory_space<hbm>>
      %dma_wait3A_206 = arith.constant 0 : i32
      %dma_wait3A_207 = arith.constant 0 : i32
      %dma_wait3A_208 = tpu.memref_slice %arg3[%arg0, %dma_wait3A_206, %dma_wait3A_207] : memref<2x2560x128xi32, #tpu.memory_space<hbm>> -> memref<1x2560x128xi32, #tpu.memory_space<hbm>>
      %dma_wait3A_209 = tpu.memref_squeeze %dma_wait3A_208 : memref<1x2560x128xi32, #tpu.memory_space<hbm>> -> memref<2560x128xi32, #tpu.memory_space<hbm>>
      %dma_wait3A_210 = arith.constant 0 : i32
      %dma_wait3A_211 = tpu.memref_slice %dma_wait3A_209[%add3A_198, %dma_wait3A_210] : memref<2560x128xi32, #tpu.memory_space<hbm>> -> memref<1x128xi32, #tpu.memory_space<hbm>>
      %dma_wait3A_212 = tpu.memref_squeeze %dma_wait3A_211 : memref<1x128xi32, #tpu.memory_space<hbm>> -> memref<128xi32, #tpu.memory_space<hbm>>
      tpu.wait_dma2 semaphore(%arg27 : memref<!tpu.dma_semaphore, #tpu.memory_space<semaphore_mem>>) src(%dma_wait3A_212 : memref<128xi32, #tpu.memory_space<hbm>>) dst(%arg10 : memref<128xi32, #tpu.memory_space<vmem>>)
      %add3A_213 = arith.addi %mul3A_2, %mul3A_109 : i32
      %add3A_214 = arith.constant 3 : i32
      %add3A_215 = arith.addi %add3A_213, %add3A_214 : i32
      %dma_wait3A_216 = arith.constant 0 : i32
      %dma_wait3A_217 = tpu.memref_slice %arg4[%add3A_215, %dma_wait3A_216] : memref<2560x128xi32, #tpu.memory_space<hbm>> -> memref<1x128xi32, #tpu.memory_space<hbm>>
      %dma_wait3A_218 = tpu.memref_squeeze %dma_wait3A_217 : memref<1x128xi32, #tpu.memory_space<hbm>> -> memref<128xi32, #tpu.memory_space<hbm>>
      %dma_wait3A_219 = arith.constant 0 : i32
      %dma_wait3A_220 = tpu.memref_slice %arg4[%add3A_215, %dma_wait3A_219] : memref<2560x128xi32, #tpu.memory_space<hbm>> -> memref<1x128xi32, #tpu.memory_space<hbm>>
      %dma_wait3A_221 = tpu.memref_squeeze %dma_wait3A_220 : memref<1x128xi32, #tpu.memory_space<hbm>> -> memref<128xi32, #tpu.memory_space<hbm>>
      tpu.wait_dma2 semaphore(%arg27 : memref<!tpu.dma_semaphore, #tpu.memory_space<semaphore_mem>>) src(%dma_wait3A_221 : memref<128xi32, #tpu.memory_space<hbm>>) dst(%arg14 : memref<128xi32, #tpu.memory_space<vmem>>)
      %dma_start3A_222 = arith.constant 0 : i32
      %dma_start3A_223 = arith.constant 0 : i32
      %dma_start3A_224 = tpu.memref_slice %arg2[%dma_start3A_222, %dma_start3A_223] : memref<20480x80xf32, #tpu.memory_space<hbm>> -> memref<20480x80xf32, #tpu.memory_space<hbm>>
      tpu.enqueue_indirect_dma source(%dma_start3A_224 : memref<20480x80xf32, #tpu.memory_space<hbm>>) target(%arg18 : memref<128x80xf32, #tpu.memory_space<vmem>>) offsets(%arg10 : memref<128xi32, #tpu.memory_space<vmem>>) semaphore(%arg23 : memref<!tpu.dma_semaphore, #tpu.memory_space<semaphore_mem>>)
      %dma_wait3A_225 = arith.constant 0 : i32
      %dma_wait3A_226 = arith.constant 0 : i32
      %dma_wait3A_227 = tpu.memref_slice %arg2[%dma_wait3A_225, %dma_wait3A_226] : memref<20480x80xf32, #tpu.memory_space<hbm>> -> memref<20480x80xf32, #tpu.memory_space<hbm>>
      tpu.wait_indirect_dma semaphore(%arg20 : memref<!tpu.dma_semaphore, #tpu.memory_space<semaphore_mem>>) src(%dma_wait3A_227 : memref<20480x80xf32, #tpu.memory_space<hbm>>) dst(%arg15 : memref<128x80xf32, #tpu.memory_space<vmem>>)
      "tpu.region"() ({
        %run_scoped3A = tpu.sem_alloc : memref<!tpu.dma_semaphore, #tpu.memory_space<semaphore_mem>>
        %dma_start3A_262 = arith.constant 0 : i32
        %dma_start3A_263 = arith.constant 0 : i32
        %dma_start3A_264 = tpu.memref_slice %arg19[%dma_start3A_262, %dma_start3A_263] : memref<10240x80xf32, #tpu.memory_space<vmem_shared>> -> memref<10240x80xf32, #tpu.memory_space<vmem_shared>>
        tpu.enqueue_indirect_dma source(%arg15 : memref<128x80xf32, #tpu.memory_space<vmem>>) target(%dma_start3A_264 : memref<10240x80xf32, #tpu.memory_space<vmem_shared>>) offsets(%arg11 : memref<128xi32, #tpu.memory_space<vmem>>) semaphore(%run_scoped3A : memref<!tpu.dma_semaphore, #tpu.memory_space<semaphore_mem>>) {add = true}
        %dma_wait3A_265 = arith.constant 0 : i32
        %dma_wait3A_266 = arith.constant 0 : i32
        %dma_wait3A_267 = tpu.memref_slice %arg19[%dma_wait3A_265, %dma_wait3A_266] : memref<10240x80xf32, #tpu.memory_space<vmem_shared>> -> memref<10240x80xf32, #tpu.memory_space<vmem_shared>>
        tpu.wait_indirect_dma semaphore(%run_scoped3A : memref<!tpu.dma_semaphore, #tpu.memory_space<semaphore_mem>>) src(%arg15 : memref<128x80xf32, #tpu.memory_space<vmem>>) dst(%dma_wait3A_267 : memref<10240x80xf32, #tpu.memory_space<vmem_shared>>)
        tpu.yield
      }) : () -> ()
      %add3A_228 = arith.constant 1 : i32
      %add3A_229 = arith.addi %scan3A_107, %add3A_228 : i32
      %lt3A = arith.constant 40 : i32
      %lt3A_230 = arith.cmpi slt, %add3A_229, %lt3A : i32
      %convert_element_type3A = arith.extui %lt3A_230 : i1 to i32
      %cond3A = arith.constant 0 : i32
      %cond3A_231 = arith.cmpi ne, %convert_element_type3A, %cond3A : i32
      scf.if %cond3A_231 {
        %add3A_262 = arith.constant 4 : i32
        %add3A_263 = arith.addi %mul3A_109, %add3A_262 : i32
        %add3A_264 = arith.constant 0 : i32
        %add3A_265 = arith.addi %add3A_263, %add3A_264 : i32
        %add3A_266 = arith.addi %mul3A_2, %add3A_265 : i32
        %dma_start3A_267 = arith.constant 0 : i32
        %dma_start3A_268 = arith.constant 0 : i32
        %dma_start3A_269 = tpu.memref_slice %arg3[%arg0, %dma_start3A_267, %dma_start3A_268] : memref<2x2560x128xi32, #tpu.memory_space<hbm>> -> memref<1x2560x128xi32, #tpu.memory_space<hbm>>
        %dma_start3A_270 = tpu.memref_squeeze %dma_start3A_269 : memref<1x2560x128xi32, #tpu.memory_space<hbm>> -> memref<2560x128xi32, #tpu.memory_space<hbm>>
        %dma_start3A_271 = arith.constant 0 : i32
        %dma_start3A_272 = tpu.memref_slice %dma_start3A_270[%add3A_266, %dma_start3A_271] : memref<2560x128xi32, #tpu.memory_space<hbm>> -> memref<1x128xi32, #tpu.memory_space<hbm>>
        %dma_start3A_273 = tpu.memref_squeeze %dma_start3A_272 : memref<1x128xi32, #tpu.memory_space<hbm>> -> memref<128xi32, #tpu.memory_space<hbm>>
        %dma_start3A_274 = arith.constant 0 : i32
        %dma_start3A_275 = arith.constant 0 : i32
        %dma_start3A_276 = tpu.memref_slice %arg3[%arg0, %dma_start3A_274, %dma_start3A_275] : memref<2x2560x128xi32, #tpu.memory_space<hbm>> -> memref<1x2560x128xi32, #tpu.memory_space<hbm>>
        %dma_start3A_277 = tpu.memref_squeeze %dma_start3A_276 : memref<1x2560x128xi32, #tpu.memory_space<hbm>> -> memref<2560x128xi32, #tpu.memory_space<hbm>>
        %dma_start3A_278 = arith.constant 0 : i32
        %dma_start3A_279 = tpu.memref_slice %dma_start3A_277[%add3A_266, %dma_start3A_278] : memref<2560x128xi32, #tpu.memory_space<hbm>> -> memref<1x128xi32, #tpu.memory_space<hbm>>
        %dma_start3A_280 = tpu.memref_squeeze %dma_start3A_279 : memref<1x128xi32, #tpu.memory_space<hbm>> -> memref<128xi32, #tpu.memory_space<hbm>>
        tpu.enqueue_dma source(%dma_start3A_280 : memref<128xi32, #tpu.memory_space<hbm>>) target(%arg7 : memref<128xi32, #tpu.memory_space<vmem>>) target_semaphore(%arg24 : memref<!tpu.dma_semaphore, #tpu.memory_space<semaphore_mem>>)
        %add3A_281 = arith.addi %mul3A_2, %add3A_265 : i32
        %dma_start3A_282 = arith.constant 0 : i32
        %dma_start3A_283 = tpu.memref_slice %arg4[%add3A_281, %dma_start3A_282] : memref<2560x128xi32, #tpu.memory_space<hbm>> -> memref<1x128xi32, #tpu.memory_space<hbm>>
        %dma_start3A_284 = tpu.memref_squeeze %dma_start3A_283 : memref<1x128xi32, #tpu.memory_space<hbm>> -> memref<128xi32, #tpu.memory_space<hbm>>
        %dma_start3A_285 = arith.constant 0 : i32
        %dma_start3A_286 = tpu.memref_slice %arg4[%add3A_281, %dma_start3A_285] : memref<2560x128xi32, #tpu.memory_space<hbm>> -> memref<1x128xi32, #tpu.memory_space<hbm>>
        %dma_start3A_287 = tpu.memref_squeeze %dma_start3A_286 : memref<1x128xi32, #tpu.memory_space<hbm>> -> memref<128xi32, #tpu.memory_space<hbm>>
        tpu.enqueue_dma source(%dma_start3A_287 : memref<128xi32, #tpu.memory_space<hbm>>) target(%arg11 : memref<128xi32, #tpu.memory_space<vmem>>) target_semaphore(%arg24 : memref<!tpu.dma_semaphore, #tpu.memory_space<semaphore_mem>>)
      } else {
      }
      %dma_wait3A_232 = arith.constant 0 : i32
      %dma_wait3A_233 = arith.constant 0 : i32
      %dma_wait3A_234 = tpu.memref_slice %arg2[%dma_wait3A_232, %dma_wait3A_233] : memref<20480x80xf32, #tpu.memory_space<hbm>> -> memref<20480x80xf32, #tpu.memory_space<hbm>>
      tpu.wait_indirect_dma semaphore(%arg21 : memref<!tpu.dma_semaphore, #tpu.memory_space<semaphore_mem>>) src(%dma_wait3A_234 : memref<20480x80xf32, #tpu.memory_space<hbm>>) dst(%arg16 : memref<128x80xf32, #tpu.memory_space<vmem>>)
      "tpu.region"() ({
        %run_scoped3A = tpu.sem_alloc : memref<!tpu.dma_semaphore, #tpu.memory_space<semaphore_mem>>
        %dma_start3A_262 = arith.constant 0 : i32
        %dma_start3A_263 = arith.constant 0 : i32
        %dma_start3A_264 = tpu.memref_slice %arg19[%dma_start3A_262, %dma_start3A_263] : memref<10240x80xf32, #tpu.memory_space<vmem_shared>> -> memref<10240x80xf32, #tpu.memory_space<vmem_shared>>
        tpu.enqueue_indirect_dma source(%arg16 : memref<128x80xf32, #tpu.memory_space<vmem>>) target(%dma_start3A_264 : memref<10240x80xf32, #tpu.memory_space<vmem_shared>>) offsets(%arg12 : memref<128xi32, #tpu.memory_space<vmem>>) semaphore(%run_scoped3A : memref<!tpu.dma_semaphore, #tpu.memory_space<semaphore_mem>>) {add = true}
        %dma_wait3A_265 = arith.constant 0 : i32
        %dma_wait3A_266 = arith.constant 0 : i32
        %dma_wait3A_267 = tpu.memref_slice %arg19[%dma_wait3A_265, %dma_wait3A_266] : memref<10240x80xf32, #tpu.memory_space<vmem_shared>> -> memref<10240x80xf32, #tpu.memory_space<vmem_shared>>
        tpu.wait_indirect_dma semaphore(%run_scoped3A : memref<!tpu.dma_semaphore, #tpu.memory_space<semaphore_mem>>) src(%arg16 : memref<128x80xf32, #tpu.memory_space<vmem>>) dst(%dma_wait3A_267 : memref<10240x80xf32, #tpu.memory_space<vmem_shared>>)
        tpu.yield
      }) : () -> ()
      %add3A_235 = arith.constant 1 : i32
      %add3A_236 = arith.addi %scan3A_107, %add3A_235 : i32
      %lt3A_237 = arith.constant 40 : i32
      %lt3A_238 = arith.cmpi slt, %add3A_236, %lt3A_237 : i32
      %convert_element_type3A_239 = arith.extui %lt3A_238 : i1 to i32
      %cond3A_240 = arith.constant 0 : i32
      %cond3A_241 = arith.cmpi ne, %convert_element_type3A_239, %cond3A_240 : i32
      scf.if %cond3A_241 {
        %add3A_262 = arith.constant 4 : i32
        %add3A_263 = arith.addi %mul3A_109, %add3A_262 : i32
        %add3A_264 = arith.constant 1 : i32
        %add3A_265 = arith.addi %add3A_263, %add3A_264 : i32
        %add3A_266 = arith.addi %mul3A_2, %add3A_265 : i32
        %dma_start3A_267 = arith.constant 0 : i32
        %dma_start3A_268 = arith.constant 0 : i32
        %dma_start3A_269 = tpu.memref_slice %arg3[%arg0, %dma_start3A_267, %dma_start3A_268] : memref<2x2560x128xi32, #tpu.memory_space<hbm>> -> memref<1x2560x128xi32, #tpu.memory_space<hbm>>
        %dma_start3A_270 = tpu.memref_squeeze %dma_start3A_269 : memref<1x2560x128xi32, #tpu.memory_space<hbm>> -> memref<2560x128xi32, #tpu.memory_space<hbm>>
        %dma_start3A_271 = arith.constant 0 : i32
        %dma_start3A_272 = tpu.memref_slice %dma_start3A_270[%add3A_266, %dma_start3A_271] : memref<2560x128xi32, #tpu.memory_space<hbm>> -> memref<1x128xi32, #tpu.memory_space<hbm>>
        %dma_start3A_273 = tpu.memref_squeeze %dma_start3A_272 : memref<1x128xi32, #tpu.memory_space<hbm>> -> memref<128xi32, #tpu.memory_space<hbm>>
        %dma_start3A_274 = arith.constant 0 : i32
        %dma_start3A_275 = arith.constant 0 : i32
        %dma_start3A_276 = tpu.memref_slice %arg3[%arg0, %dma_start3A_274, %dma_start3A_275] : memref<2x2560x128xi32, #tpu.memory_space<hbm>> -> memref<1x2560x128xi32, #tpu.memory_space<hbm>>
        %dma_start3A_277 = tpu.memref_squeeze %dma_start3A_276 : memref<1x2560x128xi32, #tpu.memory_space<hbm>> -> memref<2560x128xi32, #tpu.memory_space<hbm>>
        %dma_start3A_278 = arith.constant 0 : i32
        %dma_start3A_279 = tpu.memref_slice %dma_start3A_277[%add3A_266, %dma_start3A_278] : memref<2560x128xi32, #tpu.memory_space<hbm>> -> memref<1x128xi32, #tpu.memory_space<hbm>>
        %dma_start3A_280 = tpu.memref_squeeze %dma_start3A_279 : memref<1x128xi32, #tpu.memory_space<hbm>> -> memref<128xi32, #tpu.memory_space<hbm>>
        tpu.enqueue_dma source(%dma_start3A_280 : memref<128xi32, #tpu.memory_space<hbm>>) target(%arg8 : memref<128xi32, #tpu.memory_space<vmem>>) target_semaphore(%arg25 : memref<!tpu.dma_semaphore, #tpu.memory_space<semaphore_mem>>)
        %add3A_281 = arith.addi %mul3A_2, %add3A_265 : i32
        %dma_start3A_282 = arith.constant 0 : i32
        %dma_start3A_283 = tpu.memref_slice %arg4[%add3A_281, %dma_start3A_282] : memref<2560x128xi32, #tpu.memory_space<hbm>> -> memref<1x128xi32, #tpu.memory_space<hbm>>
        %dma_start3A_284 = tpu.memref_squeeze %dma_start3A_283 : memref<1x128xi32, #tpu.memory_space<hbm>> -> memref<128xi32, #tpu.memory_space<hbm>>
        %dma_start3A_285 = arith.constant 0 : i32
        %dma_start3A_286 = tpu.memref_slice %arg4[%add3A_281, %dma_start3A_285] : memref<2560x128xi32, #tpu.memory_space<hbm>> -> memref<1x128xi32, #tpu.memory_space<hbm>>
        %dma_start3A_287 = tpu.memref_squeeze %dma_start3A_286 : memref<1x128xi32, #tpu.memory_space<hbm>> -> memref<128xi32, #tpu.memory_space<hbm>>
        tpu.enqueue_dma source(%dma_start3A_287 : memref<128xi32, #tpu.memory_space<hbm>>) target(%arg12 : memref<128xi32, #tpu.memory_space<vmem>>) target_semaphore(%arg25 : memref<!tpu.dma_semaphore, #tpu.memory_space<semaphore_mem>>)
      } else {
      }
      %dma_wait3A_242 = arith.constant 0 : i32
      %dma_wait3A_243 = arith.constant 0 : i32
      %dma_wait3A_244 = tpu.memref_slice %arg2[%dma_wait3A_242, %dma_wait3A_243] : memref<20480x80xf32, #tpu.memory_space<hbm>> -> memref<20480x80xf32, #tpu.memory_space<hbm>>
      tpu.wait_indirect_dma semaphore(%arg22 : memref<!tpu.dma_semaphore, #tpu.memory_space<semaphore_mem>>) src(%dma_wait3A_244 : memref<20480x80xf32, #tpu.memory_space<hbm>>) dst(%arg17 : memref<128x80xf32, #tpu.memory_space<vmem>>)
      "tpu.region"() ({
        %run_scoped3A = tpu.sem_alloc : memref<!tpu.dma_semaphore, #tpu.memory_space<semaphore_mem>>
        %dma_start3A_262 = arith.constant 0 : i32
        %dma_start3A_263 = arith.constant 0 : i32
        %dma_start3A_264 = tpu.memref_slice %arg19[%dma_start3A_262, %dma_start3A_263] : memref<10240x80xf32, #tpu.memory_space<vmem_shared>> -> memref<10240x80xf32, #tpu.memory_space<vmem_shared>>
        tpu.enqueue_indirect_dma source(%arg17 : memref<128x80xf32, #tpu.memory_space<vmem>>) target(%dma_start3A_264 : memref<10240x80xf32, #tpu.memory_space<vmem_shared>>) offsets(%arg13 : memref<128xi32, #tpu.memory_space<vmem>>) semaphore(%run_scoped3A : memref<!tpu.dma_semaphore, #tpu.memory_space<semaphore_mem>>) {add = true}
        %dma_wait3A_265 = arith.constant 0 : i32
        %dma_wait3A_266 = arith.constant 0 : i32
        %dma_wait3A_267 = tpu.memref_slice %arg19[%dma_wait3A_265, %dma_wait3A_266] : memref<10240x80xf32, #tpu.memory_space<vmem_shared>> -> memref<10240x80xf32, #tpu.memory_space<vmem_shared>>
        tpu.wait_indirect_dma semaphore(%run_scoped3A : memref<!tpu.dma_semaphore, #tpu.memory_space<semaphore_mem>>) src(%arg17 : memref<128x80xf32, #tpu.memory_space<vmem>>) dst(%dma_wait3A_267 : memref<10240x80xf32, #tpu.memory_space<vmem_shared>>)
        tpu.yield
      }) : () -> ()
      %add3A_245 = arith.constant 1 : i32
      %add3A_246 = arith.addi %scan3A_107, %add3A_245 : i32
      %lt3A_247 = arith.constant 40 : i32
      %lt3A_248 = arith.cmpi slt, %add3A_246, %lt3A_247 : i32
      %convert_element_type3A_249 = arith.extui %lt3A_248 : i1 to i32
      %cond3A_250 = arith.constant 0 : i32
      %cond3A_251 = arith.cmpi ne, %convert_element_type3A_249, %cond3A_250 : i32
      scf.if %cond3A_251 {
        %add3A_262 = arith.constant 4 : i32
        %add3A_263 = arith.addi %mul3A_109, %add3A_262 : i32
        %add3A_264 = arith.constant 2 : i32
        %add3A_265 = arith.addi %add3A_263, %add3A_264 : i32
        %add3A_266 = arith.addi %mul3A_2, %add3A_265 : i32
        %dma_start3A_267 = arith.constant 0 : i32
        %dma_start3A_268 = arith.constant 0 : i32
        %dma_start3A_269 = tpu.memref_slice %arg3[%arg0, %dma_start3A_267, %dma_start3A_268] : memref<2x2560x128xi32, #tpu.memory_space<hbm>> -> memref<1x2560x128xi32, #tpu.memory_space<hbm>>
        %dma_start3A_270 = tpu.memref_squeeze %dma_start3A_269 : memref<1x2560x128xi32, #tpu.memory_space<hbm>> -> memref<2560x128xi32, #tpu.memory_space<hbm>>
        %dma_start3A_271 = arith.constant 0 : i32
        %dma_start3A_272 = tpu.memref_slice %dma_start3A_270[%add3A_266, %dma_start3A_271] : memref<2560x128xi32, #tpu.memory_space<hbm>> -> memref<1x128xi32, #tpu.memory_space<hbm>>
        %dma_start3A_273 = tpu.memref_squeeze %dma_start3A_272 : memref<1x128xi32, #tpu.memory_space<hbm>> -> memref<128xi32, #tpu.memory_space<hbm>>
        %dma_start3A_274 = arith.constant 0 : i32
        %dma_start3A_275 = arith.constant 0 : i32
        %dma_start3A_276 = tpu.memref_slice %arg3[%arg0, %dma_start3A_274, %dma_start3A_275] : memref<2x2560x128xi32, #tpu.memory_space<hbm>> -> memref<1x2560x128xi32, #tpu.memory_space<hbm>>
        %dma_start3A_277 = tpu.memref_squeeze %dma_start3A_276 : memref<1x2560x128xi32, #tpu.memory_space<hbm>> -> memref<2560x128xi32, #tpu.memory_space<hbm>>
        %dma_start3A_278 = arith.constant 0 : i32
        %dma_start3A_279 = tpu.memref_slice %dma_start3A_277[%add3A_266, %dma_start3A_278] : memref<2560x128xi32, #tpu.memory_space<hbm>> -> memref<1x128xi32, #tpu.memory_space<hbm>>
        %dma_start3A_280 = tpu.memref_squeeze %dma_start3A_279 : memref<1x128xi32, #tpu.memory_space<hbm>> -> memref<128xi32, #tpu.memory_space<hbm>>
        tpu.enqueue_dma source(%dma_start3A_280 : memref<128xi32, #tpu.memory_space<hbm>>) target(%arg9 : memref<128xi32, #tpu.memory_space<vmem>>) target_semaphore(%arg26 : memref<!tpu.dma_semaphore, #tpu.memory_space<semaphore_mem>>)
        %add3A_281 = arith.addi %mul3A_2, %add3A_265 : i32
        %dma_start3A_282 = arith.constant 0 : i32
        %dma_start3A_283 = tpu.memref_slice %arg4[%add3A_281, %dma_start3A_282] : memref<2560x128xi32, #tpu.memory_space<hbm>> -> memref<1x128xi32, #tpu.memory_space<hbm>>
        %dma_start3A_284 = tpu.memref_squeeze %dma_start3A_283 : memref<1x128xi32, #tpu.memory_space<hbm>> -> memref<128xi32, #tpu.memory_space<hbm>>
        %dma_start3A_285 = arith.constant 0 : i32
        %dma_start3A_286 = tpu.memref_slice %arg4[%add3A_281, %dma_start3A_285] : memref<2560x128xi32, #tpu.memory_space<hbm>> -> memref<1x128xi32, #tpu.memory_space<hbm>>
        %dma_start3A_287 = tpu.memref_squeeze %dma_start3A_286 : memref<1x128xi32, #tpu.memory_space<hbm>> -> memref<128xi32, #tpu.memory_space<hbm>>
        tpu.enqueue_dma source(%dma_start3A_287 : memref<128xi32, #tpu.memory_space<hbm>>) target(%arg13 : memref<128xi32, #tpu.memory_space<vmem>>) target_semaphore(%arg26 : memref<!tpu.dma_semaphore, #tpu.memory_space<semaphore_mem>>)
      } else {
      }
      %dma_wait3A_252 = arith.constant 0 : i32
      %dma_wait3A_253 = arith.constant 0 : i32
      %dma_wait3A_254 = tpu.memref_slice %arg2[%dma_wait3A_252, %dma_wait3A_253] : memref<20480x80xf32, #tpu.memory_space<hbm>> -> memref<20480x80xf32, #tpu.memory_space<hbm>>
      tpu.wait_indirect_dma semaphore(%arg23 : memref<!tpu.dma_semaphore, #tpu.memory_space<semaphore_mem>>) src(%dma_wait3A_254 : memref<20480x80xf32, #tpu.memory_space<hbm>>) dst(%arg18 : memref<128x80xf32, #tpu.memory_space<vmem>>)
      "tpu.region"() ({
        %run_scoped3A = tpu.sem_alloc : memref<!tpu.dma_semaphore, #tpu.memory_space<semaphore_mem>>
        %dma_start3A_262 = arith.constant 0 : i32
        %dma_start3A_263 = arith.constant 0 : i32
        %dma_start3A_264 = tpu.memref_slice %arg19[%dma_start3A_262, %dma_start3A_263] : memref<10240x80xf32, #tpu.memory_space<vmem_shared>> -> memref<10240x80xf32, #tpu.memory_space<vmem_shared>>
        tpu.enqueue_indirect_dma source(%arg18 : memref<128x80xf32, #tpu.memory_space<vmem>>) target(%dma_start3A_264 : memref<10240x80xf32, #tpu.memory_space<vmem_shared>>) offsets(%arg14 : memref<128xi32, #tpu.memory_space<vmem>>) semaphore(%run_scoped3A : memref<!tpu.dma_semaphore, #tpu.memory_space<semaphore_mem>>) {add = true}
        %dma_wait3A_265 = arith.constant 0 : i32
        %dma_wait3A_266 = arith.constant 0 : i32
        %dma_wait3A_267 = tpu.memref_slice %arg19[%dma_wait3A_265, %dma_wait3A_266] : memref<10240x80xf32, #tpu.memory_space<vmem_shared>> -> memref<10240x80xf32, #tpu.memory_space<vmem_shared>>
        tpu.wait_indirect_dma semaphore(%run_scoped3A : memref<!tpu.dma_semaphore, #tpu.memory_space<semaphore_mem>>) src(%arg18 : memref<128x80xf32, #tpu.memory_space<vmem>>) dst(%dma_wait3A_267 : memref<10240x80xf32, #tpu.memory_space<vmem_shared>>)
        tpu.yield
      }) : () -> ()
      %add3A_255 = arith.constant 1 : i32
      %add3A_256 = arith.addi %scan3A_107, %add3A_255 : i32
      %lt3A_257 = arith.constant 40 : i32
      %lt3A_258 = arith.cmpi slt, %add3A_256, %lt3A_257 : i32
      %convert_element_type3A_259 = arith.extui %lt3A_258 : i1 to i32
      %cond3A_260 = arith.constant 0 : i32
      %cond3A_261 = arith.cmpi ne, %convert_element_type3A_259, %cond3A_260 : i32
      scf.if %cond3A_261 {
        %add3A_262 = arith.constant 4 : i32
        %add3A_263 = arith.addi %mul3A_109, %add3A_262 : i32
        %add3A_264 = arith.constant 3 : i32
        %add3A_265 = arith.addi %add3A_263, %add3A_264 : i32
        %add3A_266 = arith.addi %mul3A_2, %add3A_265 : i32
        %dma_start3A_267 = arith.constant 0 : i32
        %dma_start3A_268 = arith.constant 0 : i32
        %dma_start3A_269 = tpu.memref_slice %arg3[%arg0, %dma_start3A_267, %dma_start3A_268] : memref<2x2560x128xi32, #tpu.memory_space<hbm>> -> memref<1x2560x128xi32, #tpu.memory_space<hbm>>
        %dma_start3A_270 = tpu.memref_squeeze %dma_start3A_269 : memref<1x2560x128xi32, #tpu.memory_space<hbm>> -> memref<2560x128xi32, #tpu.memory_space<hbm>>
        %dma_start3A_271 = arith.constant 0 : i32
        %dma_start3A_272 = tpu.memref_slice %dma_start3A_270[%add3A_266, %dma_start3A_271] : memref<2560x128xi32, #tpu.memory_space<hbm>> -> memref<1x128xi32, #tpu.memory_space<hbm>>
        %dma_start3A_273 = tpu.memref_squeeze %dma_start3A_272 : memref<1x128xi32, #tpu.memory_space<hbm>> -> memref<128xi32, #tpu.memory_space<hbm>>
        %dma_start3A_274 = arith.constant 0 : i32
        %dma_start3A_275 = arith.constant 0 : i32
        %dma_start3A_276 = tpu.memref_slice %arg3[%arg0, %dma_start3A_274, %dma_start3A_275] : memref<2x2560x128xi32, #tpu.memory_space<hbm>> -> memref<1x2560x128xi32, #tpu.memory_space<hbm>>
        %dma_start3A_277 = tpu.memref_squeeze %dma_start3A_276 : memref<1x2560x128xi32, #tpu.memory_space<hbm>> -> memref<2560x128xi32, #tpu.memory_space<hbm>>
        %dma_start3A_278 = arith.constant 0 : i32
        %dma_start3A_279 = tpu.memref_slice %dma_start3A_277[%add3A_266, %dma_start3A_278] : memref<2560x128xi32, #tpu.memory_space<hbm>> -> memref<1x128xi32, #tpu.memory_space<hbm>>
        %dma_start3A_280 = tpu.memref_squeeze %dma_start3A_279 : memref<1x128xi32, #tpu.memory_space<hbm>> -> memref<128xi32, #tpu.memory_space<hbm>>
        tpu.enqueue_dma source(%dma_start3A_280 : memref<128xi32, #tpu.memory_space<hbm>>) target(%arg10 : memref<128xi32, #tpu.memory_space<vmem>>) target_semaphore(%arg27 : memref<!tpu.dma_semaphore, #tpu.memory_space<semaphore_mem>>)
        %add3A_281 = arith.addi %mul3A_2, %add3A_265 : i32
        %dma_start3A_282 = arith.constant 0 : i32
        %dma_start3A_283 = tpu.memref_slice %arg4[%add3A_281, %dma_start3A_282] : memref<2560x128xi32, #tpu.memory_space<hbm>> -> memref<1x128xi32, #tpu.memory_space<hbm>>
        %dma_start3A_284 = tpu.memref_squeeze %dma_start3A_283 : memref<1x128xi32, #tpu.memory_space<hbm>> -> memref<128xi32, #tpu.memory_space<hbm>>
        %dma_start3A_285 = arith.constant 0 : i32
        %dma_start3A_286 = tpu.memref_slice %arg4[%add3A_281, %dma_start3A_285] : memref<2560x128xi32, #tpu.memory_space<hbm>> -> memref<1x128xi32, #tpu.memory_space<hbm>>
        %dma_start3A_287 = tpu.memref_squeeze %dma_start3A_286 : memref<1x128xi32, #tpu.memory_space<hbm>> -> memref<128xi32, #tpu.memory_space<hbm>>
        tpu.enqueue_dma source(%dma_start3A_287 : memref<128xi32, #tpu.memory_space<hbm>>) target(%arg14 : memref<128xi32, #tpu.memory_space<vmem>>) target_semaphore(%arg27 : memref<!tpu.dma_semaphore, #tpu.memory_space<semaphore_mem>>)
      } else {
      }
    }
    %scan3A_101 = arith.constant 40 : i32
    %barrier3A_102 = arith.constant 0 : index
    tpu.barrier barrier_id(%barrier3A_102)
    %mul3A_103 = arith.constant 640 : i32
    %mul3A_104 = arith.muli %arg1, %mul3A_103 : i32
    %mul3A_105 = arith.constant 640 : i32
    %mul3A_106 = arith.muli %arg1, %mul3A_105 : i32
    "tpu.region"() ({
      %run_scoped3A = tpu.sem_alloc : memref<!tpu.dma_semaphore, #tpu.memory_space<semaphore_mem>>
      %dma_start3A_107 = arith.constant 0 : i32
      %dma_start3A_108 = arith.constant 0 : i32
      %dma_start3A_109 = tpu.memref_slice %arg6[%arg0, %dma_start3A_107, %dma_start3A_108] : memref<2x10240x80xf32, #tpu.memory_space<hbm>> -> memref<1x10240x80xf32, #tpu.memory_space<hbm>>
      %dma_start3A_110 = tpu.memref_squeeze %dma_start3A_109 : memref<1x10240x80xf32, #tpu.memory_space<hbm>> -> memref<10240x80xf32, #tpu.memory_space<hbm>>
      %dma_start3A_111 = arith.constant 0 : i32
      %dma_start3A_112 = tpu.memref_slice %dma_start3A_110[%mul3A_106, %dma_start3A_111] : memref<10240x80xf32, #tpu.memory_space<hbm>> -> memref<640x80xf32, #tpu.memory_space<hbm>>
      %dma_start3A_113 = arith.constant 0 : i32
      %dma_start3A_114 = tpu.memref_slice %arg19[%mul3A_104, %dma_start3A_113] : memref<10240x80xf32, #tpu.memory_space<vmem_shared>> -> memref<640x80xf32, #tpu.memory_space<vmem_shared>>
      tpu.enqueue_dma source(%dma_start3A_114 : memref<640x80xf32, #tpu.memory_space<vmem_shared>>) target(%dma_start3A_112 : memref<640x80xf32, #tpu.memory_space<hbm>>) target_semaphore(%run_scoped3A : memref<!tpu.dma_semaphore, #tpu.memory_space<semaphore_mem>>)
      %dma_wait3A = arith.constant 0 : i32
      %dma_wait3A_115 = arith.constant 0 : i32
      %dma_wait3A_116 = tpu.memref_slice %arg6[%arg0, %dma_wait3A, %dma_wait3A_115] : memref<2x10240x80xf32, #tpu.memory_space<hbm>> -> memref<1x10240x80xf32, #tpu.memory_space<hbm>>
      %dma_wait3A_117 = tpu.memref_squeeze %dma_wait3A_116 : memref<1x10240x80xf32, #tpu.memory_space<hbm>> -> memref<10240x80xf32, #tpu.memory_space<hbm>>
      %dma_wait3A_118 = arith.constant 0 : i32
      %dma_wait3A_119 = tpu.memref_slice %dma_wait3A_117[%mul3A_106, %dma_wait3A_118] : memref<10240x80xf32, #tpu.memory_space<hbm>> -> memref<640x80xf32, #tpu.memory_space<hbm>>
      %dma_wait3A_120 = arith.constant 0 : i32
      %dma_wait3A_121 = tpu.memref_slice %arg19[%mul3A_104, %dma_wait3A_120] : memref<10240x80xf32, #tpu.memory_space<vmem_shared>> -> memref<640x80xf32, #tpu.memory_space<vmem_shared>>
      tpu.wait_dma2 semaphore(%run_scoped3A : memref<!tpu.dma_semaphore, #tpu.memory_space<semaphore_mem>>) src(%dma_wait3A_121 : memref<640x80xf32, #tpu.memory_space<vmem_shared>>) dst(%dma_wait3A_119 : memref<640x80xf32, #tpu.memory_space<hbm>>)
      tpu.yield
    }) : () -> ()
    return
  }
}

module attributes {stable_mosaic.version = 14 : i64} {
  func.func @_mm1_body(%arg0: i32, %arg1: i32, %arg2: memref<2x1024x80xf32, #tpu.memory_space<vmem>>, %arg3: memref<1024x128xf32, #tpu.memory_space<vmem>>, %arg4: memref<128x128xf32, #tpu.memory_space<vmem>>, %arg5: memref<128x128xf32, #tpu.memory_space<vmem>>, %arg6: memref<1x1x128xf32, #tpu.memory_space<vmem>>, %arg7: memref<1024x128xf32, #tpu.memory_space<vmem>>, %arg8: memref<1024x128xf32, #tpu.memory_space<vmem>>) attributes {dimension_semantics = [#tpu.dimension_semantics<arbitrary>, #tpu.dimension_semantics<arbitrary>], iteration_bounds = array<i64: 2, 10>, scalar_prefetch = 0 : i64, scratch_operands = 0 : i64, tpu.core_type = #tpu.core_type<tc>, window_params = [{transform_indices = @transform_0, window_bounds = array<i64: 2, 1024, 80>}, {transform_indices = @transform_1, window_bounds = array<i64: 1024, 128>}, {transform_indices = @transform_2, window_bounds = array<i64: 128, 128>}, {transform_indices = @transform_3, window_bounds = array<i64: 128, 128>}, {transform_indices = @transform_4, window_bounds = array<i64: 1, 1, 128>}, {transform_indices = @transform_5, window_bounds = array<i64: 1024, 128>}, {transform_indices = @transform_6, window_bounds = array<i64: 1024, 128>}]} {
    %get3A = arith.constant 0 : index
    %get3A_0 = arith.constant 0 : index
    %get3A_1 = arith.constant 0 : index
    %get3A_2 = vector.load %arg2[%get3A, %get3A_0, %get3A_1] : memref<2x1024x80xf32, #tpu.memory_space<vmem>>, vector<1x1024x80xf32>
    %get3A_3 = vector.shape_cast %get3A_2 : vector<1x1024x80xf32> to vector<1024x80xf32>
    %get3A_4 = arith.constant 1 : index
    %get3A_5 = arith.constant 0 : index
    %get3A_6 = arith.constant 0 : index
    %get3A_7 = vector.load %arg2[%get3A_4, %get3A_5, %get3A_6] : memref<2x1024x80xf32, #tpu.memory_space<vmem>>, vector<1x1024x80xf32>
    %get3A_8 = vector.shape_cast %get3A_7 : vector<1x1024x80xf32> to vector<1024x80xf32>
    %slice3A = vector.extract_strided_slice %get3A_8 {offsets = [0, 0], sizes = [1024, 48], strides = [1, 1]} : vector<1024x80xf32> to vector<1024x48xf32>
    %get3A_9 = arith.constant 1 : index
    %get3A_10 = arith.constant 0 : index
    %get3A_11 = arith.constant 0 : index
    %get3A_12 = vector.load %arg2[%get3A_9, %get3A_10, %get3A_11] : memref<2x1024x80xf32, #tpu.memory_space<vmem>>, vector<1x1024x80xf32>
    %get3A_13 = vector.shape_cast %get3A_12 : vector<1x1024x80xf32> to vector<1024x80xf32>
    %slice3A_14 = vector.extract_strided_slice %get3A_13 {offsets = [0, 48], sizes = [1024, 1], strides = [1, 1]} : vector<1024x80xf32> to vector<1024x1xf32>
    %max3A = arith.constant 1.000000e+00 : f32
    %max3A_15 = vector.broadcast %max3A : f32 to vector<1024x1xf32>
    %max3A_16 = arith.maximumf %slice3A_14, %max3A_15 : vector<1024x1xf32>
    %div3A = arith.constant 1.000000e+00 : f32
    %div3A_17 = vector.broadcast %div3A : f32 to vector<1024x1xf32>
    %div3A_18 = arith.divf %div3A_17, %max3A_16 : vector<1024x1xf32>
    %concatenate3A = tpu.concatenate %get3A_3, %slice3A in 1 : vector<1024x80xf32>, vector<1024x48xf32> -> vector<1024x128xf32>
    %mul3A = vector.broadcast %div3A_18 : vector<1024x1xf32> to vector<1024x128xf32>
    %mul3A_19 = arith.mulf %concatenate3A, %mul3A : vector<1024x128xf32>
    %get3A_20 = arith.constant 0 : index
    %get3A_21 = arith.constant 0 : index
    %get3A_22 = vector.load %arg4[%get3A_20, %get3A_21] : memref<128x128xf32, #tpu.memory_space<vmem>>, vector<128x128xf32>
    %dot_general3A = arith.constant dense<0.000000e+00> : vector<1024x128xf32>
    %dot_general3A_23 = tpu.matmul %mul3A_19, %get3A_22, %dot_general3A {dimension_numbers = #tpu.dot_dimension_numbers<[1], [0], [0], [1], [0, 0, 1, 1], [], []>, transpose_lhs_hint = false} : vector<1024x128xf32>, vector<128x128xf32>, vector<1024x128xf32> -> vector<1024x128xf32>
    %get3A_24 = arith.constant 0 : index
    %get3A_25 = arith.constant 0 : index
    %get3A_26 = vector.load %arg3[%get3A_24, %get3A_25] : memref<1024x128xf32, #tpu.memory_space<vmem>>, vector<1024x128xf32>
    %get3A_27 = arith.constant 0 : index
    %get3A_28 = arith.constant 0 : index
    %get3A_29 = vector.load %arg5[%get3A_27, %get3A_28] : memref<128x128xf32, #tpu.memory_space<vmem>>, vector<128x128xf32>
    %dot_general3A_30 = arith.constant dense<0.000000e+00> : vector<1024x128xf32>
    %dot_general3A_31 = tpu.matmul %get3A_26, %get3A_29, %dot_general3A_30 {dimension_numbers = #tpu.dot_dimension_numbers<[1], [0], [0], [1], [0, 0, 1, 1], [], []>, transpose_lhs_hint = false} : vector<1024x128xf32>, vector<128x128xf32>, vector<1024x128xf32> -> vector<1024x128xf32>
    %add3A = arith.addf %dot_general3A_23, %dot_general3A_31 : vector<1024x128xf32>
    %get3A_32 = arith.constant 0 : index
    %get3A_33 = arith.constant 0 : index
    %get3A_34 = arith.constant 0 : index
    %get3A_35 = vector.load %arg6[%get3A_32, %get3A_33, %get3A_34] : memref<1x1x128xf32, #tpu.memory_space<vmem>>, vector<1x1x128xf32>
    %get3A_36 = vector.shape_cast %get3A_35 : vector<1x1x128xf32> to vector<1x128xf32>
    %add3A_37 = vector.broadcast %get3A_36 : vector<1x128xf32> to vector<1024x128xf32>
    %add3A_38 = arith.addf %add3A, %add3A_37 : vector<1024x128xf32>
    %max3A_39 = arith.constant 0.000000e+00 : f32
    %max3A_40 = vector.broadcast %max3A_39 : f32 to vector<1024x128xf32>
    %max3A_41 = arith.maximumf %add3A_38, %max3A_40 : vector<1024x128xf32>
    %swap3A = arith.constant 0 : index
    %swap3A_42 = arith.constant 0 : index
    %swap3A_43 = vector.load %arg7[%swap3A, %swap3A_42] : memref<1024x128xf32, #tpu.memory_space<vmem>>, vector<1024x128xf32>
    tpu.vector_store %arg7[%swap3A, %swap3A_42], %max3A_41 {strides = array<i32>} : memref<1024x128xf32, #tpu.memory_space<vmem>>, vector<1024x128xf32>,
    %broadcast_in_dim3A = vector.shape_cast %div3A_18 : vector<1024x1xf32> to vector<1024x1xf32>
    %broadcast_in_dim3A_44 = vector.broadcast %broadcast_in_dim3A : vector<1024x1xf32> to vector<1024x128xf32>
    %swap3A_45 = arith.constant 0 : index
    %swap3A_46 = arith.constant 0 : index
    %swap3A_47 = vector.load %arg8[%swap3A_45, %swap3A_46] : memref<1024x128xf32, #tpu.memory_space<vmem>>, vector<1024x128xf32>
    tpu.vector_store %arg8[%swap3A_45, %swap3A_46], %broadcast_in_dim3A_44 {strides = array<i32>} : memref<1024x128xf32, #tpu.memory_space<vmem>>, vector<1024x128xf32>,
    return
  }
  func.func @transform_0(%arg0: i32, %arg1: i32) -> (i32, i32, i32) {
    %c0_i32 = arith.constant 0 : i32
    %c0_i32_0 = arith.constant 0 : i32
    %c0_i32_1 = arith.constant 0 : i32
    return %c0_i32, %arg1, %c0_i32_0 : i32, i32, i32
  }
  func.func @transform_1(%arg0: i32, %arg1: i32) -> (i32, i32) {
    %c0_i32 = arith.constant 0 : i32
    %c0_i32_0 = arith.constant 0 : i32
    return %arg1, %c0_i32 : i32, i32
  }
  func.func @transform_2(%arg0: i32, %arg1: i32) -> (i32, i32) {
    %c0_i32 = arith.constant 0 : i32
    %c0_i32_0 = arith.constant 0 : i32
    return %c0_i32, %arg0 : i32, i32
  }
  func.func @transform_3(%arg0: i32, %arg1: i32) -> (i32, i32) {
    %c0_i32 = arith.constant 0 : i32
    %c0_i32_0 = arith.constant 0 : i32
    return %c0_i32, %arg0 : i32, i32
  }
  func.func @transform_4(%arg0: i32, %arg1: i32) -> (i32, i32, i32) {
    %c0_i32 = arith.constant 0 : i32
    %c0_i32_0 = arith.constant 0 : i32
    %c0_i32_1 = arith.constant 0 : i32
    return %arg0, %c0_i32, %c0_i32_0 : i32, i32, i32
  }
  func.func @transform_5(%arg0: i32, %arg1: i32) -> (i32, i32) {
    %mul3A = arith.constant 10 : i32
    %mul3A_0 = arith.muli %arg0, %mul3A : i32
    %add3A = arith.addi %mul3A_0, %arg1 : i32
    %c0_i32 = arith.constant 0 : i32
    %c0_i32_1 = arith.constant 0 : i32
    return %add3A, %c0_i32 : i32, i32
  }
  func.func @transform_6(%arg0: i32, %arg1: i32) -> (i32, i32) {
    %c0_i32 = arith.constant 0 : i32
    %c0_i32_0 = arith.constant 0 : i32
    return %arg1, %c0_i32 : i32, i32
  }
}

module attributes {stable_mosaic.version = 14 : i64} {
  func.func @_mm2_body(%arg0: i32, %arg1: i32, %arg2: memref<2x1024x128xf32, #tpu.memory_space<vmem>>, %arg3: memref<1024x128xf32, #tpu.memory_space<vmem>>, %arg4: memref<1024x128xf32, #tpu.memory_space<vmem>>, %arg5: memref<1024x128xf32, #tpu.memory_space<vmem>>, %arg6: memref<256x256xf32, #tpu.memory_space<vmem>>, %arg7: memref<256x256xf32, #tpu.memory_space<vmem>>, %arg8: memref<1x256xf32, #tpu.memory_space<vmem>>, %arg9: memref<1x256x32xf32, #tpu.memory_space<vmem>>, %arg10: memref<1024x32xf32, #tpu.memory_space<vmem>>) attributes {dimension_semantics = [#tpu.dimension_semantics<arbitrary>, #tpu.dimension_semantics<arbitrary>], iteration_bounds = array<i64: 2, 10>, scalar_prefetch = 0 : i64, scratch_operands = 0 : i64, tpu.core_type = #tpu.core_type<tc>, window_params = [{transform_indices = @transform_0, window_bounds = array<i64: 2, 1024, 128>}, {transform_indices = @transform_1, window_bounds = array<i64: 1024, 128>}, {transform_indices = @transform_2, window_bounds = array<i64: 1024, 128>}, {transform_indices = @transform_3, window_bounds = array<i64: 1024, 128>}, {pipeline_mode = #tpu.pipeline_mode<synchronous>, transform_indices = @transform_4, window_bounds = array<i64: 256, 256>}, {pipeline_mode = #tpu.pipeline_mode<synchronous>, transform_indices = @transform_5, window_bounds = array<i64: 256, 256>}, {pipeline_mode = #tpu.pipeline_mode<synchronous>, transform_indices = @transform_6, window_bounds = array<i64: 1, 256>}, {transform_indices = @transform_7, window_bounds = array<i64: 1, 256, 32>}, {transform_indices = @transform_8, window_bounds = array<i64: 1024, 32>}]} {
    %get3A = arith.constant 0 : index
    %get3A_0 = arith.constant 0 : index
    %get3A_1 = vector.load %arg3[%get3A, %get3A_0] : memref<1024x128xf32, #tpu.memory_space<vmem>>, vector<1024x1xf32>
    %get3A_2 = arith.constant 0 : index
    %get3A_3 = arith.constant 0 : index
    %get3A_4 = arith.constant 0 : index
    %get3A_5 = vector.load %arg2[%get3A_2, %get3A_3, %get3A_4] : memref<2x1024x128xf32, #tpu.memory_space<vmem>>, vector<1x1024x128xf32>
    %get3A_6 = vector.shape_cast %get3A_5 : vector<1x1024x128xf32> to vector<1024x128xf32>
    %mul3A = vector.broadcast %get3A_1 : vector<1024x1xf32> to vector<1024x128xf32>
    %mul3A_7 = arith.mulf %get3A_6, %mul3A : vector<1024x128xf32>
    %get3A_8 = arith.constant 1 : index
    %get3A_9 = arith.constant 0 : index
    %get3A_10 = arith.constant 0 : index
    %get3A_11 = vector.load %arg2[%get3A_8, %get3A_9, %get3A_10] : memref<2x1024x128xf32, #tpu.memory_space<vmem>>, vector<1x1024x128xf32>
    %get3A_12 = vector.shape_cast %get3A_11 : vector<1x1024x128xf32> to vector<1024x128xf32>
    %mul3A_13 = vector.broadcast %get3A_1 : vector<1024x1xf32> to vector<1024x128xf32>
    %mul3A_14 = arith.mulf %get3A_12, %mul3A_13 : vector<1024x128xf32>
    %get3A_15 = arith.constant 0 : index
    %get3A_16 = arith.constant 0 : index
    %get3A_17 = vector.load %arg6[%get3A_15, %get3A_16] : memref<256x256xf32, #tpu.memory_space<vmem>>, vector<128x256xf32>
    %dot_general3A = arith.constant dense<0.000000e+00> : vector<1024x256xf32>
    %dot_general3A_18 = tpu.matmul %mul3A_7, %get3A_17, %dot_general3A {dimension_numbers = #tpu.dot_dimension_numbers<[1], [0], [0], [1], [0, 0, 1, 1], [], []>, transpose_lhs_hint = false} : vector<1024x128xf32>, vector<128x256xf32>, vector<1024x256xf32> -> vector<1024x256xf32>
    %get3A_19 = arith.constant 128 : index
    %get3A_20 = arith.constant 0 : index
    %get3A_21 = vector.load %arg6[%get3A_19, %get3A_20] : memref<256x256xf32, #tpu.memory_space<vmem>>, vector<128x256xf32>
    %dot_general3A_22 = arith.constant dense<0.000000e+00> : vector<1024x256xf32>
    %dot_general3A_23 = tpu.matmul %mul3A_14, %get3A_21, %dot_general3A_22 {dimension_numbers = #tpu.dot_dimension_numbers<[1], [0], [0], [1], [0, 0, 1, 1], [], []>, transpose_lhs_hint = false} : vector<1024x128xf32>, vector<128x256xf32>, vector<1024x256xf32> -> vector<1024x256xf32>
    %add3A = arith.addf %dot_general3A_18, %dot_general3A_23 : vector<1024x256xf32>
    %get3A_24 = arith.constant 0 : index
    %get3A_25 = arith.constant 0 : index
    %get3A_26 = vector.load %arg4[%get3A_24, %get3A_25] : memref<1024x128xf32, #tpu.memory_space<vmem>>, vector<1024x128xf32>
    %get3A_27 = arith.constant 0 : index
    %get3A_28 = arith.constant 0 : index
    %get3A_29 = vector.load %arg7[%get3A_27, %get3A_28] : memref<256x256xf32, #tpu.memory_space<vmem>>, vector<128x256xf32>
    %dot_general3A_30 = arith.constant dense<0.000000e+00> : vector<1024x256xf32>
    %dot_general3A_31 = tpu.matmul %get3A_26, %get3A_29, %dot_general3A_30 {dimension_numbers = #tpu.dot_dimension_numbers<[1], [0], [0], [1], [0, 0, 1, 1], [], []>, transpose_lhs_hint = false} : vector<1024x128xf32>, vector<128x256xf32>, vector<1024x256xf32> -> vector<1024x256xf32>
    %add3A_32 = arith.addf %add3A, %dot_general3A_31 : vector<1024x256xf32>
    %get3A_33 = arith.constant 0 : index
    %get3A_34 = arith.constant 0 : index
    %get3A_35 = vector.load %arg5[%get3A_33, %get3A_34] : memref<1024x128xf32, #tpu.memory_space<vmem>>, vector<1024x128xf32>
    %get3A_36 = arith.constant 128 : index
    %get3A_37 = arith.constant 0 : index
    %get3A_38 = vector.load %arg7[%get3A_36, %get3A_37] : memref<256x256xf32, #tpu.memory_space<vmem>>, vector<128x256xf32>
    %dot_general3A_39 = arith.constant dense<0.000000e+00> : vector<1024x256xf32>
    %dot_general3A_40 = tpu.matmul %get3A_35, %get3A_38, %dot_general3A_39 {dimension_numbers = #tpu.dot_dimension_numbers<[1], [0], [0], [1], [0, 0, 1, 1], [], []>, transpose_lhs_hint = false} : vector<1024x128xf32>, vector<128x256xf32>, vector<1024x256xf32> -> vector<1024x256xf32>
    %add3A_41 = arith.addf %add3A_32, %dot_general3A_40 : vector<1024x256xf32>
    %get3A_42 = arith.constant 0 : index
    %get3A_43 = arith.constant 0 : index
    %get3A_44 = vector.load %arg8[%get3A_42, %get3A_43] : memref<1x256xf32, #tpu.memory_space<vmem>>, vector<1x256xf32>
    %add3A_45 = vector.broadcast %get3A_44 : vector<1x256xf32> to vector<1024x256xf32>
    %add3A_46 = arith.addf %add3A_41, %add3A_45 : vector<1024x256xf32>
    %max3A = arith.constant 0.000000e+00 : f32
    %max3A_47 = vector.broadcast %max3A : f32 to vector<1024x256xf32>
    %max3A_48 = arith.maximumf %add3A_46, %max3A_47 : vector<1024x256xf32>
    %get3A_49 = arith.constant 0 : index
    %get3A_50 = arith.constant 0 : index
    %get3A_51 = arith.constant 0 : index
    %get3A_52 = vector.load %arg9[%get3A_49, %get3A_50, %get3A_51] : memref<1x256x32xf32, #tpu.memory_space<vmem>>, vector<1x256x32xf32>
    %get3A_53 = vector.shape_cast %get3A_52 : vector<1x256x32xf32> to vector<256x32xf32>
    %dot_general3A_54 = arith.constant dense<0.000000e+00> : vector<1024x32xf32>
    %dot_general3A_55 = tpu.matmul %max3A_48, %get3A_53, %dot_general3A_54 {dimension_numbers = #tpu.dot_dimension_numbers<[1], [0], [0], [1], [0, 0, 1, 1], [], []>, transpose_lhs_hint = false} : vector<1024x256xf32>, vector<256x32xf32>, vector<1024x32xf32> -> vector<1024x32xf32>
    %swap3A = arith.constant 0 : index
    %swap3A_56 = arith.constant 0 : index
    %swap3A_57 = vector.load %arg10[%swap3A, %swap3A_56] : memref<1024x32xf32, #tpu.memory_space<vmem>>, vector<1024x32xf32>
    tpu.vector_store %arg10[%swap3A, %swap3A_56], %dot_general3A_55 {strides = array<i32>} : memref<1024x32xf32, #tpu.memory_space<vmem>>, vector<1024x32xf32>,
    return
  }
  func.func @transform_0(%arg0: i32, %arg1: i32) -> (i32, i32, i32) {
    %c0_i32 = arith.constant 0 : i32
    %c0_i32_0 = arith.constant 0 : i32
    %c0_i32_1 = arith.constant 0 : i32
    return %c0_i32, %arg1, %c0_i32_0 : i32, i32, i32
  }
  func.func @transform_1(%arg0: i32, %arg1: i32) -> (i32, i32) {
    %c0_i32 = arith.constant 0 : i32
    %c0_i32_0 = arith.constant 0 : i32
    return %arg1, %c0_i32 : i32, i32
  }
  func.func @transform_2(%arg0: i32, %arg1: i32) -> (i32, i32) {
    %c0_i32 = arith.constant 0 : i32
    %c0_i32_0 = arith.constant 0 : i32
    return %arg1, %c0_i32 : i32, i32
  }
  func.func @transform_3(%arg0: i32, %arg1: i32) -> (i32, i32) {
    %add3A = arith.constant 10 : i32
    %add3A_0 = arith.addi %add3A, %arg1 : i32
    %c0_i32 = arith.constant 0 : i32
    %c0_i32_1 = arith.constant 0 : i32
    return %add3A_0, %c0_i32 : i32, i32
  }
  func.func @transform_4(%arg0: i32, %arg1: i32) -> (i32, i32) {
    %c0_i32 = arith.constant 0 : i32
    %c0_i32_0 = arith.constant 0 : i32
    %c0_i32_1 = arith.constant 0 : i32
    return %c0_i32, %c0_i32_0 : i32, i32
  }
  func.func @transform_5(%arg0: i32, %arg1: i32) -> (i32, i32) {
    %c0_i32 = arith.constant 0 : i32
    %c0_i32_0 = arith.constant 0 : i32
    %c0_i32_1 = arith.constant 0 : i32
    return %c0_i32, %c0_i32_0 : i32, i32
  }
  func.func @transform_6(%arg0: i32, %arg1: i32) -> (i32, i32) {
    %c0_i32 = arith.constant 0 : i32
    %c0_i32_0 = arith.constant 0 : i32
    %c0_i32_1 = arith.constant 0 : i32
    return %c0_i32, %c0_i32_0 : i32, i32
  }
  func.func @transform_7(%arg0: i32, %arg1: i32) -> (i32, i32, i32) {
    %c0_i32 = arith.constant 0 : i32
    %c0_i32_0 = arith.constant 0 : i32
    %c0_i32_1 = arith.constant 0 : i32
    return %arg0, %c0_i32, %c0_i32_0 : i32, i32, i32
  }
  func.func @transform_8(%arg0: i32, %arg1: i32) -> (i32, i32) {
    %mul3A = arith.constant 10 : i32
    %mul3A_0 = arith.muli %arg0, %mul3A : i32
    %add3A = arith.addi %mul3A_0, %arg1 : i32
    %c0_i32 = arith.constant 0 : i32
    %c0_i32_1 = arith.constant 0 : i32
    return %add3A, %c0_i32 : i32, i32
  }
}

module attributes {stable_mosaic.version = 14 : i64} {
  func.func @_mm3_body(%arg0: i32, %arg1: memref<2x4096x32xf32, #tpu.memory_space<vmem>>, %arg2: memref<4096x16xf32, #tpu.memory_space<vmem>>, %arg3: memref<16x32xf32, #tpu.memory_space<vmem>>, %arg4: memref<1x32xf32, #tpu.memory_space<vmem>>, %arg5: memref<32x2xf32, #tpu.memory_space<vmem>>, %arg6: memref<1x2xf32, #tpu.memory_space<vmem>>, %arg7: memref<4096x2xf32, #tpu.memory_space<vmem>>) attributes {dimension_semantics = [#tpu.dimension_semantics<arbitrary>], iteration_bounds = array<i64: 26>, scalar_prefetch = 0 : i64, scratch_operands = 0 : i64, tpu.core_type = #tpu.core_type<tc>, window_params = [{transform_indices = @transform_0, window_bounds = array<i64: 2, 4096, 32>}, {transform_indices = @transform_1, window_bounds = array<i64: 4096, 16>}, {pipeline_mode = #tpu.pipeline_mode<synchronous>, transform_indices = @transform_2, window_bounds = array<i64: 16, 32>}, {pipeline_mode = #tpu.pipeline_mode<synchronous>, transform_indices = @transform_3, window_bounds = array<i64: 1, 32>}, {pipeline_mode = #tpu.pipeline_mode<synchronous>, transform_indices = @transform_4, window_bounds = array<i64: 32, 2>}, {pipeline_mode = #tpu.pipeline_mode<synchronous>, transform_indices = @transform_5, window_bounds = array<i64: 1, 2>}, {transform_indices = @transform_6, window_bounds = array<i64: 4096, 2>}]} {
    %get3A = arith.constant 0 : index
    %get3A_0 = arith.constant 0 : index
    %get3A_1 = arith.constant 0 : index
    %get3A_2 = vector.load %arg1[%get3A, %get3A_0, %get3A_1] : memref<2x4096x32xf32, #tpu.memory_space<vmem>>, vector<1x4096x32xf32>
    %get3A_3 = vector.shape_cast %get3A_2 : vector<1x4096x32xf32> to vector<4096x32xf32>
    %get3A_4 = arith.constant 1 : index
    %get3A_5 = arith.constant 0 : index
    %get3A_6 = arith.constant 0 : index
    %get3A_7 = vector.load %arg1[%get3A_4, %get3A_5, %get3A_6] : memref<2x4096x32xf32, #tpu.memory_space<vmem>>, vector<1x4096x32xf32>
    %get3A_8 = vector.shape_cast %get3A_7 : vector<1x4096x32xf32> to vector<4096x32xf32>
    %add3A = arith.addf %get3A_3, %get3A_8 : vector<4096x32xf32>
    %get3A_9 = arith.constant 0 : index
    %get3A_10 = arith.constant 0 : index
    %get3A_11 = vector.load %arg2[%get3A_9, %get3A_10] : memref<4096x16xf32, #tpu.memory_space<vmem>>, vector<4096x16xf32>
    %get3A_12 = arith.constant 0 : index
    %get3A_13 = arith.constant 0 : index
    %get3A_14 = vector.load %arg3[%get3A_12, %get3A_13] : memref<16x32xf32, #tpu.memory_space<vmem>>, vector<16x32xf32>
    %dot_general3A = arith.constant dense<0.000000e+00> : vector<4096x32xf32>
    %dot_general3A_15 = tpu.matmul %get3A_11, %get3A_14, %dot_general3A {dimension_numbers = #tpu.dot_dimension_numbers<[1], [0], [0], [1], [0, 0, 1, 1], [], []>, transpose_lhs_hint = false} : vector<4096x16xf32>, vector<16x32xf32>, vector<4096x32xf32> -> vector<4096x32xf32>
    %add3A_16 = arith.addf %add3A, %dot_general3A_15 : vector<4096x32xf32>
    %get3A_17 = arith.constant 0 : index
    %get3A_18 = arith.constant 0 : index
    %get3A_19 = vector.load %arg4[%get3A_17, %get3A_18] : memref<1x32xf32, #tpu.memory_space<vmem>>, vector<1x32xf32>
    %add3A_20 = vector.broadcast %get3A_19 : vector<1x32xf32> to vector<4096x32xf32>
    %add3A_21 = arith.addf %add3A_16, %add3A_20 : vector<4096x32xf32>
    %max3A = arith.constant 0.000000e+00 : f32
    %max3A_22 = vector.broadcast %max3A : f32 to vector<4096x32xf32>
    %max3A_23 = arith.maximumf %add3A_21, %max3A_22 : vector<4096x32xf32>
    %get3A_24 = arith.constant 0 : index
    %get3A_25 = arith.constant 0 : index
    %get3A_26 = vector.load %arg5[%get3A_24, %get3A_25] : memref<32x2xf32, #tpu.memory_space<vmem>>, vector<32x2xf32>
    %dot_general3A_27 = arith.constant dense<0.000000e+00> : vector<4096x2xf32>
    %dot_general3A_28 = tpu.matmul %max3A_23, %get3A_26, %dot_general3A_27 {dimension_numbers = #tpu.dot_dimension_numbers<[1], [0], [0], [1], [0, 0, 1, 1], [], []>, transpose_lhs_hint = false} : vector<4096x32xf32>, vector<32x2xf32>, vector<4096x2xf32> -> vector<4096x2xf32>
    %get3A_29 = arith.constant 0 : index
    %get3A_30 = arith.constant 0 : index
    %get3A_31 = vector.load %arg6[%get3A_29, %get3A_30] : memref<1x2xf32, #tpu.memory_space<vmem>>, vector<1x2xf32>
    %add3A_32 = vector.broadcast %get3A_31 : vector<1x2xf32> to vector<4096x2xf32>
    %add3A_33 = arith.addf %dot_general3A_28, %add3A_32 : vector<4096x2xf32>
    %swap3A = arith.constant 0 : index
    %swap3A_34 = arith.constant 0 : index
    %swap3A_35 = vector.load %arg7[%swap3A, %swap3A_34] : memref<4096x2xf32, #tpu.memory_space<vmem>>, vector<4096x2xf32>
    tpu.vector_store %arg7[%swap3A, %swap3A_34], %add3A_33 {strides = array<i32>} : memref<4096x2xf32, #tpu.memory_space<vmem>>, vector<4096x2xf32>,
    return
  }
  func.func @transform_0(%arg0: i32) -> (i32, i32, i32) {
    %c0_i32 = arith.constant 0 : i32
    %c0_i32_0 = arith.constant 0 : i32
    %c0_i32_1 = arith.constant 0 : i32
    return %c0_i32, %arg0, %c0_i32_0 : i32, i32, i32
  }
  func.func @transform_1(%arg0: i32) -> (i32, i32) {
    %c0_i32 = arith.constant 0 : i32
    %c0_i32_0 = arith.constant 0 : i32
    return %arg0, %c0_i32 : i32, i32
  }
  func.func @transform_2(%arg0: i32) -> (i32, i32) {
    %c0_i32 = arith.constant 0 : i32
    %c0_i32_0 = arith.constant 0 : i32
    %c0_i32_1 = arith.constant 0 : i32
    return %c0_i32, %c0_i32_0 : i32, i32
  }
  func.func @transform_3(%arg0: i32) -> (i32, i32) {
    %c0_i32 = arith.constant 0 : i32
    %c0_i32_0 = arith.constant 0 : i32
    %c0_i32_1 = arith.constant 0 : i32
    return %c0_i32, %c0_i32_0 : i32, i32
  }
  func.func @transform_4(%arg0: i32) -> (i32, i32) {
    %c0_i32 = arith.constant 0 : i32
    %c0_i32_0 = arith.constant 0 : i32
    %c0_i32_1 = arith.constant 0 : i32
    return %c0_i32, %c0_i32_0 : i32, i32
  }
  func.func @transform_5(%arg0: i32) -> (i32, i32) {
    %c0_i32 = arith.constant 0 : i32
    %c0_i32_0 = arith.constant 0 : i32
    %c0_i32_1 = arith.constant 0 : i32
    return %c0_i32, %c0_i32_0 : i32, i32
  }
  func.func @transform_6(%arg0: i32) -> (i32, i32) {
    %c0_i32 = arith.constant 0 : i32
    %c0_i32_0 = arith.constant 0 : i32
    return %arg0, %c0_i32 : i32, i32
  }
}

</mosaic_0001>

<sc_bundles>
// kernel: kernel.11.cloned.1.call-start
scs
__scs_entry_jumppad:
0x0: {  	(pc) =	sbr.rel $0x88, $3  }
0x1: {  	(tag) =	ssettag $0x0;
	lr =	simm.s32 $0x1  }
0x2: {  	[smem:$0x3F93] =	sst lr;
	_ =	strace $0xD0000000  }
0x3: {  	_ = 	snop  }
0x4: {  	_ = 	snop  }
0x5: {  	_ = 	snop  }
0x6: {  	_ = 	snop  }
0x7: {  	_ = 	snop  }
__scs_overlays_trampoline_lowered:
0x8: {  	[smem:$0x3FA2] =	sst s0  }
0x9: {  	[smem:$0x3FA3] =	sst s1  }
0xa: {  	[smem:$0x3FA4] =	sst s2  }
0xb: {  	[smem:$0x3FA5] =	sst s3  }
0xc: {  	[smem:$0x3FA6] =	sst s4  }
0xd: {  	[smem:$0x3FA7] =	sst s5  }
0xe: {  	[smem:$0x3FA8] =	sst s6  }
0xf: {  	[smem:$0x3FA9] =	sst s7  }
0x10: {  	[smem:$0x3FAA] =	sst s8  }
0x11: {  	[smem:$0x3FAB] =	sst s9;
	s0 =	simm.s32 @!p0 $0x0  }
0x12: {  	s1 =	sld [smem:$0x3F91];
	s0 =	simm.s32 @p0 $0x1  }
0x13: {  	[smem:$0x3FAC] =	sst s0;
	s0 =	simm.s32 @!p1 $0x0  }
0x14: {  	s2 =	sld [smem:$0x3F90];
	s0 =	simm.s32 @p1 $0x1  }
0x15: {  	[smem:$0x3FAD] =	sst s0;
	s0 =	simm.s32 @!p2 $0x0  }
0x16: {  	s3 =	sld [smem:$0x3FDB];
	s0 =	simm.s32 @p2 $0x1  }
0x17: {  	s4 =	simm.s32 $0x1BF5;
	[smem:$0x3FAF] =	sst s0  }
0x18: {  	s0 =	sld [smem:$0x3F92];
	_ =	swait.ge [sflag:s4], $0x0  }
0x19: {  	s7 =	sld [smem:$0x3F93]  }
0x1a: {  	s8 =	sadd.s32 $0xFFFFE003, lr  }
0x1b: {  	s9 =	sadd.s32 $0xFFFFFEF7, lr;
	s5 =	simm.s32 $0xFFFFFFFF;
	p2 =	slt.u32 s8, $0xFFFFF086  }
0x1c: {  	p1 =	slt.u32 s9, $0xF7A;
	s5 =	simm.s32 @!p2 $0x0  }
0x1d: {  	s5 =	simm.s32 @p1 $0x1;
	p0 =	seq.s32 s7, s2  }
0x1e: {  	s7 =	smul.u32 @!p0 $0xF7A, s2;
	p2 =	seq.s32 @!p0 s5, $0x0  }
0x1f: {  	s9 =	smul.u32 $0xF7A, s1;
	s8 =	simm.s32 @!p0 $0x1BF5;
	p2 =	por !p2, p0  }
0x20: {  	[sflag:s8] =	ssyncset.s32 @!p0 $0xFFFFF086;
	s6 =	sadd.s32 @!p0 s3, s7;
	s7 =	simm.s32 @!p0 $0x108  }
0x21: {  	s3 =	sadd.s32 s3, s9;
	s6 =	sadd.s32 @!p0 $0x88, s6;
	s7 =	simm.s32 @p2 $0x1082  }
0x22: {  	[simem:s7], [sflag:s8] =	dma.local @!p0 [hbm:s6], $0xF7A  }
0x23: {  	s9 =	sor.u32 $0xD0000000, s2;
	s6 =	simm.s32 $0x108;
	_ =	swait.ge @!p0 [sflag:s8], $0x0  }
0x24: {  	s3 =	sadd.s32 $0x88, s3;
	s6 =	simm.s32 @!p1 $0x1082;
	[sflag:s4] =	ssyncset.s32 $0xFFFFF086  }
0x25: {  	[simem:s6], [sflag:s4] =	dma.local [hbm:s3], $0xF7A  }
0x26: {  	[smem:$0x3F93] =	sst s1;
	(tag) =	ssettag s2;
	_ =	strace s9  }
0x27: {  	s1 =	sld [smem:$0x3FA3]  }
0x28: {  	s2 =	sld [smem:$0x3FA4]  }
0x29: {  	s4 =	sld [smem:$0x3FA6]  }
0x2a: {  	p0 =	seq.s32 s5, $0x0;
	s5 =	sld [smem:$0x3FA7]  }
0x2b: {  	s6 =	sld [smem:$0x3FA8]  }
0x2c: {  	s7 =	sld [smem:$0x3FA9]  }
0x2d: {  	s3 =	simm.s32 $0x108;
	s8 =	sld [smem:$0x3FAA]  }
0x2e: {  	s3 =	simm.s32 @!p0 $0x1082;
	s9 =	sld [smem:$0x3FAB]  }
0x2f: {  	lr =	sadd.s32 s0, s3;
	s0 =	sld [smem:$0x3FA2]  }
0x30: {  	s3 =	sld [smem:$0x3FA5]  }
0x31: {  	[smem:$0x3FAE] =	sst s10  }
0x32: {  	s10 =	sld [smem:$0x3FAC];
	_ =	sdelay $0x3  }
0x33: {  	p0 =	seq.s32 s10, $0x1;
	s10 =	sld [smem:$0x3FAE];
	_ =	sdelay $0x3  }
0x34: {  	[smem:$0x3FAE] =	sst s10  }
0x35: {  	s10 =	sld [smem:$0x3FAD];
	_ =	sdelay $0x3  }
0x36: {  	p1 =	seq.s32 s10, $0x1;
	s10 =	sld [smem:$0x3FAE];
	_ =	sdelay $0x3  }
0x37: {  	[smem:$0x3FAE] =	sst s10  }
0x38: {  	s10 =	sld [smem:$0x3FAF]  }
0x39: {  	_ = 	snop;
	(pc) =	sbr.ind lr, $3  }
0x3a: {  	_ = 	snop  }
0x3b: {  	_ = 	snop  }
0x3c: {  	p2 =	seq.s32 s10, $0x1;
	s10 =	sld [smem:$0x3FAE]  }
0x3d: {  	_ =	shalt  }
0x3e: {  	_ =	shalt  }
0x3f: {  	_ =	shalt  }
0x40: {  	_ =	shalt  }
0x41: {  	_ =	shalt  }
0x42: {  	_ =	shalt  }
0x43: {  	_ =	shalt  }
0x44: {  	_ =	shalt  }
0x45: {  	_ =	shalt  }
0x46: {  	_ =	shalt  }
0x47: {  	_ =	shalt  }
0x48: {  	_ =	shalt  }
0x49: {  	_ =	shalt  }
0x4a: {  	_ =	shalt  }
0x4b: {  	_ =	shalt  }
0x4c: {  	_ =	shalt  }
0x4d: {  	_ =	shalt  }
0x4e: {  	_ =	shalt  }
0x4f: {  	_ =	shalt  }
0x50: {  	_ =	shalt  }
0x51: {  	_ =	shalt  }
0x52: {  	_ =	shalt  }
0x53: {  	_ =	shalt  }
0x54: {  	_ =	shalt  }
0x55: {  	_ =	shalt  }
0x56: {  	_ =	shalt  }
0x57: {  	_ =	shalt  }
0x58: {  	_ =	shalt  }
0x59: {  	_ =	shalt  }
0x5a: {  	_ =	shalt  }
0x5b: {  	_ =	shalt  }
0x5c: {  	_ =	shalt  }
0x5d: {  	_ =	shalt  }
0x5e: {  	_ =	shalt  }
0x5f: {  	_ =	shalt  }
0x60: {  	_ =	shalt  }
0x61: {  	_ =	shalt  }
0x62: {  	_ =	shalt  }
0x63: {  	_ =	shalt  }
0x64: {  	_ =	shalt  }
0x65: {  	_ =	shalt  }
0x66: {  	_ =	shalt  }
0x67: {  	_ =	shalt  }
0x68: {  	_ =	shalt  }
0x69: {  	_ =	shalt  }
0x6a: {  	_ =	shalt  }
0x6b: {  	_ =	shalt  }
0x6c: {  	_ =	shalt  }
0x6d: {  	_ =	shalt  }
0x6e: {  	_ =	shalt  }
0x6f: {  	_ =	shalt  }
0x70: {  	_ =	shalt  }
0x71: {  	_ =	shalt  }
0x72: {  	_ =	shalt  }
0x73: {  	_ =	shalt  }
0x74: {  	_ =	shalt  }
0x75: {  	_ =	shalt  }
0x76: {  	_ =	shalt  }
0x77: {  	_ =	shalt  }
0x78: {  	_ =	shalt  }
0x79: {  	_ =	shalt  }
0x7a: {  	_ =	shalt  }
0x7b: {  	_ =	shalt  }
0x7c: {  	_ =	shalt  }
0x7d: {  	_ =	shalt  }
0x7e: {  	_ =	shalt  }
0x7f: {  	_ =	shalt  }
0x80: {  	_ =	shalt  }
0x81: {  	_ =	shalt  }
0x82: {  	_ =	shalt  }
0x83: {  	_ =	shalt  }
0x84: {  	_ =	shalt  }
0x85: {  	_ =	shalt  }
0x86: {  	_ =	shalt  }
0x87: {  	_ =	shalt  }
.Lfunc_end0:
.L_simem_size_0:
called_computation.1_lowered:
.L_overlay_start_0:
0x88: {  	s2 =	sld [smem:$0x3FD9]  }
0x89: {  	s3 =	sld [smem:$0x3FFE];
	_ =	sdelay $0x1  }
0x8a: {  	s1 =	srdreg.scid  }
0x8b: {  	s0 =	sand.u32 $0x1, s1  }
0x8c: {  	s17 =	sshll.u32 s0, $0xA;
	s2 =	sadd.s32 s3, s2  }
0x8d: {  	s2 =	sadd.s32 s2, s17  }
0x8e: {  	[smem:$0x3FBA] =	sst s2  }
0x8f: {  	_ = 	snop  }
0x90: {  	s2 =	sld [smem:$0x3FD0];
	(tm) =	ssettm $0x1  }
0x91: {  	s18 =	sld [smem:$0x3FFB];
	_ =	sdelay $0x3  }
0x92: {  	_ =	strace s18  }
0x93: {  	s3 =	sld [smem:$0x3FFC];
	_ =	sdelay $0x3  }
0x94: {  	_ =	strace s3  }
0x95: {  	s3 =	sld [smem:$0x3FFD];
	_ =	sdelay $0x3  }
0x96: {  	_ =	strace s3  }
0x97: {  	_ =	strace $0x8FFFFFFF  }
0x98: {  	s19 =	sld [smem:$0x3FDB];
	_ =	sdelay $0x1  }
0x99: {  	s4 =	simm.s32 $_scs_section_size  }
0x9a: {  	s5 =	simm.s32 $_size__tile_overlayer_lowered;
	s6 =	simm.s32 $_tile_overlayer_lowered  }
0x9b: {  	s22 =	simm.s32 $0x1BFF;
	s21 =	sshll.u32 s6, $0x1;
	s3 =	sadd.s32 s4, s19  }
0x9c: {  	s7 =	simm.s32 $0x0;
	s20 =	sshll.u32 s5, $0x1;
	s5 =	sadd.s32 s21, s3  }
0x9d: {  	[timem:s7], [sflag:s22] =	dma.local [hbm:s5], s20  }
0x9e: {  	_ =	swait.ge [sflag:s22], s20  }
0x9f: {  	s4 =	ssub.s32 $0x0, s20;
	[sflag:s22] =	ssyncset.done $0x0  }
0xa0: {  	[sflag:s22] =	ssyncadd.s32 s4;
	_ =	sdelay $0x1  }
0xa1: {  	s23 =	simm.s32 $0x1B8B  }
0xa2: {  	_ =	swait.ge [sflag:s23], $0x1  }
0xa3: {  	[sflag:s23] =	ssyncset.done $0x0  }
0xa4: {  	s25 =	simm.s32 $0x1B8E;
	s24 =	sld [smem:$0x3FFE];
	[sflag:s23] =	ssyncadd.s32 $0xFFFFFFFF  }
0xa5: {  	s26 =	simm.s32 $execute0_lowered;
	[smem:$0x3FD2] =	sst s25  }
0xa6: {  	s5 =	sshll.u32 s26, $0x1;
	_ =	strace $0x80000049;
	[dreg:$0x1] =	wrdreg $0xFFFFFFFF  }
0xa7: {  	s28 =	simm.s32 $_size_execute0_lowered;
	s3 =	sadd.s32 s3, s5;
	[dreg:$0x0] =	wrdreg $0x0  }
0xa8: {  	s5 =	sshll.u32 s28, $0x1;
	[dreg:$0x2] =	wrdreg s3  }
0xa9: {  	[dreg:$0x3] =	wrdreg s5  }
0xaa: {  	[dreg:$0x4] =	wrdreg $0xC0  }
0xab: {  	_ =	task [dreg:s7], $0x5FFFF  }
0xac: {  	[dreg:$0x1] =	wrdreg $0xFFFFFFFF  }
0xad: {  	[dreg:$0x0] =	wrdreg $0x60  }
0xae: {  	[dreg:$0x2] =	wrdreg s24  }
0xaf: {  	[dreg:$0x3] =	wrdreg s2  }
0xb0: {  	[dreg:$0x4] =	wrdreg $0x82000  }
0xb1: {  	[dreg:$0x5] =	wrdreg $0x9  }
0xb2: {  	_ =	task.clear_ibuf [dreg:s7], $0x6FFFF;
	_ =	strace $0x90000049  }
0xb3: {  	s29 =	simm.s32 $0x9;
	_ =	strace $0x8000004B  }
0xb4: {  	_ =	swait.ge [sflag:s29], $0x1  }
0xb5: {  	[sflag:s29] =	ssyncadd.s32 $0xFFFFFFFF  }
0xb6: {  	_ =	strace $0x9000004B  }
0xb7: {  	_ =	sfence  }
0xb8: {  	s30 =	sld [smem:$0x0];
	_ =	sdelay $0x2  }
0xb9: {  	s31 =	sshll.u32 s1, $0xD;
	s1 =	sshrl.u32 s1, $0x2  }
0xba: {  	s3 =	sand.u32 $0x4000, s31;
	s1 =	sadd.s32 s1, s30  }
0xbb: {  	s0 =	sor.u32 s3, s0;
	s1 =	sshll.u32 s1, $0x11  }
0xbc: {  	s0 =	sor.u32 s1, s0  }
0xbd: {  	s0 =	sadd.s32 $0x8F2B, s0  }
0xbe: {  	[sflag:s0] =	ssyncadd.remote.s32 $0x1  }
0xbf: {  	_ =	sfence.sel $0xFFFF  }
0xc0: {  	[dreg:$0x0] =	wrdreg $0xFFFFFFFF;
	(pc) =	sbr.abs _section_cstart, $3  }
0xc1: {  	[dreg:$0x1] =	wrdreg $0xFFFFFFFF  }
0xc2: {  	_ =	task.clear_ibuf [dreg:s7], $0x2FFFF;
	_ =	strace $0x9FFFFFFF  }
0xc3: {  	(tm) =	ssettm $0x7FFFFFFF  }
tec
execute0_lowered:
.L_overlay_start_1:
0x0: {  	(tag) =	ssettag $0x1  }
0x1: {  	s0 =	rddreg [dreg:$0x0]  }
0x2: {  	s2 =	rddreg [dreg:$0x2];
	s1 =	srdreg.scid;
	s3 =	simm.s32 $0x0  }
0x3: {  	s8 =	stileid.u32;
	s17 =	simm.s32 $0x9;
	s19 =	simm.s32 $0x100  }
0x4: {  	s28 =	simm.s32 $0x1C0;
	s29 =	simm.s32 $0x5;
	s30 =	simm.s32 $0x200  }
0x5: {  	s31 =	simm.s32 $0x6;
	s1 =	sand.u32 $0x1, s1;
	s11 =	smul.u32 $0x14000, s8  }
0x6: {  	[smem:$0x7FF] =	sst s3;
	s5 =	sadd.s32 $0xA2800, s0;
	s20 =	smul.u32 $0xA00, s8  }
0x7: {  	s10 =	sadd.s32 $0x3E800, s0;
	s21 =	sshll.u32 s8, $0x6;
	s4 =	smul.u32 $0xA000, s1  }
0x8: {  	_ =	strace $0x8000004A;
	s6 =	smul.u32 $0x28000, s1;
	s1 =	ssub.s32 $0x2, s1  }
0x9: {  	s7 =	sshrl.u32 s1, $0x1;
	s12 =	sadd.s32 s11, s2;
	s9 =	sadd.s32 s10, s20  }
0xa: {  	s23 =	sor.u32 $0x8, s20;
	s13 =	sor.u32 $0x10, s20;
	s14 =	sor.u32 $0x18, s20  }
0xb: {  	s24 =	sshrl.u32 s11, $0x3;
	[dreg:$0x4] =	wrdreg s20;
	s11 =	simm.s32 $0x0  }
0xc: {  	s4 =	sadd.s32 s4, s0;
	s0 =	sadd.s32 s6, s0;
	[dreg:$0x7] =	wrdreg s13  }
0xd: {  	s1 =	ssub.s32 s1, s7;
	s15 =	sadd.s32 s10, s23;
	[dreg:$0x8] =	wrdreg s14  }
0xe: {  	s7 =	sor.u32 $0x1C09, s21;
	s13 =	sadd.s32 s10, s13;
	[dreg:$0x9] =	wrdreg s15  }
0xf: {  	s10 =	sadd.s32 s10, s14;
	s21 =	simm.s32 $0x40;
	[dreg:$0xa] =	wrdreg s13  }
0x10: {  	s14 =	simm.s32 $0x3;
	s22 =	sadd.s32 $0x8E800, s4;
	[dreg:$0xb] =	wrdreg s10  }
0x11: {  	s0 =	sadd.s32 $0xF2800, s0;
	s1 =	smax.u32 s1, $0x1;
	[dreg:$0x5] =	wrdreg s7  }
0x12: {  	s15 =	sshrl.u32 s12, $0x3;
	s4 =	simm.s32 $0x7;
	[dreg:$0xc] =	wrdreg s1  }
0x13: {  	s12 =	simm.s32 $0x6200;
	s13 =	simm.s32 $0x1;
	[dreg:$0x6] =	wrdreg s22  }
.Ltmp0:
0x14: {  	s25 =	sadd.s32 s20, s22;
	[dreg:$0xd] =	wrdreg s15;
	(pc) =	sbr.rel .LBB2_1-.Ltmp0, $4  }
0x15: {  	s10 =	simm.s32 $0x4;
	s26 =	sadd.s32 s23, s22;
	[dreg:$0xe] =	wrdreg s25  }
0x16: {  	s23 =	simm.s32 $0x80;
	s0 =	sadd.s32 s24, s0;
	[dreg:$0xf] =	wrdreg s26  }
0x17: {  	s1 =	simm.s32 $0x4200;
	s22 =	simm.s32 $0x8;
	[dreg:$0x10] =	wrdreg s0  }
0x18: {  	s25 =	simm.s32 $0x180;
	s26 =	simm.s32 $0xC0;
	s0 =	simm.s32 $0x2200  }
.LBB2_3:
0x19: {  	_ =	swait.ge [sflag:s10], $0x2000  }
0x1a: {  	[sflag:s10] =	ssyncset.done $0x0  }
0x1b: {  	[sflag:s10] =	ssyncadd.s32 $0xFFFFE000  }
0x1c: {  	[spmem:s2] =	stream.indirect.scatter.add.f32 [tilespmem:s12], [sflag:$0x9], $0x80, s28, s21, $0xb8;
	[tilespmem:$0x1C200] =	vst v63  }
0x1d: {  	_ =	swait.ge [sflag:s17], $0x2000  }
0x1e: {  	[sflag:s17] =	ssyncset.done $0x0  }
0x1f: {  	[sflag:s17] =	ssyncadd.s32 $0xFFFFE000  }
.LBB2_5:
0x20: {  	[bflag:$0x0] =	sbarrier.arrive $0xFFFF  }
0x21: {  	s7 =	rddreg [dreg:$0x5]  }
0x22: {  	s15 =	rddreg [dreg:$0xd]  }
0x23: {  	s6 =	rddreg [dreg:$0x10]  }
0x24: {  	[hbm:s6], [sflag:s7] =	dma.local [spmem:s15], $0x2800  }
0x25: {  	_ =	swait.ge [sflag:s17], $0x2800  }
0x26: {  	s11 =	sadd.s32 $0x1, s11;
	s24 =	rddreg [dreg:$0xc]  }
0x27: {  	p0 =	sne.s32 s11, s24  }
.Ltmp1:
0x28: {  	_ = 	snop;
	(pc) =	sbr.rel @!p0 .LBB2_6-.Ltmp1, $3  }
0x29: {  	_ =	sdelay $0x1  }
0x2a: {  	[sflag:s17] =	ssyncset.done $0x0  }
0x2b: {  	[sflag:s17] =	ssyncadd.s32 $0xFFFFD800  }
.LBB2_1:
0x2c: {  	s6 =	rddreg [dreg:$0x1]  }
0x2d: {  	[spmem:s15], [sflag:s7] =	dma.local [hbm:s6], $0x2800  }
0x2e: {  	_ =	swait.ge [sflag:s17], $0x2800  }
0x2f: {  	[sflag:s17] =	ssyncset.done $0x0  }
0x30: {  	[sflag:s17] =	ssyncadd.s32 $0xFFFFD800  }
0x31: {  	[bflag:$0x0] =	sbarrier.arrive $0xFFFF  }
0x32: {  	s15 =	rddreg [dreg:$0xe]  }
0x33: {  	s16 =	rddreg [dreg:$0xf]  }
0x34: {  	[tilespmem:s3], [sflag:$0x5] =	stream.linear.gather [hbm4b:s15+s3], $0x40, $0x38;
	[tilespmem:$0x1C200] =	vst v63  }
0x35: {  	s18 =	rddreg [dreg:$0x9]  }
0x36: {  	[tilespmem:s19], [sflag:$0x5] =	stream.linear.gather [hbm4b:s9+s3], $0x40, $0x38;
	[tilespmem:$0x1C200] =	vst v63  }
0x37: {  	s7 =	rddreg [dreg:$0x6]  }
0x38: {  	[tilespmem:s21], [sflag:$0x6] =	stream.linear.gather [hbm4b:s16+s3], $0x40, $0x38;
	[tilespmem:$0x1C200] =	vst v63  }
0x39: {  	s20 =	simm.s32 $0x140;
	s24 =	rddreg [dreg:$0x7]  }
0x3a: {  	[tilespmem:s20], [sflag:$0x6] =	stream.linear.gather [hbm4b:s18+s3], $0x40, $0x38;
	[tilespmem:$0x1C200] =	vst v63  }
0x3b: {  	s8 =	sadd.s32 s24, s7;
	s15 =	rddreg [dreg:$0xa]  }
0x3c: {  	[tilespmem:s23], [sflag:$0x7] =	stream.linear.gather [hbm4b:s8+s3], $0x40, $0x38;
	[tilespmem:$0x1C200] =	vst v63  }
0x3d: {  	s16 =	rddreg [dreg:$0x8]  }
0x3e: {  	[tilespmem:s25], [sflag:$0x7] =	stream.linear.gather [hbm4b:s15+s3], $0x40, $0x38;
	[tilespmem:$0x1C200] =	vst v63  }
0x3f: {  	s24 =	rddreg [dreg:$0x4];
	s18 =	sadd.s32 s16, s7  }
0x40: {  	[tilespmem:s26], [sflag:$0x8] =	stream.linear.gather [hbm4b:s18+s3], $0x40, $0x38;
	[tilespmem:$0x1C200] =	vst v63  }
0x41: {  	s20 =	rddreg [dreg:$0xb];
	s15 =	sadd.s32 s7, s24;
	s18 =	simm.s32 $0x0  }
0x42: {  	[tilespmem:s28], [sflag:$0x8] =	stream.linear.gather [hbm4b:s20+s3], $0x40, $0x38;
	[tilespmem:$0x1C200] =	vst v63  }
.LBB2_2:
0x43: {  	_ =	swait.ge [sflag:s29], $0x40  }
0x44: {  	[sflag:s29] =	ssyncset.done $0x0  }
0x45: {  	[sflag:s29] =	ssyncadd.s32 $0xFFFFFFC0  }
0x46: {  	_ =	swait.ge [sflag:s29], $0x40  }
0x47: {  	[sflag:s29] =	ssyncset.done $0x0  }
0x48: {  	[sflag:s29] =	ssyncadd.s32 $0xFFFFFFC0  }
0x49: {  	[tilespmem:s30], [sflag:$0x1] =	stream.indirect.gather [hbm4b:s5+s21], $0x80, s3, s21, $0xb8;
	[tilespmem:$0x1C200] =	vst v63  }
0x4a: {  	_ =	swait.ge [sflag:s31], $0x40  }
0x4b: {  	[sflag:s31] =	ssyncset.done $0x0  }
0x4c: {  	[sflag:s31] =	ssyncadd.s32 $0xFFFFFFC0  }
0x4d: {  	_ =	swait.ge [sflag:s31], $0x40  }
0x4e: {  	[sflag:s31] =	ssyncset.done $0x0  }
0x4f: {  	[sflag:s31] =	ssyncadd.s32 $0xFFFFFFC0  }
0x50: {  	[tilespmem:s0], [sflag:$0x2] =	stream.indirect.gather [hbm4b:s5+s21], $0x80, s21, s21, $0xb8;
	[tilespmem:$0x1C200] =	vst v63  }
0x51: {  	_ =	swait.ge [sflag:s4], $0x40  }
0x52: {  	[sflag:s4] =	ssyncset.done $0x0  }
0x53: {  	[sflag:s4] =	ssyncadd.s32 $0xFFFFFFC0  }
0x54: {  	_ =	swait.ge [sflag:s4], $0x40  }
0x55: {  	[sflag:s4] =	ssyncset.done $0x0  }
0x56: {  	[sflag:s4] =	ssyncadd.s32 $0xFFFFFFC0  }
0x57: {  	[tilespmem:s1], [sflag:$0x3] =	stream.indirect.gather [hbm4b:s5+s21], $0x80, s23, s21, $0xb8;
	[tilespmem:$0x1C200] =	vst v63  }
0x58: {  	_ =	swait.ge [sflag:s22], $0x40  }
0x59: {  	[sflag:s22] =	ssyncset.done $0x0  }
0x5a: {  	[sflag:s22] =	ssyncadd.s32 $0xFFFFFFC0  }
0x5b: {  	_ =	swait.ge [sflag:s22], $0x40  }
0x5c: {  	[sflag:s22] =	ssyncset.done $0x0  }
0x5d: {  	[sflag:s22] =	ssyncadd.s32 $0xFFFFFFC0  }
0x5e: {  	[tilespmem:s12], [sflag:$0x4] =	stream.indirect.gather [hbm4b:s5+s21], $0x80, s26, s21, $0xb8;
	[tilespmem:$0x1C200] =	vst v63  }
0x5f: {  	_ =	swait.ge [sflag:s13], $0x2000  }
0x60: {  	[sflag:s13] =	ssyncset.done $0x0  }
0x61: {  	[sflag:s13] =	ssyncadd.s32 $0xFFFFE000  }
0x62: {  	[spmem:s2] =	stream.indirect.scatter.add.f32 [tilespmem:s30], [sflag:$0x9], $0x80, s19, s21, $0xb8;
	[tilespmem:$0x1C200] =	vst v63  }
0x63: {  	_ =	swait.ge [sflag:s17], $0x2000  }
0x64: {  	p0 =	seq.s32 s18, $0x9E0;
	[sflag:s17] =	ssyncset.done $0x0  }
0x65: {  	s20 =	simm.s32 @p0 $0x2;
	[sflag:s17] =	ssyncadd.s32 $0xFFFFE000  }
0x66: {  	_ =	swait.ge @p0 [sflag:s20], $0x2000  }
0x67: {  	s24 =	simm.s32 @p0 $0x140;
	[sflag:s20] =	ssyncset.done @p0 $0x0  }
0x68: {  	s6 =	simm.s32 @p0 $0x2200;
	[sflag:s20] =	ssyncadd.s32 @p0 $0xFFFFE000;
	s20 =	simm.s32 @p0 $0x40  }
0x69: {  	[spmem:s2] =	stream.indirect.scatter.add.f32 @p0 [tilespmem:s6], [sflag:$0x9], $0x80, s24, s20, $0xb8;
	[tilespmem:$0x1C200] =	vst v63  }
0x6a: {  	s6 =	simm.s32 @p0 $0x9  }
0x6b: {  	_ =	swait.ge @p0 [sflag:s6], $0x2000  }
0x6c: {  	s20 =	sadd.s32 @!p0 s18, s15;
	[sflag:s6] =	ssyncset.done @p0 $0x0  }
0x6d: {  	s24 =	simm.s32 @!p0 $0x0;
	[sflag:s6] =	ssyncadd.s32 @p0 $0xFFFFE000;
	s6 =	sadd.s32 @!p0 $0x20, s20  }
0x6e: {  	[tilespmem:s24], [sflag:$0x5] =	stream.linear.gather @!p0 [hbm4b:s6+s24], $0x40, $0x38;
	[tilespmem:$0x1C200] =	vst v63  }
0x6f: {  	s6 =	sadd.s32 @!p0 s18, s9  }
0x70: {  	s16 =	simm.s32 @!p0 $0x100;
	s7 =	sadd.s32 @!p0 $0x20, s6  }
0x71: {  	[tilespmem:s16], [sflag:$0x5] =	stream.linear.gather @!p0 [hbm4b:s7+s24], $0x40, $0x38;
	[tilespmem:$0x1C200] =	vst v63  }
0x72: {  	s7 =	simm.s32 @!p0 $0x2  }
0x73: {  	_ =	swait.ge @!p0 [sflag:s7], $0x2000  }
0x74: {  	s8 =	simm.s32 @!p0 $0x2200;
	[sflag:s7] =	ssyncset.done @!p0 $0x0  }
0x75: {  	s16 =	simm.s32 @!p0 $0x140;
	[sflag:s7] =	ssyncadd.s32 @!p0 $0xFFFFE000;
	s7 =	simm.s32 @!p0 $0x40  }
0x76: {  	[spmem:s2] =	stream.indirect.scatter.add.f32 @!p0 [tilespmem:s8], [sflag:$0x9], $0x80, s16, s7, $0xb8;
	[tilespmem:$0x1C200] =	vst v63  }
0x77: {  	s8 =	simm.s32 @!p0 $0x9  }
0x78: {  	_ =	swait.ge @!p0 [sflag:s8], $0x2000  }
0x79: {  	[sflag:s8] =	ssyncset.done @!p0 $0x0  }
0x7a: {  	[sflag:s8] =	ssyncadd.s32 @!p0 $0xFFFFE000;
	s8 =	sadd.s32 @!p0 $0x28, s20  }
0x7b: {  	[tilespmem:s7], [sflag:$0x6] =	stream.linear.gather @!p0 [hbm4b:s8+s24], $0x40, $0x38;
	[tilespmem:$0x1C200] =	vst v63  }
0x7c: {  	s6 =	sadd.s32 @!p0 $0x28, s6  }
0x7d: {  	[tilespmem:s16], [sflag:$0x6] =	stream.linear.gather @!p0 [hbm4b:s6+s24], $0x40, $0x38;
	[tilespmem:$0x1C200] =	vst v63  }
0x7e: {  	_ =	swait.ge [sflag:s14], $0x2000  }
0x7f: {  	p0 =	sne.s32 s18, $0x9E0;
	[sflag:s14] =	ssyncset.done $0x0  }
.Ltmp2:
0x80: {  	[sflag:s14] =	ssyncadd.s32 $0xFFFFE000;
	(pc) =	sbr.rel @!p0 .LBB2_3-.Ltmp2, $4  }
0x81: {  	[spmem:s2] =	stream.indirect.scatter.add.f32 [tilespmem:s1], [sflag:$0x9], $0x80, s25, s21, $0xb8;
	[tilespmem:$0x1C200] =	vst v63  }
0x82: {  	_ =	swait.ge [sflag:s17], $0x2000  }
0x83: {  	[sflag:s17] =	ssyncset.done $0x0  }
0x84: {  	[sflag:s17] =	ssyncadd.s32 $0xFFFFE000  }
0x85: {  	s6 =	sadd.s32 s18, s15  }
0x86: {  	s20 =	sadd.s32 s18, s9;
	s7 =	sadd.s32 $0x30, s6  }
0x87: {  	[tilespmem:s23], [sflag:$0x7] =	stream.linear.gather [hbm4b:s7+s3], $0x40, $0x38;
	[tilespmem:$0x1C200] =	vst v63  }
0x88: {  	s8 =	sadd.s32 $0x30, s20  }
0x89: {  	[tilespmem:s25], [sflag:$0x7] =	stream.linear.gather [hbm4b:s8+s3], $0x40, $0x38;
	[tilespmem:$0x1C200] =	vst v63  }
0x8a: {  	_ =	swait.ge [sflag:s10], $0x2000  }
0x8b: {  	[sflag:s10] =	ssyncset.done $0x0  }
0x8c: {  	s18 =	sadd.s32 $0x20, s18;
	[sflag:s10] =	ssyncadd.s32 $0xFFFFE000  }
0x8d: {  	[spmem:s2] =	stream.indirect.scatter.add.f32 [tilespmem:s12], [sflag:$0x9], $0x80, s28, s21, $0xb8;
	[tilespmem:$0x1C200] =	vst v63  }
0x8e: {  	p0 =	sne.s32 s18, $0xA00;
	_ =	swait.ge [sflag:s17], $0x2000  }
.Ltmp3:
0x8f: {  	[sflag:s17] =	ssyncset.done $0x0;
	(pc) =	sbr.rel @p0 .LBB2_2-.Ltmp3, $4  }
.Ltmp4:
0x90: {  	s6 =	sadd.s32 $0x38, s6;
	[sflag:s17] =	ssyncadd.s32 $0xFFFFE000;
	(pc) =	sbr.rel @!p0 .LBB2_5-.Ltmp4, $4  }
0x91: {  	[tilespmem:s26], [sflag:$0x8] =	stream.linear.gather [hbm4b:s6+s3], $0x40, $0x38;
	[tilespmem:$0x1C200] =	vst v63  }
0x92: {  	s24 =	sadd.s32 $0x38, s20  }
0x93: {  	[tilespmem:s28], [sflag:$0x8] =	stream.linear.gather [hbm4b:s24+s3], $0x40, $0x38;
	[tilespmem:$0x1C200] =	vst v63  }
0x94: {  	_ = 	snop  }
.LBB2_6:
0x95: {  	_ =	sfence.sel $0x180000  }
0x96: {  	[bflag:$0x0] =	sbarrier.arrive $0xFFFF  }
0x97: {  	_ =	strace $0x9000004A  }
0x98: {  	s0 =	stileid.u32;
	[bflag:$0x2] =	sbarrier.arrive $0xFFFF  }
0x99: {  	p0 =	sne.s32 s0, $0x0;
	s0 =	rddreg [dreg:$0x3]  }
0x9a: {  	s0 =	sadd.s32 @!p0 $0x100000, s0  }
0x9b: {  	[sflag:s0] =	ssyncadd.tile.s32 @!p0 $0x1;
	_ =	shalt  }
.Lfunc_end2:
_tile_overlayer_lowered:
.L_overlay_start_2:
0x9c: {  	(tag) =	ssettag $0x2  }
0x9d: {  	s0 =	rddreg [dreg:$0x0];
	s2 =	stileid.u32  }
0x9e: {  	s1 =	rddreg [dreg:$0x1];
	p0 =	sne.s32 s2, $0x0  }
0x9f: {  	s3 =	rddreg [dreg:$0x2];
	[bflag:$0x3] =	sbarrier.arrive $0xFFFF;
	s2 =	simm.s32 @!p0 $0x1C09  }
0xa0: {  	[timem:s3], [sflag:s2] =	dma.local @!p0 [hbm:s0], s1  }
0xa1: {  	s0 =	simm.s32 @!p0 $0x9  }
0xa2: {  	_ =	swait.ge @!p0 [sflag:s0], s1  }
0xa3: {  	s1 =	ssub.s32 @!p0 $0x0, s1;
	[sflag:s0] =	ssyncset.done @!p0 $0x0  }
0xa4: {  	[sflag:s0] =	ssyncadd.s32 @!p0 s1  }
0xa5: {  	[bflag:$0x3] =	sbarrier.arrive $0xFFFF  }
0xa6: {  	_ =	shalt  }

// kernel: kernel.14.cloned.1.call-start
scs
__scs_entry_jumppad:
0x0: {  	(pc) =	sbr.rel $0x88, $3  }
0x1: {  	(tag) =	ssettag $0x0;
	lr =	simm.s32 $0x1  }
0x2: {  	[smem:$0x3F93] =	sst lr;
	_ =	strace $0xD0000000  }
0x3: {  	_ = 	snop  }
0x4: {  	_ = 	snop  }
0x5: {  	_ = 	snop  }
0x6: {  	_ = 	snop  }
0x7: {  	_ = 	snop  }
__scs_overlays_trampoline_lowered:
0x8: {  	[smem:$0x3FA2] =	sst s0  }
0x9: {  	[smem:$0x3FA3] =	sst s1  }
0xa: {  	[smem:$0x3FA4] =	sst s2  }
0xb: {  	[smem:$0x3FA5] =	sst s3  }
0xc: {  	[smem:$0x3FA6] =	sst s4  }
0xd: {  	[smem:$0x3FA7] =	sst s5  }
0xe: {  	[smem:$0x3FA8] =	sst s6  }
0xf: {  	[smem:$0x3FA9] =	sst s7  }
0x10: {  	[smem:$0x3FAA] =	sst s8  }
0x11: {  	[smem:$0x3FAB] =	sst s9;
	s0 =	simm.s32 @!p0 $0x0  }
0x12: {  	s1 =	sld [smem:$0x3F91];
	s0 =	simm.s32 @p0 $0x1  }
0x13: {  	[smem:$0x3FAC] =	sst s0;
	s0 =	simm.s32 @!p1 $0x0  }
0x14: {  	s2 =	sld [smem:$0x3F90];
	s0 =	simm.s32 @p1 $0x1  }
0x15: {  	[smem:$0x3FAD] =	sst s0;
	s0 =	simm.s32 @!p2 $0x0  }
0x16: {  	s3 =	sld [smem:$0x3FDB];
	s0 =	simm.s32 @p2 $0x1  }
0x17: {  	s4 =	simm.s32 $0x1BF5;
	[smem:$0x3FAF] =	sst s0  }
0x18: {  	s0 =	sld [smem:$0x3F92];
	_ =	swait.ge [sflag:s4], $0x0  }
0x19: {  	s7 =	sld [smem:$0x3F93]  }
0x1a: {  	s8 =	sadd.s32 $0xFFFFE003, lr  }
0x1b: {  	s9 =	sadd.s32 $0xFFFFFEF7, lr;
	s5 =	simm.s32 $0xFFFFFFFF;
	p2 =	slt.u32 s8, $0xFFFFF086  }
0x1c: {  	p1 =	slt.u32 s9, $0xF7A;
	s5 =	simm.s32 @!p2 $0x0  }
0x1d: {  	s5 =	simm.s32 @p1 $0x1;
	p0 =	seq.s32 s7, s2  }
0x1e: {  	s7 =	smul.u32 @!p0 $0xF7A, s2;
	p2 =	seq.s32 @!p0 s5, $0x0  }
0x1f: {  	s9 =	smul.u32 $0xF7A, s1;
	s8 =	simm.s32 @!p0 $0x1BF5;
	p2 =	por !p2, p0  }
0x20: {  	[sflag:s8] =	ssyncset.s32 @!p0 $0xFFFFF086;
	s6 =	sadd.s32 @!p0 s3, s7;
	s7 =	simm.s32 @!p0 $0x108  }
0x21: {  	s3 =	sadd.s32 s3, s9;
	s6 =	sadd.s32 @!p0 $0x88, s6;
	s7 =	simm.s32 @p2 $0x1082  }
0x22: {  	[simem:s7], [sflag:s8] =	dma.local @!p0 [hbm:s6], $0xF7A  }
0x23: {  	s9 =	sor.u32 $0xD0000000, s2;
	s6 =	simm.s32 $0x108;
	_ =	swait.ge @!p0 [sflag:s8], $0x0  }
0x24: {  	s3 =	sadd.s32 $0x88, s3;
	s6 =	simm.s32 @!p1 $0x1082;
	[sflag:s4] =	ssyncset.s32 $0xFFFFF086  }
0x25: {  	[simem:s6], [sflag:s4] =	dma.local [hbm:s3], $0xF7A  }
0x26: {  	[smem:$0x3F93] =	sst s1;
	(tag) =	ssettag s2;
	_ =	strace s9  }
0x27: {  	s1 =	sld [smem:$0x3FA3]  }
0x28: {  	s2 =	sld [smem:$0x3FA4]  }
0x29: {  	s4 =	sld [smem:$0x3FA6]  }
0x2a: {  	p0 =	seq.s32 s5, $0x0;
	s5 =	sld [smem:$0x3FA7]  }
0x2b: {  	s6 =	sld [smem:$0x3FA8]  }
0x2c: {  	s7 =	sld [smem:$0x3FA9]  }
0x2d: {  	s3 =	simm.s32 $0x108;
	s8 =	sld [smem:$0x3FAA]  }
0x2e: {  	s3 =	simm.s32 @!p0 $0x1082;
	s9 =	sld [smem:$0x3FAB]  }
0x2f: {  	lr =	sadd.s32 s0, s3;
	s0 =	sld [smem:$0x3FA2]  }
0x30: {  	s3 =	sld [smem:$0x3FA5]  }
0x31: {  	[smem:$0x3FAE] =	sst s10  }
0x32: {  	s10 =	sld [smem:$0x3FAC];
	_ =	sdelay $0x3  }
0x33: {  	p0 =	seq.s32 s10, $0x1;
	s10 =	sld [smem:$0x3FAE];
	_ =	sdelay $0x3  }
0x34: {  	[smem:$0x3FAE] =	sst s10  }
0x35: {  	s10 =	sld [smem:$0x3FAD];
	_ =	sdelay $0x3  }
0x36: {  	p1 =	seq.s32 s10, $0x1;
	s10 =	sld [smem:$0x3FAE];
	_ =	sdelay $0x3  }
0x37: {  	[smem:$0x3FAE] =	sst s10  }
0x38: {  	s10 =	sld [smem:$0x3FAF]  }
0x39: {  	_ = 	snop;
	(pc) =	sbr.ind lr, $3  }
0x3a: {  	_ = 	snop  }
0x3b: {  	_ = 	snop  }
0x3c: {  	p2 =	seq.s32 s10, $0x1;
	s10 =	sld [smem:$0x3FAE]  }
0x3d: {  	_ =	shalt  }
0x3e: {  	_ =	shalt  }
0x3f: {  	_ =	shalt  }
0x40: {  	_ =	shalt  }
0x41: {  	_ =	shalt  }
0x42: {  	_ =	shalt  }
0x43: {  	_ =	shalt  }
0x44: {  	_ =	shalt  }
0x45: {  	_ =	shalt  }
0x46: {  	_ =	shalt  }
0x47: {  	_ =	shalt  }
0x48: {  	_ =	shalt  }
0x49: {  	_ =	shalt  }
0x4a: {  	_ =	shalt  }
0x4b: {  	_ =	shalt  }
0x4c: {  	_ =	shalt  }
0x4d: {  	_ =	shalt  }
0x4e: {  	_ =	shalt  }
0x4f: {  	_ =	shalt  }
0x50: {  	_ =	shalt  }
0x51: {  	_ =	shalt  }
0x52: {  	_ =	shalt  }
0x53: {  	_ =	shalt  }
0x54: {  	_ =	shalt  }
0x55: {  	_ =	shalt  }
0x56: {  	_ =	shalt  }
0x57: {  	_ =	shalt  }
0x58: {  	_ =	shalt  }
0x59: {  	_ =	shalt  }
0x5a: {  	_ =	shalt  }
0x5b: {  	_ =	shalt  }
0x5c: {  	_ =	shalt  }
0x5d: {  	_ =	shalt  }
0x5e: {  	_ =	shalt  }
0x5f: {  	_ =	shalt  }
0x60: {  	_ =	shalt  }
0x61: {  	_ =	shalt  }
0x62: {  	_ =	shalt  }
0x63: {  	_ =	shalt  }
0x64: {  	_ =	shalt  }
0x65: {  	_ =	shalt  }
0x66: {  	_ =	shalt  }
0x67: {  	_ =	shalt  }
0x68: {  	_ =	shalt  }
0x69: {  	_ =	shalt  }
0x6a: {  	_ =	shalt  }
0x6b: {  	_ =	shalt  }
0x6c: {  	_ =	shalt  }
0x6d: {  	_ =	shalt  }
0x6e: {  	_ =	shalt  }
0x6f: {  	_ =	shalt  }
0x70: {  	_ =	shalt  }
0x71: {  	_ =	shalt  }
0x72: {  	_ =	shalt  }
0x73: {  	_ =	shalt  }
0x74: {  	_ =	shalt  }
0x75: {  	_ =	shalt  }
0x76: {  	_ =	shalt  }
0x77: {  	_ =	shalt  }
0x78: {  	_ =	shalt  }
0x79: {  	_ =	shalt  }
0x7a: {  	_ =	shalt  }
0x7b: {  	_ =	shalt  }
0x7c: {  	_ =	shalt  }
0x7d: {  	_ =	shalt  }
0x7e: {  	_ =	shalt  }
0x7f: {  	_ =	shalt  }
0x80: {  	_ =	shalt  }
0x81: {  	_ =	shalt  }
0x82: {  	_ =	shalt  }
0x83: {  	_ =	shalt  }
0x84: {  	_ =	shalt  }
0x85: {  	_ =	shalt  }
0x86: {  	_ =	shalt  }
0x87: {  	_ =	shalt  }
.Lfunc_end0:
.L_simem_size_0:
called_computation.2_lowered:
.L_overlay_start_0:
0x88: {  	s2 =	sld [smem:$0x3FD9]  }
0x89: {  	s3 =	sld [smem:$0x3FFE];
	_ =	sdelay $0x1  }
0x8a: {  	s1 =	srdreg.scid  }
0x8b: {  	s0 =	sand.u32 $0x1, s1  }
0x8c: {  	s16 =	sshll.u32 s0, $0xA;
	s2 =	sadd.s32 s3, s2  }
0x8d: {  	s2 =	sadd.s32 s2, s16  }
0x8e: {  	[smem:$0x3FBA] =	sst s2  }
0x8f: {  	_ = 	snop  }
0x90: {  	(tm) =	ssettm $0x1  }
0x91: {  	s17 =	sld [smem:$0x3FFB];
	_ =	sdelay $0x3  }
0x92: {  	_ =	strace s17  }
0x93: {  	s2 =	sld [smem:$0x3FFC];
	_ =	sdelay $0x3  }
0x94: {  	_ =	strace s2  }
0x95: {  	s2 =	sld [smem:$0x3FFD];
	_ =	sdelay $0x3  }
0x96: {  	_ =	strace s2  }
0x97: {  	_ =	strace $0x8FFFFFFF  }
0x98: {  	s18 =	sld [smem:$0x3FDB];
	_ =	sdelay $0x1  }
0x99: {  	s19 =	simm.s32 $_scs_section_size  }
0x9a: {  	s4 =	simm.s32 $_size__tile_overlayer_lowered;
	s5 =	simm.s32 $_tile_overlayer_lowered  }
0x9b: {  	s22 =	simm.s32 $0x1BFF;
	s21 =	sshll.u32 s5, $0x1;
	s2 =	sadd.s32 s19, s18  }
0x9c: {  	s6 =	simm.s32 $0x0;
	s20 =	sshll.u32 s4, $0x1;
	s4 =	sadd.s32 s21, s2  }
0x9d: {  	[timem:s6], [sflag:s22] =	dma.local [hbm:s4], s20  }
0x9e: {  	_ =	swait.ge [sflag:s22], s20  }
0x9f: {  	s3 =	ssub.s32 $0x0, s20;
	[sflag:s22] =	ssyncset.done $0x0  }
0xa0: {  	[sflag:s22] =	ssyncadd.s32 s3;
	_ =	sdelay $0x1  }
0xa1: {  	s23 =	simm.s32 $0x1B8B  }
0xa2: {  	_ =	swait.ge [sflag:s23], $0x1  }
0xa3: {  	[sflag:s23] =	ssyncset.done $0x0  }
0xa4: {  	s25 =	simm.s32 $0x1B8E;
	s24 =	sld [smem:$0x3FFE];
	[sflag:s23] =	ssyncadd.s32 $0xFFFFFFFF  }
0xa5: {  	s26 =	simm.s32 $execute0_lowered;
	[smem:$0x3FD2] =	sst s25  }
0xa6: {  	s4 =	sshll.u32 s26, $0x1;
	_ =	strace $0x8000004C;
	[dreg:$0x1] =	wrdreg $0xFFFFFFFF  }
0xa7: {  	s28 =	simm.s32 $_size_execute0_lowered;
	s2 =	sadd.s32 s2, s4;
	[dreg:$0x0] =	wrdreg $0x0  }
0xa8: {  	s4 =	sshll.u32 s28, $0x1;
	[dreg:$0x2] =	wrdreg s2  }
0xa9: {  	[dreg:$0x3] =	wrdreg s4  }
0xaa: {  	[dreg:$0x4] =	wrdreg $0xC0  }
0xab: {  	_ =	task [dreg:s6], $0x5FFFF  }
0xac: {  	[dreg:$0x1] =	wrdreg $0xFFFFFFFF  }
0xad: {  	[dreg:$0x0] =	wrdreg $0x60  }
0xae: {  	[dreg:$0x2] =	wrdreg s24  }
0xaf: {  	[dreg:$0x3] =	wrdreg $0x9  }
0xb0: {  	_ =	task.clear_ibuf [dreg:s6], $0x4FFFF;
	_ =	strace $0x9000004C  }
0xb1: {  	s29 =	simm.s32 $0x9;
	_ =	strace $0x8000004E  }
0xb2: {  	_ =	swait.ge [sflag:s29], $0x1  }
0xb3: {  	[sflag:s29] =	ssyncadd.s32 $0xFFFFFFFF  }
0xb4: {  	_ =	strace $0x9000004E  }
0xb5: {  	_ =	sfence  }
0xb6: {  	s30 =	sld [smem:$0x0];
	_ =	sdelay $0x2  }
0xb7: {  	s31 =	sshll.u32 s1, $0xD;
	s1 =	sshrl.u32 s1, $0x2  }
0xb8: {  	s3 =	sand.u32 $0x4000, s31;
	s1 =	sadd.s32 s1, s30  }
0xb9: {  	s0 =	sor.u32 s3, s0;
	s1 =	sshll.u32 s1, $0x11  }
0xba: {  	s0 =	sor.u32 s1, s0  }
0xbb: {  	s0 =	sadd.s32 $0x8F2B, s0  }
0xbc: {  	[sflag:s0] =	ssyncadd.remote.s32 $0x1  }
0xbd: {  	_ =	sfence.sel $0xFFFF  }
0xbe: {  	[dreg:$0x0] =	wrdreg $0xFFFFFFFF;
	(pc) =	sbr.abs _section_cstart, $3  }
0xbf: {  	[dreg:$0x1] =	wrdreg $0xFFFFFFFF  }
0xc0: {  	_ =	task.clear_ibuf [dreg:s6], $0x2FFFF;
	_ =	strace $0x9FFFFFFF  }
0xc1: {  	(tm) =	ssettm $0x7FFFFFFF  }
tec
execute0_lowered:
.L_overlay_start_1:
0x0: {  	(tag) =	ssettag $0x1  }
0x1: {  	s4 =	rddreg [dreg:$0x0];
	s2 =	srdreg.scid  }
0x2: {  	s1 =	simm.s32 $0x0;
	s9 =	simm.s32 $0x2A00;
	s10 =	simm.s32 $0x100  }
0x3: {  	s11 =	simm.s32 $0x3A00;
	s12 =	simm.s32 $0x180;
	s13 =	simm.s32 $0x4A00  }
0x4: {  	s14 =	simm.s32 $0x1;
	s16 =	simm.s32 $0x2;
	s17 =	simm.s32 $0x3  }
0x5: {  	s18 =	simm.s32 $0x4;
	s19 =	simm.s32 $0x5;
	s5 =	sand.u32 $0x1, s2  }
0x6: {  	s20 =	simm.s32 $0x6;
	s26 =	simm.s32 $0x8;
	s6 =	smul.u32 $0x3400, s5  }
0x7: {  	s28 =	simm.s32 $0x0;
	s2 =	stileid.u32;
	s7 =	smul.u32 $0x68000, s5  }
0x8: {  	[smem:$0x7FF] =	sst s1;
	s3 =	sadd.s32 $0x9200, s4;
	s8 =	smul.u32 $0x340, s2  }
0x9: {  	_ =	strace $0x8000004D;
	s31 =	ssub.s32 $0x2, s5;
	s15 =	smul.u32 $0x6800, s2  }
0xa: {  	s5 =	sshrl.u32 s31, $0x1;
	s6 =	sadd.s32 s6, s4;
	s7 =	sadd.s32 s7, s4  }
0xb: {  	s5 =	ssub.s32 s31, s5;
	s21 =	sadd.s32 $0x6000, s15;
	s22 =	sadd.s32 $0x6200, s15  }
0xc: {  	s23 =	sadd.s32 $0x6400, s15;
	s25 =	sadd.s32 $0x6600, s15;
	s6 =	sadd.s32 s8, s6  }
0xd: {  	s24 =	sadd.s32 $0x1D200, s7;
	s5 =	smax.u32 s5, $0x1;
	s7 =	simm.s32 $0x80  }
0xe: {  	s8 =	simm.s32 $0x1A00;
	s4 =	sadd.s32 $0x2A00, s6;
	s6 =	simm.s32 $0x9  }
0xf: {  	s15 =	sadd.s32 s24, s15;
	s21 =	sadd.s32 s21, s24;
	s22 =	sadd.s32 s24, s22  }
0x10: {  	s23 =	sadd.s32 s24, s23;
	s24 =	sadd.s32 s24, s25;
	s25 =	simm.s32 $0x7  }
.LBB2_1:
0x11: {  	[tilespmem:s1], [sflag:$0x9] =	stream.linear.gather [hbm4b:s4+s1], $0x1A00, $0x38;
	[tilespmem:$0x5A00] =	vst v63  }
0x12: {  	_ =	swait.ge [sflag:s6], $0x1A00  }
0x13: {  	[sflag:s6] =	ssyncset.done $0x0  }
0x14: {  	[sflag:s6] =	ssyncadd.s32 $0xFFFFE600  }
0x15: {  	[tilespmem:s8], [sflag:$0x1] =	stream.indirect.gather [hbm4b:s3+s7], $0x20, s1, s7, $0xb8;
	[tilespmem:$0x5A00] =	vst v63  }
0x16: {  	_ = 	snop  }
0x17: {  	[tilespmem:s9], [sflag:$0x2] =	stream.indirect.gather [hbm4b:s3+s7], $0x20, s7, s7, $0xb8;
	[tilespmem:$0x5A00] =	vst v63  }
0x18: {  	_ = 	snop  }
0x19: {  	[tilespmem:s11], [sflag:$0x3] =	stream.indirect.gather [hbm4b:s3+s7], $0x20, s10, s7, $0xb8;
	[tilespmem:$0x5A00] =	vst v63  }
0x1a: {  	_ = 	snop  }
0x1b: {  	[tilespmem:s13], [sflag:$0x4] =	stream.indirect.gather [hbm4b:s3+s7], $0x20, s12, s7, $0xb8;
	[tilespmem:$0x5A00] =	vst v63  }
0x1c: {  	_ =	swait.ge [sflag:s14], $0x1000  }
0x1d: {  	[sflag:s14] =	ssyncset.done $0x0  }
0x1e: {  	s29 =	sadd.s32 $0x0, s15;
	[sflag:s14] =	ssyncadd.s32 $0xFFFFF000  }
0x1f: {  	[hbm4b:s29+s1] =	stream.linear.scatter [tilespmem:s8], [sflag:$0x5], $0x1000, $0x38;
	[tilespmem:$0x5A00] =	vst v63  }
0x20: {  	_ =	swait.ge [sflag:s16], $0x1000  }
0x21: {  	[sflag:s16] =	ssyncset.done $0x0  }
0x22: {  	s30 =	sadd.s32 $0x200, s29;
	[sflag:s16] =	ssyncadd.s32 $0xFFFFF000  }
0x23: {  	[hbm4b:s30+s1] =	stream.linear.scatter [tilespmem:s9], [sflag:$0x6], $0x1000, $0x38;
	[tilespmem:$0x5A00] =	vst v63  }
0x24: {  	_ =	swait.ge [sflag:s17], $0x1000  }
0x25: {  	[sflag:s17] =	ssyncset.done $0x0  }
0x26: {  	s30 =	sadd.s32 $0x400, s29;
	[sflag:s17] =	ssyncadd.s32 $0xFFFFF000  }
0x27: {  	[hbm4b:s30+s1] =	stream.linear.scatter [tilespmem:s11], [sflag:$0x7], $0x1000, $0x38;
	[tilespmem:$0x5A00] =	vst v63  }
0x28: {  	_ =	swait.ge [sflag:s18], $0x1000  }
0x29: {  	[sflag:s18] =	ssyncset.done $0x0  }
0x2a: {  	s29 =	sadd.s32 $0x600, s29;
	[sflag:s18] =	ssyncadd.s32 $0xFFFFF000  }
0x2b: {  	[hbm4b:s29+s1] =	stream.linear.scatter [tilespmem:s13], [sflag:$0x8], $0x1000, $0x38;
	[tilespmem:$0x5A00] =	vst v63  }
0x2c: {  	_ =	swait.ge [sflag:s19], $0x1000  }
0x2d: {  	[sflag:s19] =	ssyncset.done $0x0  }
0x2e: {  	s29 =	simm.s32 $0x200;
	[sflag:s19] =	ssyncadd.s32 $0xFFFFF000  }
0x2f: {  	[tilespmem:s8], [sflag:$0x1] =	stream.indirect.gather [hbm4b:s3+s7], $0x20, s29, s7, $0xb8;
	[tilespmem:$0x5A00] =	vst v63  }
0x30: {  	_ =	swait.ge [sflag:s20], $0x1000  }
0x31: {  	[sflag:s20] =	ssyncset.done $0x0  }
0x32: {  	s29 =	simm.s32 $0x280;
	[sflag:s20] =	ssyncadd.s32 $0xFFFFF000  }
0x33: {  	[tilespmem:s9], [sflag:$0x2] =	stream.indirect.gather [hbm4b:s3+s7], $0x20, s29, s7, $0xb8;
	[tilespmem:$0x5A00] =	vst v63  }
0x34: {  	_ =	swait.ge [sflag:s25], $0x1000  }
0x35: {  	[sflag:s25] =	ssyncset.done $0x0  }
0x36: {  	s29 =	simm.s32 $0x300;
	[sflag:s25] =	ssyncadd.s32 $0xFFFFF000  }
0x37: {  	[tilespmem:s11], [sflag:$0x3] =	stream.indirect.gather [hbm4b:s3+s7], $0x20, s29, s7, $0xb8;
	[tilespmem:$0x5A00] =	vst v63  }
0x38: {  	_ =	swait.ge [sflag:s26], $0x1000  }
0x39: {  	[sflag:s26] =	ssyncset.done $0x0  }
0x3a: {  	s30 =	simm.s32 $0x380;
	s29 =	simm.s32 $0x800;
	[sflag:s26] =	ssyncadd.s32 $0xFFFFF000  }
.LBB2_2:
0x3b: {  	[tilespmem:s13], [sflag:$0x4] =	stream.indirect.gather [hbm4b:s3+s7], $0x20, s30, s7, $0xb8;
	[tilespmem:$0x5A00] =	vst v63  }
0x3c: {  	s30 =	smov.u32 s29  }
0x3d: {  	p0 =	sne.s32 s29, $0x5800;
	s29 =	sadd.s32 $0x800, s29;
	_ =	swait.ge [sflag:s14], $0x1000  }
0x3e: {  	[sflag:s14] =	ssyncset.done $0x0  }
0x3f: {  	s31 =	sadd.s32 s30, s15;
	[sflag:s14] =	ssyncadd.s32 $0xFFFFF000  }
0x40: {  	[hbm4b:s31+s1] =	stream.linear.scatter [tilespmem:s8], [sflag:$0x5], $0x1000, $0x38;
	[tilespmem:$0x5A00] =	vst v63  }
0x41: {  	_ =	swait.ge [sflag:s16], $0x1000  }
0x42: {  	[sflag:s16] =	ssyncset.done $0x0  }
0x43: {  	s0 =	sadd.s32 $0x200, s31;
	[sflag:s16] =	ssyncadd.s32 $0xFFFFF000  }
0x44: {  	[hbm4b:s0+s1] =	stream.linear.scatter [tilespmem:s9], [sflag:$0x6], $0x1000, $0x38;
	[tilespmem:$0x5A00] =	vst v63  }
0x45: {  	_ =	swait.ge [sflag:s17], $0x1000  }
0x46: {  	[sflag:s17] =	ssyncset.done $0x0  }
0x47: {  	s0 =	sadd.s32 $0x400, s31;
	[sflag:s17] =	ssyncadd.s32 $0xFFFFF000  }
0x48: {  	[hbm4b:s0+s1] =	stream.linear.scatter [tilespmem:s11], [sflag:$0x7], $0x1000, $0x38;
	[tilespmem:$0x5A00] =	vst v63  }
0x49: {  	_ =	swait.ge [sflag:s18], $0x1000  }
0x4a: {  	[sflag:s18] =	ssyncset.done $0x0  }
0x4b: {  	s0 =	sadd.s32 $0x600, s31;
	[sflag:s18] =	ssyncadd.s32 $0xFFFFF000  }
0x4c: {  	[hbm4b:s0+s1] =	stream.linear.scatter [tilespmem:s13], [sflag:$0x8], $0x1000, $0x38;
	[tilespmem:$0x5A00] =	vst v63  }
0x4d: {  	_ =	swait.ge [sflag:s19], $0x1000  }
0x4e: {  	s0 =	sshra.s32 s30, $0x2;
	[sflag:s19] =	ssyncset.done $0x0  }
0x4f: {  	s30 =	sadd.s32 $0x200, s0;
	[sflag:s19] =	ssyncadd.s32 $0xFFFFF000  }
0x50: {  	[tilespmem:s8], [sflag:$0x1] =	stream.indirect.gather [hbm4b:s3+s7], $0x20, s30, s7, $0xb8;
	[tilespmem:$0x5A00] =	vst v63  }
0x51: {  	_ =	swait.ge [sflag:s20], $0x1000  }
0x52: {  	[sflag:s20] =	ssyncset.done $0x0  }
0x53: {  	s30 =	sadd.s32 $0x280, s0;
	[sflag:s20] =	ssyncadd.s32 $0xFFFFF000  }
0x54: {  	[tilespmem:s9], [sflag:$0x2] =	stream.indirect.gather [hbm4b:s3+s7], $0x20, s30, s7, $0xb8;
	[tilespmem:$0x5A00] =	vst v63  }
0x55: {  	_ =	swait.ge [sflag:s25], $0x1000  }
0x56: {  	[sflag:s25] =	ssyncset.done $0x0  }
.Ltmp0:
0x57: {  	s30 =	sadd.s32 $0x300, s0;
	[sflag:s25] =	ssyncadd.s32 $0xFFFFF000;
	(pc) =	sbr.rel @p0 .LBB2_2-.Ltmp0, $4  }
0x58: {  	[tilespmem:s11], [sflag:$0x3] =	stream.indirect.gather [hbm4b:s3+s7], $0x20, s30, s7, $0xb8;
	[tilespmem:$0x5A00] =	vst v63  }
0x59: {  	_ =	swait.ge [sflag:s26], $0x1000  }
0x5a: {  	[sflag:s26] =	ssyncset.done $0x0  }
0x5b: {  	s30 =	sadd.s32 $0x380, s0;
	[sflag:s26] =	ssyncadd.s32 $0xFFFFF000  }
0x5c: {  	[tilespmem:s13], [sflag:$0x4] =	stream.indirect.gather [hbm4b:s3+s7], $0x20, s30, s7, $0xb8;
	[tilespmem:$0x5A00] =	vst v63  }
0x5d: {  	_ =	swait.ge [sflag:s14], $0x1000  }
0x5e: {  	[sflag:s14] =	ssyncset.done $0x0  }
0x5f: {  	[sflag:s14] =	ssyncadd.s32 $0xFFFFF000  }
0x60: {  	[hbm4b:s21+s1] =	stream.linear.scatter [tilespmem:s8], [sflag:$0x5], $0x1000, $0x38;
	[tilespmem:$0x5A00] =	vst v63  }
0x61: {  	_ =	swait.ge [sflag:s16], $0x1000  }
0x62: {  	[sflag:s16] =	ssyncset.done $0x0  }
0x63: {  	[sflag:s16] =	ssyncadd.s32 $0xFFFFF000  }
0x64: {  	[hbm4b:s22+s1] =	stream.linear.scatter [tilespmem:s9], [sflag:$0x6], $0x1000, $0x38;
	[tilespmem:$0x5A00] =	vst v63  }
0x65: {  	_ =	swait.ge [sflag:s17], $0x1000  }
0x66: {  	[sflag:s17] =	ssyncset.done $0x0  }
0x67: {  	[sflag:s17] =	ssyncadd.s32 $0xFFFFF000  }
0x68: {  	[hbm4b:s23+s1] =	stream.linear.scatter [tilespmem:s11], [sflag:$0x7], $0x1000, $0x38;
	[tilespmem:$0x5A00] =	vst v63  }
0x69: {  	_ =	swait.ge [sflag:s18], $0x1000  }
0x6a: {  	[sflag:s18] =	ssyncset.done $0x0  }
0x6b: {  	[sflag:s18] =	ssyncadd.s32 $0xFFFFF000  }
0x6c: {  	[hbm4b:s24+s1] =	stream.linear.scatter [tilespmem:s13], [sflag:$0x8], $0x1000, $0x38;
	[tilespmem:$0x5A00] =	vst v63  }
0x6d: {  	_ =	swait.ge [sflag:s19], $0x1000  }
0x6e: {  	[sflag:s19] =	ssyncset.done $0x0  }
0x6f: {  	[sflag:s19] =	ssyncadd.s32 $0xFFFFF000  }
0x70: {  	_ =	swait.ge [sflag:s20], $0x1000  }
0x71: {  	[sflag:s20] =	ssyncset.done $0x0  }
0x72: {  	s28 =	sadd.s32 $0x1, s28;
	[sflag:s20] =	ssyncadd.s32 $0xFFFFF000  }
0x73: {  	p0 =	sne.s32 s28, s5;
	_ =	swait.ge [sflag:s25], $0x1000  }
.Ltmp1:
0x74: {  	[sflag:s25] =	ssyncset.done $0x0;
	(pc) =	sbr.rel @p0 .LBB2_1-.Ltmp1, $4  }
0x75: {  	[sflag:s25] =	ssyncadd.s32 $0xFFFFF000  }
0x76: {  	_ =	swait.ge [sflag:s26], $0x1000  }
0x77: {  	[sflag:s26] =	ssyncset.done $0x0  }
0x78: {  	[sflag:s26] =	ssyncadd.s32 $0xFFFFF000  }
0x79: {  	_ =	sfence.sel $0x180000  }
0x7a: {  	[bflag:$0x0] =	sbarrier.arrive $0xFFFF  }
0x7b: {  	_ =	strace $0x9000004D  }
0x7c: {  	[bflag:$0x2] =	sbarrier.arrive $0xFFFF  }
0x7d: {  	p0 =	sne.s32 s2, $0x0;
	s0 =	rddreg [dreg:$0x1]  }
0x7e: {  	s0 =	sadd.s32 @!p0 $0x100000, s0  }
0x7f: {  	[sflag:s0] =	ssyncadd.tile.s32 @!p0 $0x1;
	_ =	shalt  }
.Lfunc_end2:
_tile_overlayer_lowered:
.L_overlay_start_2:
0x80: {  	(tag) =	ssettag $0x2  }
0x81: {  	s0 =	rddreg [dreg:$0x0];
	s2 =	stileid.u32  }
0x82: {  	s1 =	rddreg [dreg:$0x1];
	p0 =	sne.s32 s2, $0x0  }
0x83: {  	s3 =	rddreg [dreg:$0x2];
	[bflag:$0x3] =	sbarrier.arrive $0xFFFF;
	s2 =	simm.s32 @!p0 $0x1C09  }
0x84: {  	[timem:s3], [sflag:s2] =	dma.local @!p0 [hbm:s0], s1  }
0x85: {  	s0 =	simm.s32 @!p0 $0x9  }
0x86: {  	_ =	swait.ge @!p0 [sflag:s0], s1  }
0x87: {  	s1 =	ssub.s32 @!p0 $0x0, s1;
	[sflag:s0] =	ssyncset.done @!p0 $0x0  }
0x88: {  	[sflag:s0] =	ssyncadd.s32 @!p0 s1  }
0x89: {  	[bflag:$0x3] =	sbarrier.arrive $0xFFFF  }
0x8a: {  	_ =	shalt  }

// kernel: kernel.8.cloned.1.call-start
scs
__scs_entry_jumppad:
0x0: {  	(pc) =	sbr.rel $0x88, $3  }
0x1: {  	(tag) =	ssettag $0x0;
	lr =	simm.s32 $0x1  }
0x2: {  	[smem:$0x3F93] =	sst lr;
	_ =	strace $0xD0000000  }
0x3: {  	_ = 	snop  }
0x4: {  	_ = 	snop  }
0x5: {  	_ = 	snop  }
0x6: {  	_ = 	snop  }
0x7: {  	_ = 	snop  }
__scs_overlays_trampoline_lowered:
0x8: {  	[smem:$0x3FA2] =	sst s0  }
0x9: {  	[smem:$0x3FA3] =	sst s1  }
0xa: {  	[smem:$0x3FA4] =	sst s2  }
0xb: {  	[smem:$0x3FA5] =	sst s3  }
0xc: {  	[smem:$0x3FA6] =	sst s4  }
0xd: {  	[smem:$0x3FA7] =	sst s5  }
0xe: {  	[smem:$0x3FA8] =	sst s6  }
0xf: {  	[smem:$0x3FA9] =	sst s7  }
0x10: {  	[smem:$0x3FAA] =	sst s8  }
0x11: {  	[smem:$0x3FAB] =	sst s9;
	s0 =	simm.s32 @!p0 $0x0  }
0x12: {  	s1 =	sld [smem:$0x3F91];
	s0 =	simm.s32 @p0 $0x1  }
0x13: {  	[smem:$0x3FAC] =	sst s0;
	s0 =	simm.s32 @!p1 $0x0  }
0x14: {  	s2 =	sld [smem:$0x3F90];
	s0 =	simm.s32 @p1 $0x1  }
0x15: {  	[smem:$0x3FAD] =	sst s0;
	s0 =	simm.s32 @!p2 $0x0  }
0x16: {  	s3 =	sld [smem:$0x3FDB];
	s0 =	simm.s32 @p2 $0x1  }
0x17: {  	s4 =	simm.s32 $0x1BF5;
	[smem:$0x3FAF] =	sst s0  }
0x18: {  	s0 =	sld [smem:$0x3F92];
	_ =	swait.ge [sflag:s4], $0x0  }
0x19: {  	s7 =	sld [smem:$0x3F93]  }
0x1a: {  	s8 =	sadd.s32 $0xFFFFE003, lr  }
0x1b: {  	s9 =	sadd.s32 $0xFFFFFEF7, lr;
	s5 =	simm.s32 $0xFFFFFFFF;
	p2 =	slt.u32 s8, $0xFFFFF086  }
0x1c: {  	p1 =	slt.u32 s9, $0xF7A;
	s5 =	simm.s32 @!p2 $0x0  }
0x1d: {  	s5 =	simm.s32 @p1 $0x1;
	p0 =	seq.s32 s7, s2  }
0x1e: {  	s7 =	smul.u32 @!p0 $0xF7A, s2;
	p2 =	seq.s32 @!p0 s5, $0x0  }
0x1f: {  	s9 =	smul.u32 $0xF7A, s1;
	s8 =	simm.s32 @!p0 $0x1BF5;
	p2 =	por !p2, p0  }
0x20: {  	[sflag:s8] =	ssyncset.s32 @!p0 $0xFFFFF086;
	s6 =	sadd.s32 @!p0 s3, s7;
	s7 =	simm.s32 @!p0 $0x108  }
0x21: {  	s3 =	sadd.s32 s3, s9;
	s6 =	sadd.s32 @!p0 $0x88, s6;
	s7 =	simm.s32 @p2 $0x1082  }
0x22: {  	[simem:s7], [sflag:s8] =	dma.local @!p0 [hbm:s6], $0xF7A  }
0x23: {  	s9 =	sor.u32 $0xD0000000, s2;
	s6 =	simm.s32 $0x108;
	_ =	swait.ge @!p0 [sflag:s8], $0x0  }
0x24: {  	s3 =	sadd.s32 $0x88, s3;
	s6 =	simm.s32 @!p1 $0x1082;
	[sflag:s4] =	ssyncset.s32 $0xFFFFF086  }
0x25: {  	[simem:s6], [sflag:s4] =	dma.local [hbm:s3], $0xF7A  }
0x26: {  	[smem:$0x3F93] =	sst s1;
	(tag) =	ssettag s2;
	_ =	strace s9  }
0x27: {  	s1 =	sld [smem:$0x3FA3]  }
0x28: {  	s2 =	sld [smem:$0x3FA4]  }
0x29: {  	s4 =	sld [smem:$0x3FA6]  }
0x2a: {  	p0 =	seq.s32 s5, $0x0;
	s5 =	sld [smem:$0x3FA7]  }
0x2b: {  	s6 =	sld [smem:$0x3FA8]  }
0x2c: {  	s7 =	sld [smem:$0x3FA9]  }
0x2d: {  	s3 =	simm.s32 $0x108;
	s8 =	sld [smem:$0x3FAA]  }
0x2e: {  	s3 =	simm.s32 @!p0 $0x1082;
	s9 =	sld [smem:$0x3FAB]  }
0x2f: {  	lr =	sadd.s32 s0, s3;
	s0 =	sld [smem:$0x3FA2]  }
0x30: {  	s3 =	sld [smem:$0x3FA5]  }
0x31: {  	[smem:$0x3FAE] =	sst s10  }
0x32: {  	s10 =	sld [smem:$0x3FAC];
	_ =	sdelay $0x3  }
0x33: {  	p0 =	seq.s32 s10, $0x1;
	s10 =	sld [smem:$0x3FAE];
	_ =	sdelay $0x3  }
0x34: {  	[smem:$0x3FAE] =	sst s10  }
0x35: {  	s10 =	sld [smem:$0x3FAD];
	_ =	sdelay $0x3  }
0x36: {  	p1 =	seq.s32 s10, $0x1;
	s10 =	sld [smem:$0x3FAE];
	_ =	sdelay $0x3  }
0x37: {  	[smem:$0x3FAE] =	sst s10  }
0x38: {  	s10 =	sld [smem:$0x3FAF]  }
0x39: {  	_ = 	snop;
	(pc) =	sbr.ind lr, $3  }
0x3a: {  	_ = 	snop  }
0x3b: {  	_ = 	snop  }
0x3c: {  	p2 =	seq.s32 s10, $0x1;
	s10 =	sld [smem:$0x3FAE]  }
0x3d: {  	_ =	shalt  }
0x3e: {  	_ =	shalt  }
0x3f: {  	_ =	shalt  }
0x40: {  	_ =	shalt  }
0x41: {  	_ =	shalt  }
0x42: {  	_ =	shalt  }
0x43: {  	_ =	shalt  }
0x44: {  	_ =	shalt  }
0x45: {  	_ =	shalt  }
0x46: {  	_ =	shalt  }
0x47: {  	_ =	shalt  }
0x48: {  	_ =	shalt  }
0x49: {  	_ =	shalt  }
0x4a: {  	_ =	shalt  }
0x4b: {  	_ =	shalt  }
0x4c: {  	_ =	shalt  }
0x4d: {  	_ =	shalt  }
0x4e: {  	_ =	shalt  }
0x4f: {  	_ =	shalt  }
0x50: {  	_ =	shalt  }
0x51: {  	_ =	shalt  }
0x52: {  	_ =	shalt  }
0x53: {  	_ =	shalt  }
0x54: {  	_ =	shalt  }
0x55: {  	_ =	shalt  }
0x56: {  	_ =	shalt  }
0x57: {  	_ =	shalt  }
0x58: {  	_ =	shalt  }
0x59: {  	_ =	shalt  }
0x5a: {  	_ =	shalt  }
0x5b: {  	_ =	shalt  }
0x5c: {  	_ =	shalt  }
0x5d: {  	_ =	shalt  }
0x5e: {  	_ =	shalt  }
0x5f: {  	_ =	shalt  }
0x60: {  	_ =	shalt  }
0x61: {  	_ =	shalt  }
0x62: {  	_ =	shalt  }
0x63: {  	_ =	shalt  }
0x64: {  	_ =	shalt  }
0x65: {  	_ =	shalt  }
0x66: {  	_ =	shalt  }
0x67: {  	_ =	shalt  }
0x68: {  	_ =	shalt  }
0x69: {  	_ =	shalt  }
0x6a: {  	_ =	shalt  }
0x6b: {  	_ =	shalt  }
0x6c: {  	_ =	shalt  }
0x6d: {  	_ =	shalt  }
0x6e: {  	_ =	shalt  }
0x6f: {  	_ =	shalt  }
0x70: {  	_ =	shalt  }
0x71: {  	_ =	shalt  }
0x72: {  	_ =	shalt  }
0x73: {  	_ =	shalt  }
0x74: {  	_ =	shalt  }
0x75: {  	_ =	shalt  }
0x76: {  	_ =	shalt  }
0x77: {  	_ =	shalt  }
0x78: {  	_ =	shalt  }
0x79: {  	_ =	shalt  }
0x7a: {  	_ =	shalt  }
0x7b: {  	_ =	shalt  }
0x7c: {  	_ =	shalt  }
0x7d: {  	_ =	shalt  }
0x7e: {  	_ =	shalt  }
0x7f: {  	_ =	shalt  }
0x80: {  	_ =	shalt  }
0x81: {  	_ =	shalt  }
0x82: {  	_ =	shalt  }
0x83: {  	_ =	shalt  }
0x84: {  	_ =	shalt  }
0x85: {  	_ =	shalt  }
0x86: {  	_ =	shalt  }
0x87: {  	_ =	shalt  }
.Lfunc_end0:
.L_simem_size_0:
called_computation_lowered:
.L_overlay_start_0:
0x88: {  	s2 =	sld [smem:$0x3FD9]  }
0x89: {  	s3 =	sld [smem:$0x3FFE];
	_ =	sdelay $0x1  }
0x8a: {  	s1 =	srdreg.scid  }
0x8b: {  	s0 =	sand.u32 $0x1, s1  }
0x8c: {  	s17 =	sshll.u32 s0, $0xA;
	s2 =	sadd.s32 s3, s2  }
0x8d: {  	s2 =	sadd.s32 s2, s17  }
0x8e: {  	[smem:$0x3FBA] =	sst s2  }
0x8f: {  	_ = 	snop  }
0x90: {  	s2 =	sld [smem:$0x3FD0];
	(tm) =	ssettm $0x1  }
0x91: {  	s18 =	sld [smem:$0x3FFB];
	_ =	sdelay $0x3  }
0x92: {  	_ =	strace s18  }
0x93: {  	s3 =	sld [smem:$0x3FFC];
	_ =	sdelay $0x3  }
0x94: {  	_ =	strace s3  }
0x95: {  	s3 =	sld [smem:$0x3FFD];
	_ =	sdelay $0x3  }
0x96: {  	_ =	strace s3  }
0x97: {  	_ =	strace $0x8FFFFFFF  }
0x98: {  	s19 =	sld [smem:$0x3FDB];
	_ =	sdelay $0x1  }
0x99: {  	s4 =	simm.s32 $_scs_section_size  }
0x9a: {  	s5 =	simm.s32 $_size__tile_overlayer_lowered;
	s6 =	simm.s32 $_tile_overlayer_lowered  }
0x9b: {  	s22 =	simm.s32 $0x1BFF;
	s21 =	sshll.u32 s6, $0x1;
	s3 =	sadd.s32 s4, s19  }
0x9c: {  	s7 =	simm.s32 $0x0;
	s20 =	sshll.u32 s5, $0x1;
	s5 =	sadd.s32 s21, s3  }
0x9d: {  	[timem:s7], [sflag:s22] =	dma.local [hbm:s5], s20  }
0x9e: {  	_ =	swait.ge [sflag:s22], s20  }
0x9f: {  	s4 =	ssub.s32 $0x0, s20;
	[sflag:s22] =	ssyncset.done $0x0  }
0xa0: {  	[sflag:s22] =	ssyncadd.s32 s4;
	_ =	sdelay $0x1  }
0xa1: {  	s23 =	simm.s32 $0x1B8B  }
0xa2: {  	_ =	swait.ge [sflag:s23], $0x1  }
0xa3: {  	[sflag:s23] =	ssyncset.done $0x0  }
0xa4: {  	s25 =	simm.s32 $0x1B8E;
	s24 =	sld [smem:$0x3FFE];
	[sflag:s23] =	ssyncadd.s32 $0xFFFFFFFF  }
0xa5: {  	s26 =	simm.s32 $execute0_lowered;
	[smem:$0x3FD2] =	sst s25  }
0xa6: {  	s5 =	sshll.u32 s26, $0x1;
	_ =	strace $0x80000046;
	[dreg:$0x1] =	wrdreg $0xFFFFFFFF  }
0xa7: {  	s28 =	simm.s32 $_size_execute0_lowered;
	s3 =	sadd.s32 s3, s5;
	[dreg:$0x0] =	wrdreg $0x0  }
0xa8: {  	s5 =	sshll.u32 s28, $0x1;
	[dreg:$0x2] =	wrdreg s3  }
0xa9: {  	[dreg:$0x3] =	wrdreg s5  }
0xaa: {  	[dreg:$0x4] =	wrdreg $0xC0  }
0xab: {  	_ =	task [dreg:s7], $0x5FFFF  }
0xac: {  	[dreg:$0x1] =	wrdreg $0xFFFFFFFF  }
0xad: {  	[dreg:$0x0] =	wrdreg $0x60  }
0xae: {  	[dreg:$0x2] =	wrdreg s24  }
0xaf: {  	[dreg:$0x3] =	wrdreg s2  }
0xb0: {  	[dreg:$0x4] =	wrdreg $0xA4000  }
0xb1: {  	[dreg:$0x5] =	wrdreg $0x9  }
0xb2: {  	_ =	task.clear_ibuf [dreg:s7], $0x6FFFF;
	_ =	strace $0x90000046  }
0xb3: {  	s29 =	simm.s32 $0x9;
	_ =	strace $0x80000048  }
0xb4: {  	_ =	swait.ge [sflag:s29], $0x1  }
0xb5: {  	[sflag:s29] =	ssyncadd.s32 $0xFFFFFFFF  }
0xb6: {  	_ =	strace $0x90000048  }
0xb7: {  	_ =	sfence  }
0xb8: {  	s30 =	sld [smem:$0x0];
	_ =	sdelay $0x2  }
0xb9: {  	s31 =	sshll.u32 s1, $0xD;
	s1 =	sshrl.u32 s1, $0x2  }
0xba: {  	s3 =	sand.u32 $0x4000, s31;
	s1 =	sadd.s32 s1, s30  }
0xbb: {  	s0 =	sor.u32 s3, s0;
	s1 =	sshll.u32 s1, $0x11  }
0xbc: {  	s0 =	sor.u32 s1, s0  }
0xbd: {  	s0 =	sadd.s32 $0x8F2B, s0  }
0xbe: {  	[sflag:s0] =	ssyncadd.remote.s32 $0x1  }
0xbf: {  	_ =	sfence.sel $0xFFFF  }
0xc0: {  	[dreg:$0x0] =	wrdreg $0xFFFFFFFF;
	(pc) =	sbr.abs _section_cstart, $3  }
0xc1: {  	[dreg:$0x1] =	wrdreg $0xFFFFFFFF  }
0xc2: {  	_ =	task.clear_ibuf [dreg:s7], $0x2FFFF;
	_ =	strace $0x9FFFFFFF  }
0xc3: {  	(tm) =	ssettm $0x7FFFFFFF  }
tec
execute0_lowered:
.L_overlay_start_1:
0x0: {  	(tag) =	ssettag $0x1  }
0x1: {  	s0 =	rddreg [dreg:$0x0]  }
0x2: {  	s2 =	rddreg [dreg:$0x2];
	s1 =	srdreg.scid;
	s3 =	simm.s32 $0x0  }
0x3: {  	s8 =	stileid.u32;
	s17 =	simm.s32 $0x9;
	s19 =	simm.s32 $0x200  }
0x4: {  	s28 =	simm.s32 $0x380;
	s29 =	simm.s32 $0x5;
	s30 =	simm.s32 $0x400  }
0x5: {  	s31 =	simm.s32 $0x6;
	s1 =	sand.u32 $0x1, s1;
	s11 =	smul.u32 $0xC800, s8  }
0x6: {  	[smem:$0x7FF] =	sst s3;
	s5 =	sadd.s32 $0xC800, s0;
	s20 =	smul.u32 $0xA00, s8  }
0x7: {  	s10 =	sadd.s32 $0x3E800, s0;
	s21 =	sshll.u32 s8, $0x6;
	s4 =	smul.u32 $0xA000, s1  }
0x8: {  	_ =	strace $0x80000047;
	s6 =	smul.u32 $0x19000, s1;
	s1 =	ssub.s32 $0x2, s1  }
0x9: {  	s7 =	sshrl.u32 s1, $0x1;
	s12 =	sadd.s32 s11, s2;
	s9 =	sadd.s32 s10, s20  }
0xa: {  	s23 =	sor.u32 $0x10, s20;
	s13 =	sor.u32 $0x20, s20;
	s14 =	sor.u32 $0x30, s20  }
0xb: {  	s24 =	sshrl.u32 s11, $0x3;
	[dreg:$0x4] =	wrdreg s20;
	s11 =	simm.s32 $0x0  }
0xc: {  	s4 =	sadd.s32 s4, s0;
	s0 =	sadd.s32 s6, s0;
	[dreg:$0x7] =	wrdreg s13  }
0xd: {  	s1 =	ssub.s32 s1, s7;
	s15 =	sadd.s32 s10, s23;
	[dreg:$0x8] =	wrdreg s14  }
0xe: {  	s7 =	sor.u32 $0x1C09, s21;
	s13 =	sadd.s32 s10, s13;
	[dreg:$0x9] =	wrdreg s15  }
0xf: {  	s10 =	sadd.s32 s10, s14;
	s21 =	simm.s32 $0x80;
	[dreg:$0xa] =	wrdreg s13  }
0x10: {  	s14 =	simm.s32 $0x3;
	s22 =	sadd.s32 $0x48800, s4;
	[dreg:$0xb] =	wrdreg s10  }
0x11: {  	s0 =	sadd.s32 $0x5C800, s0;
	s1 =	smax.u32 s1, $0x1;
	[dreg:$0x5] =	wrdreg s7  }
0x12: {  	s15 =	sshrl.u32 s12, $0x3;
	s4 =	simm.s32 $0x7;
	[dreg:$0xc] =	wrdreg s1  }
0x13: {  	s12 =	simm.s32 $0x7C00;
	s13 =	simm.s32 $0x1;
	[dreg:$0x6] =	wrdreg s22  }
.Ltmp0:
0x14: {  	s25 =	sadd.s32 s20, s22;
	[dreg:$0xd] =	wrdreg s15;
	(pc) =	sbr.rel .LBB2_1-.Ltmp0, $4  }
0x15: {  	s10 =	simm.s32 $0x4;
	s26 =	sadd.s32 s23, s22;
	[dreg:$0xe] =	wrdreg s25  }
0x16: {  	s23 =	simm.s32 $0x100;
	s0 =	sadd.s32 s24, s0;
	[dreg:$0xf] =	wrdreg s26  }
0x17: {  	s1 =	simm.s32 $0x5400;
	s22 =	simm.s32 $0x8;
	[dreg:$0x10] =	wrdreg s0  }
0x18: {  	s25 =	simm.s32 $0x300;
	s26 =	simm.s32 $0x180;
	s0 =	simm.s32 $0x2C00  }
.LBB2_3:
0x19: {  	_ =	swait.ge [sflag:s10], $0x2800  }
0x1a: {  	[sflag:s10] =	ssyncset.done $0x0  }
0x1b: {  	[sflag:s10] =	ssyncadd.s32 $0xFFFFD800  }
0x1c: {  	[spmem:s2] =	stream.indirect.scatter.add.f32 [tilespmem:s12], [sflag:$0x9], $0x50, s28, s21, $0xb8;
	[tilespmem:$0x16C00] =	vst v63  }
0x1d: {  	_ =	swait.ge [sflag:s17], $0x2800  }
0x1e: {  	[sflag:s17] =	ssyncset.done $0x0  }
0x1f: {  	[sflag:s17] =	ssyncadd.s32 $0xFFFFD800  }
.LBB2_5:
0x20: {  	[bflag:$0x0] =	sbarrier.arrive $0xFFFF  }
0x21: {  	s7 =	rddreg [dreg:$0x5]  }
0x22: {  	s15 =	rddreg [dreg:$0xd]  }
0x23: {  	s6 =	rddreg [dreg:$0x10]  }
0x24: {  	[hbm:s6], [sflag:s7] =	dma.local [spmem:s15], $0x1900  }
0x25: {  	_ =	swait.ge [sflag:s17], $0x1900  }
0x26: {  	s11 =	sadd.s32 $0x1, s11;
	s24 =	rddreg [dreg:$0xc]  }
0x27: {  	p0 =	sne.s32 s11, s24  }
.Ltmp1:
0x28: {  	_ = 	snop;
	(pc) =	sbr.rel @!p0 .LBB2_6-.Ltmp1, $3  }
0x29: {  	_ =	sdelay $0x1  }
0x2a: {  	[sflag:s17] =	ssyncset.done $0x0  }
0x2b: {  	[sflag:s17] =	ssyncadd.s32 $0xFFFFE700  }
.LBB2_1:
0x2c: {  	s6 =	rddreg [dreg:$0x1]  }
0x2d: {  	[spmem:s15], [sflag:s7] =	dma.local [hbm:s6], $0x1900  }
0x2e: {  	_ =	swait.ge [sflag:s17], $0x1900  }
0x2f: {  	[sflag:s17] =	ssyncset.done $0x0  }
0x30: {  	[sflag:s17] =	ssyncadd.s32 $0xFFFFE700  }
0x31: {  	[bflag:$0x0] =	sbarrier.arrive $0xFFFF  }
0x32: {  	s15 =	rddreg [dreg:$0xe]  }
0x33: {  	s16 =	rddreg [dreg:$0xf]  }
0x34: {  	[tilespmem:s3], [sflag:$0x5] =	stream.linear.gather [hbm4b:s15+s3], $0x80, $0x38;
	[tilespmem:$0x16C00] =	vst v63  }
0x35: {  	s18 =	rddreg [dreg:$0x9]  }
0x36: {  	[tilespmem:s19], [sflag:$0x5] =	stream.linear.gather [hbm4b:s9+s3], $0x80, $0x38;
	[tilespmem:$0x16C00] =	vst v63  }
0x37: {  	s7 =	rddreg [dreg:$0x6]  }
0x38: {  	[tilespmem:s21], [sflag:$0x6] =	stream.linear.gather [hbm4b:s16+s3], $0x80, $0x38;
	[tilespmem:$0x16C00] =	vst v63  }
0x39: {  	s20 =	simm.s32 $0x280;
	s24 =	rddreg [dreg:$0x7]  }
0x3a: {  	[tilespmem:s20], [sflag:$0x6] =	stream.linear.gather [hbm4b:s18+s3], $0x80, $0x38;
	[tilespmem:$0x16C00] =	vst v63  }
0x3b: {  	s8 =	sadd.s32 s24, s7;
	s15 =	rddreg [dreg:$0xa]  }
0x3c: {  	[tilespmem:s23], [sflag:$0x7] =	stream.linear.gather [hbm4b:s8+s3], $0x80, $0x38;
	[tilespmem:$0x16C00] =	vst v63  }
0x3d: {  	s16 =	rddreg [dreg:$0x8]  }
0x3e: {  	[tilespmem:s25], [sflag:$0x7] =	stream.linear.gather [hbm4b:s15+s3], $0x80, $0x38;
	[tilespmem:$0x16C00] =	vst v63  }
0x3f: {  	s24 =	rddreg [dreg:$0x4];
	s18 =	sadd.s32 s16, s7  }
0x40: {  	[tilespmem:s26], [sflag:$0x8] =	stream.linear.gather [hbm4b:s18+s3], $0x80, $0x38;
	[tilespmem:$0x16C00] =	vst v63  }
0x41: {  	s20 =	rddreg [dreg:$0xb];
	s15 =	sadd.s32 s7, s24;
	s18 =	simm.s32 $0x0  }
0x42: {  	[tilespmem:s28], [sflag:$0x8] =	stream.linear.gather [hbm4b:s20+s3], $0x80, $0x38;
	[tilespmem:$0x16C00] =	vst v63  }
.LBB2_2:
0x43: {  	_ =	swait.ge [sflag:s29], $0x80  }
0x44: {  	[sflag:s29] =	ssyncset.done $0x0  }
0x45: {  	[sflag:s29] =	ssyncadd.s32 $0xFFFFFF80  }
0x46: {  	_ =	swait.ge [sflag:s29], $0x80  }
0x47: {  	[sflag:s29] =	ssyncset.done $0x0  }
0x48: {  	[sflag:s29] =	ssyncadd.s32 $0xFFFFFF80  }
0x49: {  	[tilespmem:s30], [sflag:$0x1] =	stream.indirect.gather [hbm4b:s5+s21], $0x50, s3, s21, $0xb8;
	[tilespmem:$0x16C00] =	vst v63  }
0x4a: {  	_ =	swait.ge [sflag:s31], $0x80  }
0x4b: {  	[sflag:s31] =	ssyncset.done $0x0  }
0x4c: {  	[sflag:s31] =	ssyncadd.s32 $0xFFFFFF80  }
0x4d: {  	_ =	swait.ge [sflag:s31], $0x80  }
0x4e: {  	[sflag:s31] =	ssyncset.done $0x0  }
0x4f: {  	[sflag:s31] =	ssyncadd.s32 $0xFFFFFF80  }
0x50: {  	[tilespmem:s0], [sflag:$0x2] =	stream.indirect.gather [hbm4b:s5+s21], $0x50, s21, s21, $0xb8;
	[tilespmem:$0x16C00] =	vst v63  }
0x51: {  	_ =	swait.ge [sflag:s4], $0x80  }
0x52: {  	[sflag:s4] =	ssyncset.done $0x0  }
0x53: {  	[sflag:s4] =	ssyncadd.s32 $0xFFFFFF80  }
0x54: {  	_ =	swait.ge [sflag:s4], $0x80  }
0x55: {  	[sflag:s4] =	ssyncset.done $0x0  }
0x56: {  	[sflag:s4] =	ssyncadd.s32 $0xFFFFFF80  }
0x57: {  	[tilespmem:s1], [sflag:$0x3] =	stream.indirect.gather [hbm4b:s5+s21], $0x50, s23, s21, $0xb8;
	[tilespmem:$0x16C00] =	vst v63  }
0x58: {  	_ =	swait.ge [sflag:s22], $0x80  }
0x59: {  	[sflag:s22] =	ssyncset.done $0x0  }
0x5a: {  	[sflag:s22] =	ssyncadd.s32 $0xFFFFFF80  }
0x5b: {  	_ =	swait.ge [sflag:s22], $0x80  }
0x5c: {  	[sflag:s22] =	ssyncset.done $0x0  }
0x5d: {  	[sflag:s22] =	ssyncadd.s32 $0xFFFFFF80  }
0x5e: {  	[tilespmem:s12], [sflag:$0x4] =	stream.indirect.gather [hbm4b:s5+s21], $0x50, s26, s21, $0xb8;
	[tilespmem:$0x16C00] =	vst v63  }
0x5f: {  	_ =	swait.ge [sflag:s13], $0x2800  }
0x60: {  	[sflag:s13] =	ssyncset.done $0x0  }
0x61: {  	[sflag:s13] =	ssyncadd.s32 $0xFFFFD800  }
0x62: {  	[spmem:s2] =	stream.indirect.scatter.add.f32 [tilespmem:s30], [sflag:$0x9], $0x50, s19, s21, $0xb8;
	[tilespmem:$0x16C00] =	vst v63  }
0x63: {  	_ =	swait.ge [sflag:s17], $0x2800  }
0x64: {  	p0 =	seq.s32 s18, $0x9C0;
	[sflag:s17] =	ssyncset.done $0x0  }
0x65: {  	s20 =	simm.s32 @p0 $0x2;
	[sflag:s17] =	ssyncadd.s32 $0xFFFFD800  }
0x66: {  	_ =	swait.ge @p0 [sflag:s20], $0x2800  }
0x67: {  	s24 =	simm.s32 @p0 $0x280;
	[sflag:s20] =	ssyncset.done @p0 $0x0  }
0x68: {  	s6 =	simm.s32 @p0 $0x2C00;
	[sflag:s20] =	ssyncadd.s32 @p0 $0xFFFFD800;
	s20 =	simm.s32 @p0 $0x80  }
0x69: {  	[spmem:s2] =	stream.indirect.scatter.add.f32 @p0 [tilespmem:s6], [sflag:$0x9], $0x50, s24, s20, $0xb8;
	[tilespmem:$0x16C00] =	vst v63  }
0x6a: {  	s6 =	simm.s32 @p0 $0x9  }
0x6b: {  	_ =	swait.ge @p0 [sflag:s6], $0x2800  }
0x6c: {  	s20 =	sadd.s32 @!p0 s18, s15;
	[sflag:s6] =	ssyncset.done @p0 $0x0  }
0x6d: {  	s24 =	simm.s32 @!p0 $0x0;
	[sflag:s6] =	ssyncadd.s32 @p0 $0xFFFFD800;
	s6 =	sadd.s32 @!p0 $0x40, s20  }
0x6e: {  	[tilespmem:s24], [sflag:$0x5] =	stream.linear.gather @!p0 [hbm4b:s6+s24], $0x80, $0x38;
	[tilespmem:$0x16C00] =	vst v63  }
0x6f: {  	s6 =	sadd.s32 @!p0 s18, s9  }
0x70: {  	s16 =	simm.s32 @!p0 $0x200;
	s7 =	sadd.s32 @!p0 $0x40, s6  }
0x71: {  	[tilespmem:s16], [sflag:$0x5] =	stream.linear.gather @!p0 [hbm4b:s7+s24], $0x80, $0x38;
	[tilespmem:$0x16C00] =	vst v63  }
0x72: {  	s7 =	simm.s32 @!p0 $0x2  }
0x73: {  	_ =	swait.ge @!p0 [sflag:s7], $0x2800  }
0x74: {  	s8 =	simm.s32 @!p0 $0x2C00;
	[sflag:s7] =	ssyncset.done @!p0 $0x0  }
0x75: {  	s16 =	simm.s32 @!p0 $0x280;
	[sflag:s7] =	ssyncadd.s32 @!p0 $0xFFFFD800;
	s7 =	simm.s32 @!p0 $0x80  }
0x76: {  	[spmem:s2] =	stream.indirect.scatter.add.f32 @!p0 [tilespmem:s8], [sflag:$0x9], $0x50, s16, s7, $0xb8;
	[tilespmem:$0x16C00] =	vst v63  }
0x77: {  	s8 =	simm.s32 @!p0 $0x9  }
0x78: {  	_ =	swait.ge @!p0 [sflag:s8], $0x2800  }
0x79: {  	[sflag:s8] =	ssyncset.done @!p0 $0x0  }
0x7a: {  	[sflag:s8] =	ssyncadd.s32 @!p0 $0xFFFFD800;
	s8 =	sadd.s32 @!p0 $0x50, s20  }
0x7b: {  	[tilespmem:s7], [sflag:$0x6] =	stream.linear.gather @!p0 [hbm4b:s8+s24], $0x80, $0x38;
	[tilespmem:$0x16C00] =	vst v63  }
0x7c: {  	s6 =	sadd.s32 @!p0 $0x50, s6  }
0x7d: {  	[tilespmem:s16], [sflag:$0x6] =	stream.linear.gather @!p0 [hbm4b:s6+s24], $0x80, $0x38;
	[tilespmem:$0x16C00] =	vst v63  }
0x7e: {  	_ =	swait.ge [sflag:s14], $0x2800  }
0x7f: {  	p0 =	sne.s32 s18, $0x9C0;
	[sflag:s14] =	ssyncset.done $0x0  }
.Ltmp2:
0x80: {  	[sflag:s14] =	ssyncadd.s32 $0xFFFFD800;
	(pc) =	sbr.rel @!p0 .LBB2_3-.Ltmp2, $4  }
0x81: {  	[spmem:s2] =	stream.indirect.scatter.add.f32 [tilespmem:s1], [sflag:$0x9], $0x50, s25, s21, $0xb8;
	[tilespmem:$0x16C00] =	vst v63  }
0x82: {  	_ =	swait.ge [sflag:s17], $0x2800  }
0x83: {  	[sflag:s17] =	ssyncset.done $0x0  }
0x84: {  	[sflag:s17] =	ssyncadd.s32 $0xFFFFD800  }
0x85: {  	s6 =	sadd.s32 s18, s15  }
0x86: {  	s20 =	sadd.s32 s18, s9;
	s7 =	sadd.s32 $0x60, s6  }
0x87: {  	[tilespmem:s23], [sflag:$0x7] =	stream.linear.gather [hbm4b:s7+s3], $0x80, $0x38;
	[tilespmem:$0x16C00] =	vst v63  }
0x88: {  	s8 =	sadd.s32 $0x60, s20  }
0x89: {  	[tilespmem:s25], [sflag:$0x7] =	stream.linear.gather [hbm4b:s8+s3], $0x80, $0x38;
	[tilespmem:$0x16C00] =	vst v63  }
0x8a: {  	_ =	swait.ge [sflag:s10], $0x2800  }
0x8b: {  	[sflag:s10] =	ssyncset.done $0x0  }
0x8c: {  	s18 =	sadd.s32 $0x40, s18;
	[sflag:s10] =	ssyncadd.s32 $0xFFFFD800  }
0x8d: {  	[spmem:s2] =	stream.indirect.scatter.add.f32 [tilespmem:s12], [sflag:$0x9], $0x50, s28, s21, $0xb8;
	[tilespmem:$0x16C00] =	vst v63  }
0x8e: {  	p0 =	sne.s32 s18, $0xA00;
	_ =	swait.ge [sflag:s17], $0x2800  }
.Ltmp3:
0x8f: {  	[sflag:s17] =	ssyncset.done $0x0;
	(pc) =	sbr.rel @p0 .LBB2_2-.Ltmp3, $4  }
.Ltmp4:
0x90: {  	s6 =	sadd.s32 $0x70, s6;
	[sflag:s17] =	ssyncadd.s32 $0xFFFFD800;
	(pc) =	sbr.rel @!p0 .LBB2_5-.Ltmp4, $4  }
0x91: {  	[tilespmem:s26], [sflag:$0x8] =	stream.linear.gather [hbm4b:s6+s3], $0x80, $0x38;
	[tilespmem:$0x16C00] =	vst v63  }
0x92: {  	s24 =	sadd.s32 $0x70, s20  }
0x93: {  	[tilespmem:s28], [sflag:$0x8] =	stream.linear.gather [hbm4b:s24+s3], $0x80, $0x38;
	[tilespmem:$0x16C00] =	vst v63  }
0x94: {  	_ = 	snop  }
.LBB2_6:
0x95: {  	_ =	sfence.sel $0x180000  }
0x96: {  	[bflag:$0x0] =	sbarrier.arrive $0xFFFF  }
0x97: {  	_ =	strace $0x90000047  }
0x98: {  	s0 =	stileid.u32;
	[bflag:$0x2] =	sbarrier.arrive $0xFFFF  }
0x99: {  	p0 =	sne.s32 s0, $0x0;
	s0 =	rddreg [dreg:$0x3]  }
0x9a: {  	s0 =	sadd.s32 @!p0 $0x100000, s0  }
0x9b: {  	[sflag:s0] =	ssyncadd.tile.s32 @!p0 $0x1;
	_ =	shalt  }
.Lfunc_end2:
_tile_overlayer_lowered:
.L_overlay_start_2:
0x9c: {  	(tag) =	ssettag $0x2  }
0x9d: {  	s0 =	rddreg [dreg:$0x0];
	s2 =	stileid.u32  }
0x9e: {  	s1 =	rddreg [dreg:$0x1];
	p0 =	sne.s32 s2, $0x0  }
0x9f: {  	s3 =	rddreg [dreg:$0x2];
	[bflag:$0x3] =	sbarrier.arrive $0xFFFF;
	s2 =	simm.s32 @!p0 $0x1C09  }
0xa0: {  	[timem:s3], [sflag:s2] =	dma.local @!p0 [hbm:s0], s1  }
0xa1: {  	s0 =	simm.s32 @!p0 $0x9  }
0xa2: {  	_ =	swait.ge @!p0 [sflag:s0], s1  }
0xa3: {  	s1 =	ssub.s32 @!p0 $0x0, s1;
	[sflag:s0] =	ssyncset.done @!p0 $0x0  }
0xa4: {  	[sflag:s0] =	ssyncadd.s32 @!p0 s1  }
0xa5: {  	[bflag:$0x3] =	sbarrier.arrive $0xFFFF  }
0xa6: {  	_ =	shalt  }

</sc_bundles>
